<compile_context>
chip_gen: v7x
topology: tpu7x:2x2x1
jax: 0.10.2.dev20260603
libtpu: 0.0.44.dev20260713+nightly
codegen_flags: <defaults>
</compile_context>

<pallas_src>
import functools

import jax
import jax.numpy as jnp
from jax import lax
from jax.experimental import pallas as pl
from jax.experimental.pallas import tpu as pltpu
from jax.experimental.pallas import tpu_sc as plsc

N = 10000
E = 320000
D = 128
H = 128
C = 40

NC = 2
NS = 16
NW = NC * NS

NP = 10112
NPAD = NP - N
KMAX = 128
EPW = -(-E // (NW * KMAX)) * KMAX
EP = EPW * NW
RPS = NP // NS
DEGW = 16


K = 128
NBLK = EPW // K

_Z_CHUNKS = [(t * K, K) for t in range(RPS // K)]
if RPS % K:
  _Z_CHUNKS.append((RPS - RPS % K, RPS % K))


def _mesh():
  return plsc.VectorSubcoreMesh(
      core_axis_name="c", subcore_axis_name="s", num_cores=NC, num_subcores=NS)


@functools.lru_cache(maxsize=None)
def _make_sc_segsum():
  scratch = [
      pltpu.VMEM((K,), jnp.int32),
      pltpu.VMEM((K,), jnp.int32),
      pltpu.VMEM((K, H), jnp.float32),
      pltpu.VMEM_SHARED((NP, H), jnp.float32),
      pltpu.SemaphoreType.DMA,
  ]

  def body(h_hbm, src_hbm, dst_hbm, out_hbm, sidx, didx, rows, acc, gsem):
    cid = lax.axis_index("c")
    sid = lax.axis_index("s")
    wid = sid * NC + cid

    zero16 = jnp.zeros((16,), jnp.float32)

    def zrow(r, carry):
      for j in range(H // 16):
        rows[r, pl.ds(j * 16, 16)] = zero16
      return carry

    lax.fori_loop(0, K, zrow, 0)
    for off, sz in _Z_CHUNKS:
      pltpu.sync_copy(rows.at[pl.ds(0, sz)],
                      acc.at[pl.ds(sid * RPS + off, sz)])

    plsc.subcore_barrier()

    def eblk(j, carry):
      off = wid * EPW + j * K
      pltpu.sync_copy(src_hbm.at[pl.ds(off, K)], sidx)
      pltpu.sync_copy(dst_hbm.at[pl.ds(off, K)], didx)
      pltpu.async_copy(h_hbm.at[sidx], rows, gsem).wait()
      pltpu.sync_copy(rows, acc.at[didx], add=True)
      return carry

    lax.fori_loop(0, NBLK, eblk, 0)

    plsc.subcore_barrier()

    pltpu.sync_copy(acc.at[pl.ds(sid * RPS, RPS)],
                    out_hbm.at[cid, pl.ds(sid * RPS, RPS)])

  return pl.kernel(
      body, out_type=[jax.ShapeDtypeStruct((NC, NP, H), jnp.float32)],
      mesh=_mesh(), scratch_types=scratch)




@functools.lru_cache(maxsize=None)
def _make_sc_degree():
  scratch = [
      pltpu.VMEM((K,), jnp.int32),
      pltpu.VMEM((K, H), jnp.float32),
      pltpu.VMEM_SHARED((NP, H), jnp.float32),
  ]

  def body(dst_hbm, out_hbm, didx, rows, acc):
    cid = lax.axis_index("c")
    sid = lax.axis_index("s")
    wid = sid * NC + cid
    zero16 = jnp.zeros((16,), jnp.float32)
    one16 = jnp.ones((16,), jnp.float32)

    def zrow(r, carry):
      for j in range(H // 16):
        rows[r, pl.ds(j * 16, 16)] = zero16
      return carry

    lax.fori_loop(0, K, zrow, 0)
    for off, sz in _Z_CHUNKS:
      pltpu.sync_copy(rows.at[pl.ds(0, sz)],
                      acc.at[pl.ds(sid * RPS + off, sz)])

    def frow(r, carry):
      for j in range(H // 16):
        rows[r, pl.ds(j * 16, 16)] = one16
      return carry

    lax.fori_loop(0, K, frow, 0)
    plsc.subcore_barrier()

    def eblk(j, carry):
      off = wid * EPW + j * K
      pltpu.sync_copy(dst_hbm.at[pl.ds(off, K)], didx)
      pltpu.sync_copy(rows, acc.at[didx], add=True)
      return carry

    lax.fori_loop(0, NBLK, eblk, 0)
    plsc.subcore_barrier()
    pltpu.sync_copy(acc.at[pl.ds(sid * RPS, RPS)],
                    out_hbm.at[cid, pl.ds(sid * RPS, RPS)])

  return pl.kernel(
      body, out_type=[jax.ShapeDtypeStruct((NC, NP, H), jnp.float32)],
      mesh=_mesh(), scratch_types=scratch)


def _tc_pre(x, W0, b0):
  def body(x_ref, w_ref, b_ref, o_ref):
    h = jnp.dot(x_ref[...], w_ref[...],
                preferred_element_type=jnp.float32) + b_ref[...]
    o_ref[0:N, :] = h
    o_ref[N:NP, :] = jnp.zeros((NPAD, H), jnp.float32)

  return pl.pallas_call(
      body,
      out_shape=jax.ShapeDtypeStruct((NP, H), jnp.float32),
  )(x, W0, b0.reshape(1, H))


def _layer_compute(p, d, h, wl, bl, wr, g, be):
  deg = jnp.maximum(d[0, :, 0:1] + d[1, :, 0:1], 1.0)
  agg = (p[0] + p[1]) / deg
  z = (jnp.dot(agg, wl, preferred_element_type=jnp.float32) + bl
       + jnp.dot(h, wr, preferred_element_type=jnp.float32))
  zv = z[0:N, :]
  mu = jnp.mean(zv, axis=0, keepdims=True)
  var = jnp.mean((zv - mu) ** 2, axis=0, keepdims=True)
  hn = (z - mu) * lax.rsqrt(var + 1e-5) * g + be
  return jnp.maximum(hn, 0.0)


def _tc_layer(p, dcnt, h, Wl, bl, Wr, g, be):
  def body(p_ref, d_ref, h_ref, wl_ref, bl_ref, wr_ref, g_ref, be_ref, o_ref):
    o_ref[...] = _layer_compute(p_ref[...], d_ref[...], h_ref[...],
                                wl_ref[...], bl_ref[...], wr_ref[...],
                                g_ref[...], be_ref[...])

  return pl.pallas_call(
      body,
      out_shape=jax.ShapeDtypeStruct((NP, H), jnp.float32),
  )(p, dcnt, h, Wl, bl.reshape(1, H), Wr, g.reshape(1, H), be.reshape(1, H))


def _tc_final(p, dcnt, h, Wl, bl, Wr, g, be, Wc, bc):
  def body(p_ref, d_ref, h_ref, wl_ref, bl_ref, wr_ref, g_ref, be_ref,
           wc_ref, bc_ref, o_ref):
    hn = _layer_compute(p_ref[...], d_ref[...], h_ref[...],
                        wl_ref[...], bl_ref[...], wr_ref[...],
                        g_ref[...], be_ref[...])
    logits = jnp.dot(hn[0:N, :], wc_ref[...],
                     preferred_element_type=jnp.float32) + bc_ref[...]
    m = jnp.max(logits, axis=-1, keepdims=True)
    e = jnp.exp(logits - m)
    o_ref[...] = e / jnp.sum(e, axis=-1, keepdims=True)

  return pl.pallas_call(
      body,
      out_shape=jax.ShapeDtypeStruct((N, C), jnp.float32),
  )(p, dcnt, h, Wl, bl.reshape(1, H), Wr, g.reshape(1, H), be.reshape(1, H),
    Wc, bc.reshape(1, C))


def kernel(x, edge_index, W0, b0, Wl1, bl1, Wr1, g1, be1, Wl2, bl2, Wr2, g2,
           be2, Wl3, bl3, Wr3, g3, be3, Wc, bc):
  src = edge_index[0].astype(jnp.int32)
  dst = edge_index[1].astype(jnp.int32)
  pad_ids = (jnp.arange(EP - E, dtype=jnp.int32) % NPAD) + N
  srcp = jnp.concatenate([src, pad_ids])
  dstp = jnp.concatenate([dst, pad_ids])

  h0 = _tc_pre(x, W0, b0)
  (dcnt,) = _make_sc_degree()(dstp)
  (p1,) = _make_sc_segsum()(h0, srcp, dstp)
  h1 = _tc_layer(p1, dcnt, h0, Wl1, bl1, Wr1, g1, be1)
  (p2,) = _make_sc_segsum()(h1, srcp, dstp)
  h2 = _tc_layer(p2, dcnt, h1, Wl2, bl2, Wr2, g2, be2)
  (p3,) = _make_sc_segsum()(h2, srcp, dstp)
  return _tc_final(p3, dcnt, h2, Wl3, bl3, Wr3, g3, be3, Wc, bc)

# --- scband reference (transcript-rebuilt; emitter-appended) ---
"""Pipeline reference for scband-graph-sage-26285199852117 (READ-ONLY COPY).

The authoritative reference and input builder live on the scoring server;
editing this copy changes nothing except your own understanding.
"""

import jax, jax.numpy as jnp
import numpy as np

N = 10000
E = 320000
D = 128
H = 128
C = 40


def _sage_conv(x, src, dst, Wl, bl, Wr):
    # PyG SAGEConv (aggr='mean', root_weight=True): out = lin_l(mean_agg(x_src -> dst)) + lin_r(x)
    msgs = x[src]
    agg = jax.ops.segment_sum(msgs, dst, num_segments=N)
    deg = jax.ops.segment_sum(jnp.ones((src.shape[0],), x.dtype), dst, num_segments=N)
    agg = agg / jnp.clip(deg, 1.0, None)[:, None]
    return agg @ Wl + bl + x @ Wr


def _bn(x, gamma, beta, eps=1e-5):
    mu = jnp.mean(x, axis=0)
    var = jnp.var(x, axis=0)
    return (x - mu) / jnp.sqrt(var + eps) * gamma + beta


def setup_inputs(seed: int = 0):
    key = jax.random.key(seed)
    ks = jax.random.split(key, 12)
    s = 0.05
    inp = {}
    inp["x"] = jax.random.normal(ks[0], (N, D), dtype=jnp.float32)
    inp["edge_index"] = jax.random.randint(ks[1], (2, E), 0, N)
    inp["W0"] = s * jax.random.normal(ks[2], (D, H), dtype=jnp.float32)
    inp["b0"] = jnp.zeros((H,), jnp.float32)
    inp["Wl1"] = s * jax.random.normal(ks[3], (H, H), dtype=jnp.float32)
    inp["bl1"] = jnp.zeros((H,), jnp.float32)
    inp["Wr1"] = s * jax.random.normal(ks[4], (H, H), dtype=jnp.float32)
    inp["g1"] = jnp.ones((H,), jnp.float32)
    inp["be1"] = jnp.zeros((H,), jnp.float32)
    inp["Wl2"] = s * jax.random.normal(ks[5], (H, H), dtype=jnp.float32)
    inp["bl2"] = jnp.zeros((H,), jnp.float32)
    inp["Wr2"] = s * jax.random.normal(ks[6], (H, H), dtype=jnp.float32)
    inp["g2"] = jnp.ones((H,), jnp.float32)
    inp["be2"] = jnp.zeros((H,), jnp.float32)
    inp["Wl3"] = s * jax.random.normal(ks[7], (H, H), dtype=jnp.float32)
    inp["bl3"] = jnp.zeros((H,), jnp.float32)
    inp["Wr3"] = s * jax.random.normal(ks[8], (H, H), dtype=jnp.float32)
    inp["g3"] = jnp.ones((H,), jnp.float32)
    inp["be3"] = jnp.zeros((H,), jnp.float32)
    inp["Wc"] = s * jax.random.normal(ks[9], (H, C), dtype=jnp.float32)
    inp["bc"] = jnp.zeros((C,), jnp.float32)
    return inp


def reference(x, edge_index, W0, b0, Wl1, bl1, Wr1, g1, be1, Wl2, bl2, Wr2, g2, be2, Wl3, bl3, Wr3, g3, be3, Wc, bc):
    src = edge_index[0]
    dst = edge_index[1]
    h = x @ W0 + b0
    h = _sage_conv(h, src, dst, Wl1, bl1, Wr1)
    h = _bn(h, g1, be1)
    h = jax.nn.relu(h)
    # dropout treated as identity (eval / deterministic reference)
    h = _sage_conv(h, src, dst, Wl2, bl2, Wr2)
    h = _bn(h, g2, be2)
    h = jax.nn.relu(h)
    h = _sage_conv(h, src, dst, Wl3, bl3, Wr3)
    h = _bn(h, g3, be3)
    h = jax.nn.relu(h)
    h = h @ Wc + bc
    return jax.nn.softmax(h, axis=-1)

if __name__ == "__main__":
    import jax
    _d = setup_inputs()
    print(jax.jit(kernel)(*tuple(_d.values())))

</pallas_src>

<mosaic_0001>
#map = affine_map<(d0, d1) -> (0, 0)>
#map1 = affine_map<(d0, d1) -> (0)>
#map2 = affine_map<(d0, d1) -> (0, 0, 0)>
module attributes {stable_mosaic.version = 14 : i64} {
  func.func @body(%arg0: i32, %arg1: i32, %arg2: memref<10112x128xf32, #tpu.memory_space<hbm>>, %arg3: memref<323584xi32, #tpu.memory_space<hbm>>, %arg4: memref<323584xi32, #tpu.memory_space<hbm>>, %arg5: memref<2x10112x128xf32, #tpu.memory_space<hbm>>, %arg6: memref<128xi32, #tpu.memory_space<vmem>>, %arg7: memref<128xi32, #tpu.memory_space<vmem>>, %arg8: memref<128x128xf32, #tpu.memory_space<vmem>>, %arg9: memref<10112x128xf32, #tpu.memory_space<vmem_shared>>, %arg10: memref<!tpu.dma_semaphore, #tpu.memory_space<semaphore_mem>>) attributes {dimension_semantics = [#tpu.dimension_semantics<core_parallel>, #tpu.dimension_semantics<subcore_parallel>], iteration_bounds = array<i64: 2, 16>, scalar_prefetch = 0 : i64, scratch_operands = 5 : i64, tpu.core_type = #tpu.core_type<sc_vector_subcore>, window_params = [{transform_indices = #map}, {transform_indices = #map1}, {transform_indices = #map1}, {transform_indices = #map2}]} {
    %mul3A = arith.constant 2 : i32
    %mul3A_0 = arith.muli %arg1, %mul3A : i32
    %add3A = arith.addi %mul3A_0, %arg0 : i32
    %broadcast_in_dim3A = arith.constant 0.000000e+00 : f32
    %broadcast_in_dim3A_1 = vector.broadcast %broadcast_in_dim3A : f32 to vector<16xf32>
    %scan3A = arith.constant 0 : i32
    %scan3A_2 = arith.constant 0 : i32
    %scan3A_3 = arith.constant 128 : i32
    %scan3A_4 = arith.addi %scan3A_2, %scan3A_3 : i32
    %scan3A_5 = arith.constant 1 : i32
    scf.for %scan3A_38 = %scan3A_2 to %scan3A_4 step %scan3A_5  : i32 {
      %swap3A = arith.index_cast %scan3A_38 : i32 to index
      %swap3A_39 = arith.constant 0 : index
      %swap3A_40 = tpu.vector_load %arg8[%swap3A, %swap3A_39] {strides = array<i32>} : memref<128x128xf32, #tpu.memory_space<vmem>>, vector<1x16xf32>,
      %swap3A_41 = vector.shape_cast %swap3A_40 : vector<1x16xf32> to vector<16xf32>
      %swap3A_42 = vector.shape_cast %broadcast_in_dim3A_1 : vector<16xf32> to vector<1x16xf32>
      tpu.vector_store %arg8[%swap3A, %swap3A_39], %swap3A_42 {strides = array<i32>} : memref<128x128xf32, #tpu.memory_space<vmem>>, vector<1x16xf32>,
      %swap3A_43 = arith.index_cast %scan3A_38 : i32 to index
      %swap3A_44 = arith.constant 16 : index
      %swap3A_45 = tpu.vector_load %arg8[%swap3A_43, %swap3A_44] {strides = array<i32>} : memref<128x128xf32, #tpu.memory_space<vmem>>, vector<1x16xf32>,
      %swap3A_46 = vector.shape_cast %swap3A_45 : vector<1x16xf32> to vector<16xf32>
      %swap3A_47 = vector.shape_cast %broadcast_in_dim3A_1 : vector<16xf32> to vector<1x16xf32>
      tpu.vector_store %arg8[%swap3A_43, %swap3A_44], %swap3A_47 {strides = array<i32>} : memref<128x128xf32, #tpu.memory_space<vmem>>, vector<1x16xf32>,
      %swap3A_48 = arith.index_cast %scan3A_38 : i32 to index
      %swap3A_49 = arith.constant 32 : index
      %swap3A_50 = tpu.vector_load %arg8[%swap3A_48, %swap3A_49] {strides = array<i32>} : memref<128x128xf32, #tpu.memory_space<vmem>>, vector<1x16xf32>,
      %swap3A_51 = vector.shape_cast %swap3A_50 : vector<1x16xf32> to vector<16xf32>
      %swap3A_52 = vector.shape_cast %broadcast_in_dim3A_1 : vector<16xf32> to vector<1x16xf32>
      tpu.vector_store %arg8[%swap3A_48, %swap3A_49], %swap3A_52 {strides = array<i32>} : memref<128x128xf32, #tpu.memory_space<vmem>>, vector<1x16xf32>,
      %swap3A_53 = arith.index_cast %scan3A_38 : i32 to index
      %swap3A_54 = arith.constant 48 : index
      %swap3A_55 = tpu.vector_load %arg8[%swap3A_53, %swap3A_54] {strides = array<i32>} : memref<128x128xf32, #tpu.memory_space<vmem>>, vector<1x16xf32>,
      %swap3A_56 = vector.shape_cast %swap3A_55 : vector<1x16xf32> to vector<16xf32>
      %swap3A_57 = vector.shape_cast %broadcast_in_dim3A_1 : vector<16xf32> to vector<1x16xf32>
      tpu.vector_store %arg8[%swap3A_53, %swap3A_54], %swap3A_57 {strides = array<i32>} : memref<128x128xf32, #tpu.memory_space<vmem>>, vector<1x16xf32>,
      %swap3A_58 = arith.index_cast %scan3A_38 : i32 to index
      %swap3A_59 = arith.constant 64 : index
      %swap3A_60 = tpu.vector_load %arg8[%swap3A_58, %swap3A_59] {strides = array<i32>} : memref<128x128xf32, #tpu.memory_space<vmem>>, vector<1x16xf32>,
      %swap3A_61 = vector.shape_cast %swap3A_60 : vector<1x16xf32> to vector<16xf32>
      %swap3A_62 = vector.shape_cast %broadcast_in_dim3A_1 : vector<16xf32> to vector<1x16xf32>
      tpu.vector_store %arg8[%swap3A_58, %swap3A_59], %swap3A_62 {strides = array<i32>} : memref<128x128xf32, #tpu.memory_space<vmem>>, vector<1x16xf32>,
      %swap3A_63 = arith.index_cast %scan3A_38 : i32 to index
      %swap3A_64 = arith.constant 80 : index
      %swap3A_65 = tpu.vector_load %arg8[%swap3A_63, %swap3A_64] {strides = array<i32>} : memref<128x128xf32, #tpu.memory_space<vmem>>, vector<1x16xf32>,
      %swap3A_66 = vector.shape_cast %swap3A_65 : vector<1x16xf32> to vector<16xf32>
      %swap3A_67 = vector.shape_cast %broadcast_in_dim3A_1 : vector<16xf32> to vector<1x16xf32>
      tpu.vector_store %arg8[%swap3A_63, %swap3A_64], %swap3A_67 {strides = array<i32>} : memref<128x128xf32, #tpu.memory_space<vmem>>, vector<1x16xf32>,
      %swap3A_68 = arith.index_cast %scan3A_38 : i32 to index
      %swap3A_69 = arith.constant 96 : index
      %swap3A_70 = tpu.vector_load %arg8[%swap3A_68, %swap3A_69] {strides = array<i32>} : memref<128x128xf32, #tpu.memory_space<vmem>>, vector<1x16xf32>,
      %swap3A_71 = vector.shape_cast %swap3A_70 : vector<1x16xf32> to vector<16xf32>
      %swap3A_72 = vector.shape_cast %broadcast_in_dim3A_1 : vector<16xf32> to vector<1x16xf32>
      tpu.vector_store %arg8[%swap3A_68, %swap3A_69], %swap3A_72 {strides = array<i32>} : memref<128x128xf32, #tpu.memory_space<vmem>>, vector<1x16xf32>,
      %swap3A_73 = arith.index_cast %scan3A_38 : i32 to index
      %swap3A_74 = arith.constant 112 : index
      %swap3A_75 = tpu.vector_load %arg8[%swap3A_73, %swap3A_74] {strides = array<i32>} : memref<128x128xf32, #tpu.memory_space<vmem>>, vector<1x16xf32>,
      %swap3A_76 = vector.shape_cast %swap3A_75 : vector<1x16xf32> to vector<16xf32>
      %swap3A_77 = vector.shape_cast %broadcast_in_dim3A_1 : vector<16xf32> to vector<1x16xf32>
      tpu.vector_store %arg8[%swap3A_73, %swap3A_74], %swap3A_77 {strides = array<i32>} : memref<128x128xf32, #tpu.memory_space<vmem>>, vector<1x16xf32>,
    }
    %scan3A_6 = arith.constant 128 : i32
    %mul3A_7 = arith.constant 632 : i32
    %mul3A_8 = arith.muli %arg1, %mul3A_7 : i32
    %add3A_9 = arith.constant 0 : i32
    %add3A_10 = arith.addi %mul3A_8, %add3A_9 : i32
    "tpu.region"() ({
      %run_scoped3A = tpu.sem_alloc : memref<!tpu.dma_semaphore, #tpu.memory_space<semaphore_mem>>
      %dma_start3A = arith.constant 0 : i32
      %dma_start3A_38 = arith.constant 0 : i32
      %dma_start3A_39 = tpu.memref_slice %arg8[%dma_start3A, %dma_start3A_38] : memref<128x128xf32, #tpu.memory_space<vmem>> -> memref<128x128xf32, #tpu.memory_space<vmem>>
      %dma_start3A_40 = arith.constant 0 : i32
      %dma_start3A_41 = tpu.memref_slice %arg9[%add3A_10, %dma_start3A_40] : memref<10112x128xf32, #tpu.memory_space<vmem_shared>> -> memref<128x128xf32, #tpu.memory_space<vmem_shared>>
      %dma_start3A_42 = arith.constant 0 : i32
      %dma_start3A_43 = tpu.memref_slice %arg9[%add3A_10, %dma_start3A_42] : memref<10112x128xf32, #tpu.memory_space<vmem_shared>> -> memref<128x128xf32, #tpu.memory_space<vmem_shared>>
      %dma_start3A_44 = arith.constant 0 : i32
      %dma_start3A_45 = arith.constant 0 : i32
      %dma_start3A_46 = tpu.memref_slice %arg8[%dma_start3A_44, %dma_start3A_45] : memref<128x128xf32, #tpu.memory_space<vmem>> -> memref<128x128xf32, #tpu.memory_space<vmem>>
      tpu.enqueue_dma source(%dma_start3A_46 : memref<128x128xf32, #tpu.memory_space<vmem>>) target(%dma_start3A_43 : memref<128x128xf32, #tpu.memory_space<vmem_shared>>) target_semaphore(%run_scoped3A : memref<!tpu.dma_semaphore, #tpu.memory_space<semaphore_mem>>)
      %dma_wait3A = arith.constant 0 : i32
      %dma_wait3A_47 = arith.constant 0 : i32
      %dma_wait3A_48 = tpu.memref_slice %arg8[%dma_wait3A, %dma_wait3A_47] : memref<128x128xf32, #tpu.memory_space<vmem>> -> memref<128x128xf32, #tpu.memory_space<vmem>>
      %dma_wait3A_49 = arith.constant 0 : i32
      %dma_wait3A_50 = tpu.memref_slice %arg9[%add3A_10, %dma_wait3A_49] : memref<10112x128xf32, #tpu.memory_space<vmem_shared>> -> memref<128x128xf32, #tpu.memory_space<vmem_shared>>
      %dma_wait3A_51 = arith.constant 0 : i32
      %dma_wait3A_52 = tpu.memref_slice %arg9[%add3A_10, %dma_wait3A_51] : memref<10112x128xf32, #tpu.memory_space<vmem_shared>> -> memref<128x128xf32, #tpu.memory_space<vmem_shared>>
      %dma_wait3A_53 = arith.constant 0 : i32
      %dma_wait3A_54 = arith.constant 0 : i32
      %dma_wait3A_55 = tpu.memref_slice %arg8[%dma_wait3A_53, %dma_wait3A_54] : memref<128x128xf32, #tpu.memory_space<vmem>> -> memref<128x128xf32, #tpu.memory_space<vmem>>
      tpu.wait_dma2 semaphore(%run_scoped3A : memref<!tpu.dma_semaphore, #tpu.memory_space<semaphore_mem>>) src(%dma_wait3A_55 : memref<128x128xf32, #tpu.memory_space<vmem>>) dst(%dma_wait3A_52 : memref<128x128xf32, #tpu.memory_space<vmem_shared>>)
      tpu.yield
    }) : () -> ()
    %mul3A_11 = arith.constant 632 : i32
    %mul3A_12 = arith.muli %arg1, %mul3A_11 : i32
    %add3A_13 = arith.constant 128 : i32
    %add3A_14 = arith.addi %mul3A_12, %add3A_13 : i32
    "tpu.region"() ({
      %run_scoped3A = tpu.sem_alloc : memref<!tpu.dma_semaphore, #tpu.memory_space<semaphore_mem>>
      %dma_start3A = arith.constant 0 : i32
      %dma_start3A_38 = arith.constant 0 : i32
      %dma_start3A_39 = tpu.memref_slice %arg8[%dma_start3A, %dma_start3A_38] : memref<128x128xf32, #tpu.memory_space<vmem>> -> memref<128x128xf32, #tpu.memory_space<vmem>>
      %dma_start3A_40 = arith.constant 0 : i32
      %dma_start3A_41 = tpu.memref_slice %arg9[%add3A_14, %dma_start3A_40] : memref<10112x128xf32, #tpu.memory_space<vmem_shared>> -> memref<128x128xf32, #tpu.memory_space<vmem_shared>>
      %dma_start3A_42 = arith.constant 0 : i32
      %dma_start3A_43 = tpu.memref_slice %arg9[%add3A_14, %dma_start3A_42] : memref<10112x128xf32, #tpu.memory_space<vmem_shared>> -> memref<128x128xf32, #tpu.memory_space<vmem_shared>>
      %dma_start3A_44 = arith.constant 0 : i32
      %dma_start3A_45 = arith.constant 0 : i32
      %dma_start3A_46 = tpu.memref_slice %arg8[%dma_start3A_44, %dma_start3A_45] : memref<128x128xf32, #tpu.memory_space<vmem>> -> memref<128x128xf32, #tpu.memory_space<vmem>>
      tpu.enqueue_dma source(%dma_start3A_46 : memref<128x128xf32, #tpu.memory_space<vmem>>) target(%dma_start3A_43 : memref<128x128xf32, #tpu.memory_space<vmem_shared>>) target_semaphore(%run_scoped3A : memref<!tpu.dma_semaphore, #tpu.memory_space<semaphore_mem>>)
      %dma_wait3A = arith.constant 0 : i32
      %dma_wait3A_47 = arith.constant 0 : i32
      %dma_wait3A_48 = tpu.memref_slice %arg8[%dma_wait3A, %dma_wait3A_47] : memref<128x128xf32, #tpu.memory_space<vmem>> -> memref<128x128xf32, #tpu.memory_space<vmem>>
      %dma_wait3A_49 = arith.constant 0 : i32
      %dma_wait3A_50 = tpu.memref_slice %arg9[%add3A_14, %dma_wait3A_49] : memref<10112x128xf32, #tpu.memory_space<vmem_shared>> -> memref<128x128xf32, #tpu.memory_space<vmem_shared>>
      %dma_wait3A_51 = arith.constant 0 : i32
      %dma_wait3A_52 = tpu.memref_slice %arg9[%add3A_14, %dma_wait3A_51] : memref<10112x128xf32, #tpu.memory_space<vmem_shared>> -> memref<128x128xf32, #tpu.memory_space<vmem_shared>>
      %dma_wait3A_53 = arith.constant 0 : i32
      %dma_wait3A_54 = arith.constant 0 : i32
      %dma_wait3A_55 = tpu.memref_slice %arg8[%dma_wait3A_53, %dma_wait3A_54] : memref<128x128xf32, #tpu.memory_space<vmem>> -> memref<128x128xf32, #tpu.memory_space<vmem>>
      tpu.wait_dma2 semaphore(%run_scoped3A : memref<!tpu.dma_semaphore, #tpu.memory_space<semaphore_mem>>) src(%dma_wait3A_55 : memref<128x128xf32, #tpu.memory_space<vmem>>) dst(%dma_wait3A_52 : memref<128x128xf32, #tpu.memory_space<vmem_shared>>)
      tpu.yield
    }) : () -> ()
    %mul3A_15 = arith.constant 632 : i32
    %mul3A_16 = arith.muli %arg1, %mul3A_15 : i32
    %add3A_17 = arith.constant 256 : i32
    %add3A_18 = arith.addi %mul3A_16, %add3A_17 : i32
    "tpu.region"() ({
      %run_scoped3A = tpu.sem_alloc : memref<!tpu.dma_semaphore, #tpu.memory_space<semaphore_mem>>
      %dma_start3A = arith.constant 0 : i32
      %dma_start3A_38 = arith.constant 0 : i32
      %dma_start3A_39 = tpu.memref_slice %arg8[%dma_start3A, %dma_start3A_38] : memref<128x128xf32, #tpu.memory_space<vmem>> -> memref<128x128xf32, #tpu.memory_space<vmem>>
      %dma_start3A_40 = arith.constant 0 : i32
      %dma_start3A_41 = tpu.memref_slice %arg9[%add3A_18, %dma_start3A_40] : memref<10112x128xf32, #tpu.memory_space<vmem_shared>> -> memref<128x128xf32, #tpu.memory_space<vmem_shared>>
      %dma_start3A_42 = arith.constant 0 : i32
      %dma_start3A_43 = tpu.memref_slice %arg9[%add3A_18, %dma_start3A_42] : memref<10112x128xf32, #tpu.memory_space<vmem_shared>> -> memref<128x128xf32, #tpu.memory_space<vmem_shared>>
      %dma_start3A_44 = arith.constant 0 : i32
      %dma_start3A_45 = arith.constant 0 : i32
      %dma_start3A_46 = tpu.memref_slice %arg8[%dma_start3A_44, %dma_start3A_45] : memref<128x128xf32, #tpu.memory_space<vmem>> -> memref<128x128xf32, #tpu.memory_space<vmem>>
      tpu.enqueue_dma source(%dma_start3A_46 : memref<128x128xf32, #tpu.memory_space<vmem>>) target(%dma_start3A_43 : memref<128x128xf32, #tpu.memory_space<vmem_shared>>) target_semaphore(%run_scoped3A : memref<!tpu.dma_semaphore, #tpu.memory_space<semaphore_mem>>)
      %dma_wait3A = arith.constant 0 : i32
      %dma_wait3A_47 = arith.constant 0 : i32
      %dma_wait3A_48 = tpu.memref_slice %arg8[%dma_wait3A, %dma_wait3A_47] : memref<128x128xf32, #tpu.memory_space<vmem>> -> memref<128x128xf32, #tpu.memory_space<vmem>>
      %dma_wait3A_49 = arith.constant 0 : i32
      %dma_wait3A_50 = tpu.memref_slice %arg9[%add3A_18, %dma_wait3A_49] : memref<10112x128xf32, #tpu.memory_space<vmem_shared>> -> memref<128x128xf32, #tpu.memory_space<vmem_shared>>
      %dma_wait3A_51 = arith.constant 0 : i32
      %dma_wait3A_52 = tpu.memref_slice %arg9[%add3A_18, %dma_wait3A_51] : memref<10112x128xf32, #tpu.memory_space<vmem_shared>> -> memref<128x128xf32, #tpu.memory_space<vmem_shared>>
      %dma_wait3A_53 = arith.constant 0 : i32
      %dma_wait3A_54 = arith.constant 0 : i32
      %dma_wait3A_55 = tpu.memref_slice %arg8[%dma_wait3A_53, %dma_wait3A_54] : memref<128x128xf32, #tpu.memory_space<vmem>> -> memref<128x128xf32, #tpu.memory_space<vmem>>
      tpu.wait_dma2 semaphore(%run_scoped3A : memref<!tpu.dma_semaphore, #tpu.memory_space<semaphore_mem>>) src(%dma_wait3A_55 : memref<128x128xf32, #tpu.memory_space<vmem>>) dst(%dma_wait3A_52 : memref<128x128xf32, #tpu.memory_space<vmem_shared>>)
      tpu.yield
    }) : () -> ()
    %mul3A_19 = arith.constant 632 : i32
    %mul3A_20 = arith.muli %arg1, %mul3A_19 : i32
    %add3A_21 = arith.constant 384 : i32
    %add3A_22 = arith.addi %mul3A_20, %add3A_21 : i32
    "tpu.region"() ({
      %run_scoped3A = tpu.sem_alloc : memref<!tpu.dma_semaphore, #tpu.memory_space<semaphore_mem>>
      %dma_start3A = arith.constant 0 : i32
      %dma_start3A_38 = arith.constant 0 : i32
      %dma_start3A_39 = tpu.memref_slice %arg8[%dma_start3A, %dma_start3A_38] : memref<128x128xf32, #tpu.memory_space<vmem>> -> memref<128x128xf32, #tpu.memory_space<vmem>>
      %dma_start3A_40 = arith.constant 0 : i32
      %dma_start3A_41 = tpu.memref_slice %arg9[%add3A_22, %dma_start3A_40] : memref<10112x128xf32, #tpu.memory_space<vmem_shared>> -> memref<128x128xf32, #tpu.memory_space<vmem_shared>>
      %dma_start3A_42 = arith.constant 0 : i32
      %dma_start3A_43 = tpu.memref_slice %arg9[%add3A_22, %dma_start3A_42] : memref<10112x128xf32, #tpu.memory_space<vmem_shared>> -> memref<128x128xf32, #tpu.memory_space<vmem_shared>>
      %dma_start3A_44 = arith.constant 0 : i32
      %dma_start3A_45 = arith.constant 0 : i32
      %dma_start3A_46 = tpu.memref_slice %arg8[%dma_start3A_44, %dma_start3A_45] : memref<128x128xf32, #tpu.memory_space<vmem>> -> memref<128x128xf32, #tpu.memory_space<vmem>>
      tpu.enqueue_dma source(%dma_start3A_46 : memref<128x128xf32, #tpu.memory_space<vmem>>) target(%dma_start3A_43 : memref<128x128xf32, #tpu.memory_space<vmem_shared>>) target_semaphore(%run_scoped3A : memref<!tpu.dma_semaphore, #tpu.memory_space<semaphore_mem>>)
      %dma_wait3A = arith.constant 0 : i32
      %dma_wait3A_47 = arith.constant 0 : i32
      %dma_wait3A_48 = tpu.memref_slice %arg8[%dma_wait3A, %dma_wait3A_47] : memref<128x128xf32, #tpu.memory_space<vmem>> -> memref<128x128xf32, #tpu.memory_space<vmem>>
      %dma_wait3A_49 = arith.constant 0 : i32
      %dma_wait3A_50 = tpu.memref_slice %arg9[%add3A_22, %dma_wait3A_49] : memref<10112x128xf32, #tpu.memory_space<vmem_shared>> -> memref<128x128xf32, #tpu.memory_space<vmem_shared>>
      %dma_wait3A_51 = arith.constant 0 : i32
      %dma_wait3A_52 = tpu.memref_slice %arg9[%add3A_22, %dma_wait3A_51] : memref<10112x128xf32, #tpu.memory_space<vmem_shared>> -> memref<128x128xf32, #tpu.memory_space<vmem_shared>>
      %dma_wait3A_53 = arith.constant 0 : i32
      %dma_wait3A_54 = arith.constant 0 : i32
      %dma_wait3A_55 = tpu.memref_slice %arg8[%dma_wait3A_53, %dma_wait3A_54] : memref<128x128xf32, #tpu.memory_space<vmem>> -> memref<128x128xf32, #tpu.memory_space<vmem>>
      tpu.wait_dma2 semaphore(%run_scoped3A : memref<!tpu.dma_semaphore, #tpu.memory_space<semaphore_mem>>) src(%dma_wait3A_55 : memref<128x128xf32, #tpu.memory_space<vmem>>) dst(%dma_wait3A_52 : memref<128x128xf32, #tpu.memory_space<vmem_shared>>)
      tpu.yield
    }) : () -> ()
    %mul3A_23 = arith.constant 632 : i32
    %mul3A_24 = arith.muli %arg1, %mul3A_23 : i32
    %add3A_25 = arith.constant 512 : i32
    %add3A_26 = arith.addi %mul3A_24, %add3A_25 : i32
    "tpu.region"() ({
      %run_scoped3A = tpu.sem_alloc : memref<!tpu.dma_semaphore, #tpu.memory_space<semaphore_mem>>
      %dma_start3A = arith.constant 0 : i32
      %dma_start3A_38 = arith.constant 0 : i32
      %dma_start3A_39 = tpu.memref_slice %arg8[%dma_start3A, %dma_start3A_38] : memref<128x128xf32, #tpu.memory_space<vmem>> -> memref<120x128xf32, #tpu.memory_space<vmem>>
      %dma_start3A_40 = arith.constant 0 : i32
      %dma_start3A_41 = tpu.memref_slice %arg9[%add3A_26, %dma_start3A_40] : memref<10112x128xf32, #tpu.memory_space<vmem_shared>> -> memref<120x128xf32, #tpu.memory_space<vmem_shared>>
      %dma_start3A_42 = arith.constant 0 : i32
      %dma_start3A_43 = tpu.memref_slice %arg9[%add3A_26, %dma_start3A_42] : memref<10112x128xf32, #tpu.memory_space<vmem_shared>> -> memref<120x128xf32, #tpu.memory_space<vmem_shared>>
      %dma_start3A_44 = arith.constant 0 : i32
      %dma_start3A_45 = arith.constant 0 : i32
      %dma_start3A_46 = tpu.memref_slice %arg8[%dma_start3A_44, %dma_start3A_45] : memref<128x128xf32, #tpu.memory_space<vmem>> -> memref<120x128xf32, #tpu.memory_space<vmem>>
      tpu.enqueue_dma source(%dma_start3A_46 : memref<120x128xf32, #tpu.memory_space<vmem>>) target(%dma_start3A_43 : memref<120x128xf32, #tpu.memory_space<vmem_shared>>) target_semaphore(%run_scoped3A : memref<!tpu.dma_semaphore, #tpu.memory_space<semaphore_mem>>)
      %dma_wait3A = arith.constant 0 : i32
      %dma_wait3A_47 = arith.constant 0 : i32
      %dma_wait3A_48 = tpu.memref_slice %arg8[%dma_wait3A, %dma_wait3A_47] : memref<128x128xf32, #tpu.memory_space<vmem>> -> memref<120x128xf32, #tpu.memory_space<vmem>>
      %dma_wait3A_49 = arith.constant 0 : i32
      %dma_wait3A_50 = tpu.memref_slice %arg9[%add3A_26, %dma_wait3A_49] : memref<10112x128xf32, #tpu.memory_space<vmem_shared>> -> memref<120x128xf32, #tpu.memory_space<vmem_shared>>
      %dma_wait3A_51 = arith.constant 0 : i32
      %dma_wait3A_52 = tpu.memref_slice %arg9[%add3A_26, %dma_wait3A_51] : memref<10112x128xf32, #tpu.memory_space<vmem_shared>> -> memref<120x128xf32, #tpu.memory_space<vmem_shared>>
      %dma_wait3A_53 = arith.constant 0 : i32
      %dma_wait3A_54 = arith.constant 0 : i32
      %dma_wait3A_55 = tpu.memref_slice %arg8[%dma_wait3A_53, %dma_wait3A_54] : memref<128x128xf32, #tpu.memory_space<vmem>> -> memref<120x128xf32, #tpu.memory_space<vmem>>
      tpu.wait_dma2 semaphore(%run_scoped3A : memref<!tpu.dma_semaphore, #tpu.memory_space<semaphore_mem>>) src(%dma_wait3A_55 : memref<120x128xf32, #tpu.memory_space<vmem>>) dst(%dma_wait3A_52 : memref<120x128xf32, #tpu.memory_space<vmem_shared>>)
      tpu.yield
    }) : () -> ()
    %barrier3A = arith.constant 0 : index
    tpu.barrier barrier_id(%barrier3A)
    %scan3A_27 = arith.constant 0 : i32
    %scan3A_28 = arith.constant 0 : i32
    %scan3A_29 = arith.constant 79 : i32
    %scan3A_30 = arith.addi %scan3A_28, %scan3A_29 : i32
    %scan3A_31 = arith.constant 1 : i32
    scf.for %scan3A_38 = %scan3A_28 to %scan3A_30 step %scan3A_31  : i32 {
      %mul3A_39 = arith.constant 10112 : i32
      %mul3A_40 = arith.muli %add3A, %mul3A_39 : i32
      %mul3A_41 = arith.constant 128 : i32
      %mul3A_42 = arith.muli %scan3A_38, %mul3A_41 : i32
      %add3A_43 = arith.addi %mul3A_40, %mul3A_42 : i32
      "tpu.region"() ({
        %run_scoped3A = tpu.sem_alloc : memref<!tpu.dma_semaphore, #tpu.memory_space<semaphore_mem>>
        %dma_start3A_48 = tpu.memref_slice %arg3[%add3A_43] : memref<323584xi32, #tpu.memory_space<hbm>> -> memref<128xi32, #tpu.memory_space<hbm>>
        %dma_start3A_49 = tpu.memref_slice %arg3[%add3A_43] : memref<323584xi32, #tpu.memory_space<hbm>> -> memref<128xi32, #tpu.memory_space<hbm>>
        tpu.enqueue_dma source(%dma_start3A_49 : memref<128xi32, #tpu.memory_space<hbm>>) target(%arg6 : memref<128xi32, #tpu.memory_space<vmem>>) target_semaphore(%run_scoped3A : memref<!tpu.dma_semaphore, #tpu.memory_space<semaphore_mem>>)
        %dma_wait3A_50 = tpu.memref_slice %arg3[%add3A_43] : memref<323584xi32, #tpu.memory_space<hbm>> -> memref<128xi32, #tpu.memory_space<hbm>>
        %dma_wait3A_51 = tpu.memref_slice %arg3[%add3A_43] : memref<323584xi32, #tpu.memory_space<hbm>> -> memref<128xi32, #tpu.memory_space<hbm>>
        tpu.wait_dma2 semaphore(%run_scoped3A : memref<!tpu.dma_semaphore, #tpu.memory_space<semaphore_mem>>) src(%dma_wait3A_51 : memref<128xi32, #tpu.memory_space<hbm>>) dst(%arg6 : memref<128xi32, #tpu.memory_space<vmem>>)
        tpu.yield
      }) : () -> ()
      "tpu.region"() ({
        %run_scoped3A = tpu.sem_alloc : memref<!tpu.dma_semaphore, #tpu.memory_space<semaphore_mem>>
        %dma_start3A_48 = tpu.memref_slice %arg4[%add3A_43] : memref<323584xi32, #tpu.memory_space<hbm>> -> memref<128xi32, #tpu.memory_space<hbm>>
        %dma_start3A_49 = tpu.memref_slice %arg4[%add3A_43] : memref<323584xi32, #tpu.memory_space<hbm>> -> memref<128xi32, #tpu.memory_space<hbm>>
        tpu.enqueue_dma source(%dma_start3A_49 : memref<128xi32, #tpu.memory_space<hbm>>) target(%arg7 : memref<128xi32, #tpu.memory_space<vmem>>) target_semaphore(%run_scoped3A : memref<!tpu.dma_semaphore, #tpu.memory_space<semaphore_mem>>)
        %dma_wait3A_50 = tpu.memref_slice %arg4[%add3A_43] : memref<323584xi32, #tpu.memory_space<hbm>> -> memref<128xi32, #tpu.memory_space<hbm>>
        %dma_wait3A_51 = tpu.memref_slice %arg4[%add3A_43] : memref<323584xi32, #tpu.memory_space<hbm>> -> memref<128xi32, #tpu.memory_space<hbm>>
        tpu.wait_dma2 semaphore(%run_scoped3A : memref<!tpu.dma_semaphore, #tpu.memory_space<semaphore_mem>>) src(%dma_wait3A_51 : memref<128xi32, #tpu.memory_space<hbm>>) dst(%arg7 : memref<128xi32, #tpu.memory_space<vmem>>)
        tpu.yield
      }) : () -> ()
      %dma_start3A = arith.constant 0 : i32
      %dma_start3A_44 = arith.constant 0 : i32
      %dma_start3A_45 = tpu.memref_slice %arg2[%dma_start3A, %dma_start3A_44] : memref<10112x128xf32, #tpu.memory_space<hbm>> -> memref<10112x128xf32, #tpu.memory_space<hbm>>
      tpu.enqueue_indirect_dma source(%dma_start3A_45 : memref<10112x128xf32, #tpu.memory_space<hbm>>) target(%arg8 : memref<128x128xf32, #tpu.memory_space<vmem>>) offsets(%arg6 : memref<128xi32, #tpu.memory_space<vmem>>) semaphore(%arg10 : memref<!tpu.dma_semaphore, #tpu.memory_space<semaphore_mem>>)
      %dma_wait3A = arith.constant 0 : i32
      %dma_wait3A_46 = arith.constant 0 : i32
      %dma_wait3A_47 = tpu.memref_slice %arg2[%dma_wait3A, %dma_wait3A_46] : memref<10112x128xf32, #tpu.memory_space<hbm>> -> memref<10112x128xf32, #tpu.memory_space<hbm>>
      tpu.wait_indirect_dma semaphore(%arg10 : memref<!tpu.dma_semaphore, #tpu.memory_space<semaphore_mem>>) src(%dma_wait3A_47 : memref<10112x128xf32, #tpu.memory_space<hbm>>) dst(%arg8 : memref<128x128xf32, #tpu.memory_space<vmem>>)
      "tpu.region"() ({
        %run_scoped3A = tpu.sem_alloc : memref<!tpu.dma_semaphore, #tpu.memory_space<semaphore_mem>>
        %dma_start3A_48 = arith.constant 0 : i32
        %dma_start3A_49 = arith.constant 0 : i32
        %dma_start3A_50 = tpu.memref_slice %arg9[%dma_start3A_48, %dma_start3A_49] : memref<10112x128xf32, #tpu.memory_space<vmem_shared>> -> memref<10112x128xf32, #tpu.memory_space<vmem_shared>>
        tpu.enqueue_indirect_dma source(%arg8 : memref<128x128xf32, #tpu.memory_space<vmem>>) target(%dma_start3A_50 : memref<10112x128xf32, #tpu.memory_space<vmem_shared>>) offsets(%arg7 : memref<128xi32, #tpu.memory_space<vmem>>) semaphore(%run_scoped3A : memref<!tpu.dma_semaphore, #tpu.memory_space<semaphore_mem>>) {add = true}
        %dma_wait3A_51 = arith.constant 0 : i32
        %dma_wait3A_52 = arith.constant 0 : i32
        %dma_wait3A_53 = tpu.memref_slice %arg9[%dma_wait3A_51, %dma_wait3A_52] : memref<10112x128xf32, #tpu.memory_space<vmem_shared>> -> memref<10112x128xf32, #tpu.memory_space<vmem_shared>>
        tpu.wait_indirect_dma semaphore(%run_scoped3A : memref<!tpu.dma_semaphore, #tpu.memory_space<semaphore_mem>>) src(%arg8 : memref<128x128xf32, #tpu.memory_space<vmem>>) dst(%dma_wait3A_53 : memref<10112x128xf32, #tpu.memory_space<vmem_shared>>)
        tpu.yield
      }) : () -> ()
    }
    %scan3A_32 = arith.constant 79 : i32
    %barrier3A_33 = arith.constant 0 : index
    tpu.barrier barrier_id(%barrier3A_33)
    %mul3A_34 = arith.constant 632 : i32
    %mul3A_35 = arith.muli %arg1, %mul3A_34 : i32
    %mul3A_36 = arith.constant 632 : i32
    %mul3A_37 = arith.muli %arg1, %mul3A_36 : i32
    "tpu.region"() ({
      %run_scoped3A = tpu.sem_alloc : memref<!tpu.dma_semaphore, #tpu.memory_space<semaphore_mem>>
      %dma_start3A = arith.constant 0 : i32
      %dma_start3A_38 = tpu.memref_slice %arg5[%arg0, %mul3A_37, %dma_start3A] : memref<2x10112x128xf32, #tpu.memory_space<hbm>> -> memref<1x632x128xf32, #tpu.memory_space<hbm>>
      %dma_start3A_39 = tpu.memref_squeeze %dma_start3A_38 : memref<1x632x128xf32, #tpu.memory_space<hbm>> -> memref<632x128xf32, #tpu.memory_space<hbm>>
      %dma_start3A_40 = arith.constant 0 : i32
      %dma_start3A_41 = tpu.memref_slice %arg9[%mul3A_35, %dma_start3A_40] : memref<10112x128xf32, #tpu.memory_space<vmem_shared>> -> memref<632x128xf32, #tpu.memory_space<vmem_shared>>
      tpu.enqueue_dma source(%dma_start3A_41 : memref<632x128xf32, #tpu.memory_space<vmem_shared>>) target(%dma_start3A_39 : memref<632x128xf32, #tpu.memory_space<hbm>>) target_semaphore(%run_scoped3A : memref<!tpu.dma_semaphore, #tpu.memory_space<semaphore_mem>>)
      %dma_wait3A = arith.constant 0 : i32
      %dma_wait3A_42 = tpu.memref_slice %arg5[%arg0, %mul3A_37, %dma_wait3A] : memref<2x10112x128xf32, #tpu.memory_space<hbm>> -> memref<1x632x128xf32, #tpu.memory_space<hbm>>
      %dma_wait3A_43 = tpu.memref_squeeze %dma_wait3A_42 : memref<1x632x128xf32, #tpu.memory_space<hbm>> -> memref<632x128xf32, #tpu.memory_space<hbm>>
      %dma_wait3A_44 = arith.constant 0 : i32
      %dma_wait3A_45 = tpu.memref_slice %arg9[%mul3A_35, %dma_wait3A_44] : memref<10112x128xf32, #tpu.memory_space<vmem_shared>> -> memref<632x128xf32, #tpu.memory_space<vmem_shared>>
      tpu.wait_dma2 semaphore(%run_scoped3A : memref<!tpu.dma_semaphore, #tpu.memory_space<semaphore_mem>>) src(%dma_wait3A_45 : memref<632x128xf32, #tpu.memory_space<vmem_shared>>) dst(%dma_wait3A_43 : memref<632x128xf32, #tpu.memory_space<hbm>>)
      tpu.yield
    }) : () -> ()
    return
  }
}

#map = affine_map<(d0, d1) -> (0, 0)>
#map1 = affine_map<(d0, d1) -> (0)>
#map2 = affine_map<(d0, d1) -> (0, 0, 0)>
module attributes {stable_mosaic.version = 14 : i64} {
  func.func @body(%arg0: i32, %arg1: i32, %arg2: memref<10112x128xf32, #tpu.memory_space<hbm>>, %arg3: memref<323584xi32, #tpu.memory_space<hbm>>, %arg4: memref<323584xi32, #tpu.memory_space<hbm>>, %arg5: memref<2x10112x128xf32, #tpu.memory_space<hbm>>, %arg6: memref<128xi32, #tpu.memory_space<vmem>>, %arg7: memref<128xi32, #tpu.memory_space<vmem>>, %arg8: memref<128x128xf32, #tpu.memory_space<vmem>>, %arg9: memref<10112x128xf32, #tpu.memory_space<vmem_shared>>, %arg10: memref<!tpu.dma_semaphore, #tpu.memory_space<semaphore_mem>>) attributes {dimension_semantics = [#tpu.dimension_semantics<core_parallel>, #tpu.dimension_semantics<subcore_parallel>], iteration_bounds = array<i64: 2, 16>, scalar_prefetch = 0 : i64, scratch_operands = 5 : i64, tpu.core_type = #tpu.core_type<sc_vector_subcore>, window_params = [{transform_indices = #map}, {transform_indices = #map1}, {transform_indices = #map1}, {transform_indices = #map2}]} {
    %mul3A = arith.constant 2 : i32
    %mul3A_0 = arith.muli %arg1, %mul3A : i32
    %add3A = arith.addi %mul3A_0, %arg0 : i32
    %broadcast_in_dim3A = arith.constant 0.000000e+00 : f32
    %broadcast_in_dim3A_1 = vector.broadcast %broadcast_in_dim3A : f32 to vector<16xf32>
    %scan3A = arith.constant 0 : i32
    %scan3A_2 = arith.constant 0 : i32
    %scan3A_3 = arith.constant 128 : i32
    %scan3A_4 = arith.addi %scan3A_2, %scan3A_3 : i32
    %scan3A_5 = arith.constant 1 : i32
    scf.for %scan3A_38 = %scan3A_2 to %scan3A_4 step %scan3A_5  : i32 {
      %swap3A = arith.index_cast %scan3A_38 : i32 to index
      %swap3A_39 = arith.constant 0 : index
      %swap3A_40 = tpu.vector_load %arg8[%swap3A, %swap3A_39] {strides = array<i32>} : memref<128x128xf32, #tpu.memory_space<vmem>>, vector<1x16xf32>,
      %swap3A_41 = vector.shape_cast %swap3A_40 : vector<1x16xf32> to vector<16xf32>
      %swap3A_42 = vector.shape_cast %broadcast_in_dim3A_1 : vector<16xf32> to vector<1x16xf32>
      tpu.vector_store %arg8[%swap3A, %swap3A_39], %swap3A_42 {strides = array<i32>} : memref<128x128xf32, #tpu.memory_space<vmem>>, vector<1x16xf32>,
      %swap3A_43 = arith.index_cast %scan3A_38 : i32 to index
      %swap3A_44 = arith.constant 16 : index
      %swap3A_45 = tpu.vector_load %arg8[%swap3A_43, %swap3A_44] {strides = array<i32>} : memref<128x128xf32, #tpu.memory_space<vmem>>, vector<1x16xf32>,
      %swap3A_46 = vector.shape_cast %swap3A_45 : vector<1x16xf32> to vector<16xf32>
      %swap3A_47 = vector.shape_cast %broadcast_in_dim3A_1 : vector<16xf32> to vector<1x16xf32>
      tpu.vector_store %arg8[%swap3A_43, %swap3A_44], %swap3A_47 {strides = array<i32>} : memref<128x128xf32, #tpu.memory_space<vmem>>, vector<1x16xf32>,
      %swap3A_48 = arith.index_cast %scan3A_38 : i32 to index
      %swap3A_49 = arith.constant 32 : index
      %swap3A_50 = tpu.vector_load %arg8[%swap3A_48, %swap3A_49] {strides = array<i32>} : memref<128x128xf32, #tpu.memory_space<vmem>>, vector<1x16xf32>,
      %swap3A_51 = vector.shape_cast %swap3A_50 : vector<1x16xf32> to vector<16xf32>
      %swap3A_52 = vector.shape_cast %broadcast_in_dim3A_1 : vector<16xf32> to vector<1x16xf32>
      tpu.vector_store %arg8[%swap3A_48, %swap3A_49], %swap3A_52 {strides = array<i32>} : memref<128x128xf32, #tpu.memory_space<vmem>>, vector<1x16xf32>,
      %swap3A_53 = arith.index_cast %scan3A_38 : i32 to index
      %swap3A_54 = arith.constant 48 : index
      %swap3A_55 = tpu.vector_load %arg8[%swap3A_53, %swap3A_54] {strides = array<i32>} : memref<128x128xf32, #tpu.memory_space<vmem>>, vector<1x16xf32>,
      %swap3A_56 = vector.shape_cast %swap3A_55 : vector<1x16xf32> to vector<16xf32>
      %swap3A_57 = vector.shape_cast %broadcast_in_dim3A_1 : vector<16xf32> to vector<1x16xf32>
      tpu.vector_store %arg8[%swap3A_53, %swap3A_54], %swap3A_57 {strides = array<i32>} : memref<128x128xf32, #tpu.memory_space<vmem>>, vector<1x16xf32>,
      %swap3A_58 = arith.index_cast %scan3A_38 : i32 to index
      %swap3A_59 = arith.constant 64 : index
      %swap3A_60 = tpu.vector_load %arg8[%swap3A_58, %swap3A_59] {strides = array<i32>} : memref<128x128xf32, #tpu.memory_space<vmem>>, vector<1x16xf32>,
      %swap3A_61 = vector.shape_cast %swap3A_60 : vector<1x16xf32> to vector<16xf32>
      %swap3A_62 = vector.shape_cast %broadcast_in_dim3A_1 : vector<16xf32> to vector<1x16xf32>
      tpu.vector_store %arg8[%swap3A_58, %swap3A_59], %swap3A_62 {strides = array<i32>} : memref<128x128xf32, #tpu.memory_space<vmem>>, vector<1x16xf32>,
      %swap3A_63 = arith.index_cast %scan3A_38 : i32 to index
      %swap3A_64 = arith.constant 80 : index
      %swap3A_65 = tpu.vector_load %arg8[%swap3A_63, %swap3A_64] {strides = array<i32>} : memref<128x128xf32, #tpu.memory_space<vmem>>, vector<1x16xf32>,
      %swap3A_66 = vector.shape_cast %swap3A_65 : vector<1x16xf32> to vector<16xf32>
      %swap3A_67 = vector.shape_cast %broadcast_in_dim3A_1 : vector<16xf32> to vector<1x16xf32>
      tpu.vector_store %arg8[%swap3A_63, %swap3A_64], %swap3A_67 {strides = array<i32>} : memref<128x128xf32, #tpu.memory_space<vmem>>, vector<1x16xf32>,
      %swap3A_68 = arith.index_cast %scan3A_38 : i32 to index
      %swap3A_69 = arith.constant 96 : index
      %swap3A_70 = tpu.vector_load %arg8[%swap3A_68, %swap3A_69] {strides = array<i32>} : memref<128x128xf32, #tpu.memory_space<vmem>>, vector<1x16xf32>,
      %swap3A_71 = vector.shape_cast %swap3A_70 : vector<1x16xf32> to vector<16xf32>
      %swap3A_72 = vector.shape_cast %broadcast_in_dim3A_1 : vector<16xf32> to vector<1x16xf32>
      tpu.vector_store %arg8[%swap3A_68, %swap3A_69], %swap3A_72 {strides = array<i32>} : memref<128x128xf32, #tpu.memory_space<vmem>>, vector<1x16xf32>,
      %swap3A_73 = arith.index_cast %scan3A_38 : i32 to index
      %swap3A_74 = arith.constant 112 : index
      %swap3A_75 = tpu.vector_load %arg8[%swap3A_73, %swap3A_74] {strides = array<i32>} : memref<128x128xf32, #tpu.memory_space<vmem>>, vector<1x16xf32>,
      %swap3A_76 = vector.shape_cast %swap3A_75 : vector<1x16xf32> to vector<16xf32>
      %swap3A_77 = vector.shape_cast %broadcast_in_dim3A_1 : vector<16xf32> to vector<1x16xf32>
      tpu.vector_store %arg8[%swap3A_73, %swap3A_74], %swap3A_77 {strides = array<i32>} : memref<128x128xf32, #tpu.memory_space<vmem>>, vector<1x16xf32>,
    }
    %scan3A_6 = arith.constant 128 : i32
    %mul3A_7 = arith.constant 632 : i32
    %mul3A_8 = arith.muli %arg1, %mul3A_7 : i32
    %add3A_9 = arith.constant 0 : i32
    %add3A_10 = arith.addi %mul3A_8, %add3A_9 : i32
    "tpu.region"() ({
      %run_scoped3A = tpu.sem_alloc : memref<!tpu.dma_semaphore, #tpu.memory_space<semaphore_mem>>
      %dma_start3A = arith.constant 0 : i32
      %dma_start3A_38 = arith.constant 0 : i32
      %dma_start3A_39 = tpu.memref_slice %arg8[%dma_start3A, %dma_start3A_38] : memref<128x128xf32, #tpu.memory_space<vmem>> -> memref<128x128xf32, #tpu.memory_space<vmem>>
      %dma_start3A_40 = arith.constant 0 : i32
      %dma_start3A_41 = tpu.memref_slice %arg9[%add3A_10, %dma_start3A_40] : memref<10112x128xf32, #tpu.memory_space<vmem_shared>> -> memref<128x128xf32, #tpu.memory_space<vmem_shared>>
      %dma_start3A_42 = arith.constant 0 : i32
      %dma_start3A_43 = tpu.memref_slice %arg9[%add3A_10, %dma_start3A_42] : memref<10112x128xf32, #tpu.memory_space<vmem_shared>> -> memref<128x128xf32, #tpu.memory_space<vmem_shared>>
      %dma_start3A_44 = arith.constant 0 : i32
      %dma_start3A_45 = arith.constant 0 : i32
      %dma_start3A_46 = tpu.memref_slice %arg8[%dma_start3A_44, %dma_start3A_45] : memref<128x128xf32, #tpu.memory_space<vmem>> -> memref<128x128xf32, #tpu.memory_space<vmem>>
      tpu.enqueue_dma source(%dma_start3A_46 : memref<128x128xf32, #tpu.memory_space<vmem>>) target(%dma_start3A_43 : memref<128x128xf32, #tpu.memory_space<vmem_shared>>) target_semaphore(%run_scoped3A : memref<!tpu.dma_semaphore, #tpu.memory_space<semaphore_mem>>)
      %dma_wait3A = arith.constant 0 : i32
      %dma_wait3A_47 = arith.constant 0 : i32
      %dma_wait3A_48 = tpu.memref_slice %arg8[%dma_wait3A, %dma_wait3A_47] : memref<128x128xf32, #tpu.memory_space<vmem>> -> memref<128x128xf32, #tpu.memory_space<vmem>>
      %dma_wait3A_49 = arith.constant 0 : i32
      %dma_wait3A_50 = tpu.memref_slice %arg9[%add3A_10, %dma_wait3A_49] : memref<10112x128xf32, #tpu.memory_space<vmem_shared>> -> memref<128x128xf32, #tpu.memory_space<vmem_shared>>
      %dma_wait3A_51 = arith.constant 0 : i32
      %dma_wait3A_52 = tpu.memref_slice %arg9[%add3A_10, %dma_wait3A_51] : memref<10112x128xf32, #tpu.memory_space<vmem_shared>> -> memref<128x128xf32, #tpu.memory_space<vmem_shared>>
      %dma_wait3A_53 = arith.constant 0 : i32
      %dma_wait3A_54 = arith.constant 0 : i32
      %dma_wait3A_55 = tpu.memref_slice %arg8[%dma_wait3A_53, %dma_wait3A_54] : memref<128x128xf32, #tpu.memory_space<vmem>> -> memref<128x128xf32, #tpu.memory_space<vmem>>
      tpu.wait_dma2 semaphore(%run_scoped3A : memref<!tpu.dma_semaphore, #tpu.memory_space<semaphore_mem>>) src(%dma_wait3A_55 : memref<128x128xf32, #tpu.memory_space<vmem>>) dst(%dma_wait3A_52 : memref<128x128xf32, #tpu.memory_space<vmem_shared>>)
      tpu.yield
    }) : () -> ()
    %mul3A_11 = arith.constant 632 : i32
    %mul3A_12 = arith.muli %arg1, %mul3A_11 : i32
    %add3A_13 = arith.constant 128 : i32
    %add3A_14 = arith.addi %mul3A_12, %add3A_13 : i32
    "tpu.region"() ({
      %run_scoped3A = tpu.sem_alloc : memref<!tpu.dma_semaphore, #tpu.memory_space<semaphore_mem>>
      %dma_start3A = arith.constant 0 : i32
      %dma_start3A_38 = arith.constant 0 : i32
      %dma_start3A_39 = tpu.memref_slice %arg8[%dma_start3A, %dma_start3A_38] : memref<128x128xf32, #tpu.memory_space<vmem>> -> memref<128x128xf32, #tpu.memory_space<vmem>>
      %dma_start3A_40 = arith.constant 0 : i32
      %dma_start3A_41 = tpu.memref_slice %arg9[%add3A_14, %dma_start3A_40] : memref<10112x128xf32, #tpu.memory_space<vmem_shared>> -> memref<128x128xf32, #tpu.memory_space<vmem_shared>>
      %dma_start3A_42 = arith.constant 0 : i32
      %dma_start3A_43 = tpu.memref_slice %arg9[%add3A_14, %dma_start3A_42] : memref<10112x128xf32, #tpu.memory_space<vmem_shared>> -> memref<128x128xf32, #tpu.memory_space<vmem_shared>>
      %dma_start3A_44 = arith.constant 0 : i32
      %dma_start3A_45 = arith.constant 0 : i32
      %dma_start3A_46 = tpu.memref_slice %arg8[%dma_start3A_44, %dma_start3A_45] : memref<128x128xf32, #tpu.memory_space<vmem>> -> memref<128x128xf32, #tpu.memory_space<vmem>>
      tpu.enqueue_dma source(%dma_start3A_46 : memref<128x128xf32, #tpu.memory_space<vmem>>) target(%dma_start3A_43 : memref<128x128xf32, #tpu.memory_space<vmem_shared>>) target_semaphore(%run_scoped3A : memref<!tpu.dma_semaphore, #tpu.memory_space<semaphore_mem>>)
      %dma_wait3A = arith.constant 0 : i32
      %dma_wait3A_47 = arith.constant 0 : i32
      %dma_wait3A_48 = tpu.memref_slice %arg8[%dma_wait3A, %dma_wait3A_47] : memref<128x128xf32, #tpu.memory_space<vmem>> -> memref<128x128xf32, #tpu.memory_space<vmem>>
      %dma_wait3A_49 = arith.constant 0 : i32
      %dma_wait3A_50 = tpu.memref_slice %arg9[%add3A_14, %dma_wait3A_49] : memref<10112x128xf32, #tpu.memory_space<vmem_shared>> -> memref<128x128xf32, #tpu.memory_space<vmem_shared>>
      %dma_wait3A_51 = arith.constant 0 : i32
      %dma_wait3A_52 = tpu.memref_slice %arg9[%add3A_14, %dma_wait3A_51] : memref<10112x128xf32, #tpu.memory_space<vmem_shared>> -> memref<128x128xf32, #tpu.memory_space<vmem_shared>>
      %dma_wait3A_53 = arith.constant 0 : i32
      %dma_wait3A_54 = arith.constant 0 : i32
      %dma_wait3A_55 = tpu.memref_slice %arg8[%dma_wait3A_53, %dma_wait3A_54] : memref<128x128xf32, #tpu.memory_space<vmem>> -> memref<128x128xf32, #tpu.memory_space<vmem>>
      tpu.wait_dma2 semaphore(%run_scoped3A : memref<!tpu.dma_semaphore, #tpu.memory_space<semaphore_mem>>) src(%dma_wait3A_55 : memref<128x128xf32, #tpu.memory_space<vmem>>) dst(%dma_wait3A_52 : memref<128x128xf32, #tpu.memory_space<vmem_shared>>)
      tpu.yield
    }) : () -> ()
    %mul3A_15 = arith.constant 632 : i32
    %mul3A_16 = arith.muli %arg1, %mul3A_15 : i32
    %add3A_17 = arith.constant 256 : i32
    %add3A_18 = arith.addi %mul3A_16, %add3A_17 : i32
    "tpu.region"() ({
      %run_scoped3A = tpu.sem_alloc : memref<!tpu.dma_semaphore, #tpu.memory_space<semaphore_mem>>
      %dma_start3A = arith.constant 0 : i32
      %dma_start3A_38 = arith.constant 0 : i32
      %dma_start3A_39 = tpu.memref_slice %arg8[%dma_start3A, %dma_start3A_38] : memref<128x128xf32, #tpu.memory_space<vmem>> -> memref<128x128xf32, #tpu.memory_space<vmem>>
      %dma_start3A_40 = arith.constant 0 : i32
      %dma_start3A_41 = tpu.memref_slice %arg9[%add3A_18, %dma_start3A_40] : memref<10112x128xf32, #tpu.memory_space<vmem_shared>> -> memref<128x128xf32, #tpu.memory_space<vmem_shared>>
      %dma_start3A_42 = arith.constant 0 : i32
      %dma_start3A_43 = tpu.memref_slice %arg9[%add3A_18, %dma_start3A_42] : memref<10112x128xf32, #tpu.memory_space<vmem_shared>> -> memref<128x128xf32, #tpu.memory_space<vmem_shared>>
      %dma_start3A_44 = arith.constant 0 : i32
      %dma_start3A_45 = arith.constant 0 : i32
      %dma_start3A_46 = tpu.memref_slice %arg8[%dma_start3A_44, %dma_start3A_45] : memref<128x128xf32, #tpu.memory_space<vmem>> -> memref<128x128xf32, #tpu.memory_space<vmem>>
      tpu.enqueue_dma source(%dma_start3A_46 : memref<128x128xf32, #tpu.memory_space<vmem>>) target(%dma_start3A_43 : memref<128x128xf32, #tpu.memory_space<vmem_shared>>) target_semaphore(%run_scoped3A : memref<!tpu.dma_semaphore, #tpu.memory_space<semaphore_mem>>)
      %dma_wait3A = arith.constant 0 : i32
      %dma_wait3A_47 = arith.constant 0 : i32
      %dma_wait3A_48 = tpu.memref_slice %arg8[%dma_wait3A, %dma_wait3A_47] : memref<128x128xf32, #tpu.memory_space<vmem>> -> memref<128x128xf32, #tpu.memory_space<vmem>>
      %dma_wait3A_49 = arith.constant 0 : i32
      %dma_wait3A_50 = tpu.memref_slice %arg9[%add3A_18, %dma_wait3A_49] : memref<10112x128xf32, #tpu.memory_space<vmem_shared>> -> memref<128x128xf32, #tpu.memory_space<vmem_shared>>
      %dma_wait3A_51 = arith.constant 0 : i32
      %dma_wait3A_52 = tpu.memref_slice %arg9[%add3A_18, %dma_wait3A_51] : memref<10112x128xf32, #tpu.memory_space<vmem_shared>> -> memref<128x128xf32, #tpu.memory_space<vmem_shared>>
      %dma_wait3A_53 = arith.constant 0 : i32
      %dma_wait3A_54 = arith.constant 0 : i32
      %dma_wait3A_55 = tpu.memref_slice %arg8[%dma_wait3A_53, %dma_wait3A_54] : memref<128x128xf32, #tpu.memory_space<vmem>> -> memref<128x128xf32, #tpu.memory_space<vmem>>
      tpu.wait_dma2 semaphore(%run_scoped3A : memref<!tpu.dma_semaphore, #tpu.memory_space<semaphore_mem>>) src(%dma_wait3A_55 : memref<128x128xf32, #tpu.memory_space<vmem>>) dst(%dma_wait3A_52 : memref<128x128xf32, #tpu.memory_space<vmem_shared>>)
      tpu.yield
    }) : () -> ()
    %mul3A_19 = arith.constant 632 : i32
    %mul3A_20 = arith.muli %arg1, %mul3A_19 : i32
    %add3A_21 = arith.constant 384 : i32
    %add3A_22 = arith.addi %mul3A_20, %add3A_21 : i32
    "tpu.region"() ({
      %run_scoped3A = tpu.sem_alloc : memref<!tpu.dma_semaphore, #tpu.memory_space<semaphore_mem>>
      %dma_start3A = arith.constant 0 : i32
      %dma_start3A_38 = arith.constant 0 : i32
      %dma_start3A_39 = tpu.memref_slice %arg8[%dma_start3A, %dma_start3A_38] : memref<128x128xf32, #tpu.memory_space<vmem>> -> memref<128x128xf32, #tpu.memory_space<vmem>>
      %dma_start3A_40 = arith.constant 0 : i32
      %dma_start3A_41 = tpu.memref_slice %arg9[%add3A_22, %dma_start3A_40] : memref<10112x128xf32, #tpu.memory_space<vmem_shared>> -> memref<128x128xf32, #tpu.memory_space<vmem_shared>>
      %dma_start3A_42 = arith.constant 0 : i32
      %dma_start3A_43 = tpu.memref_slice %arg9[%add3A_22, %dma_start3A_42] : memref<10112x128xf32, #tpu.memory_space<vmem_shared>> -> memref<128x128xf32, #tpu.memory_space<vmem_shared>>
      %dma_start3A_44 = arith.constant 0 : i32
      %dma_start3A_45 = arith.constant 0 : i32
      %dma_start3A_46 = tpu.memref_slice %arg8[%dma_start3A_44, %dma_start3A_45] : memref<128x128xf32, #tpu.memory_space<vmem>> -> memref<128x128xf32, #tpu.memory_space<vmem>>
      tpu.enqueue_dma source(%dma_start3A_46 : memref<128x128xf32, #tpu.memory_space<vmem>>) target(%dma_start3A_43 : memref<128x128xf32, #tpu.memory_space<vmem_shared>>) target_semaphore(%run_scoped3A : memref<!tpu.dma_semaphore, #tpu.memory_space<semaphore_mem>>)
      %dma_wait3A = arith.constant 0 : i32
      %dma_wait3A_47 = arith.constant 0 : i32
      %dma_wait3A_48 = tpu.memref_slice %arg8[%dma_wait3A, %dma_wait3A_47] : memref<128x128xf32, #tpu.memory_space<vmem>> -> memref<128x128xf32, #tpu.memory_space<vmem>>
      %dma_wait3A_49 = arith.constant 0 : i32
      %dma_wait3A_50 = tpu.memref_slice %arg9[%add3A_22, %dma_wait3A_49] : memref<10112x128xf32, #tpu.memory_space<vmem_shared>> -> memref<128x128xf32, #tpu.memory_space<vmem_shared>>
      %dma_wait3A_51 = arith.constant 0 : i32
      %dma_wait3A_52 = tpu.memref_slice %arg9[%add3A_22, %dma_wait3A_51] : memref<10112x128xf32, #tpu.memory_space<vmem_shared>> -> memref<128x128xf32, #tpu.memory_space<vmem_shared>>
      %dma_wait3A_53 = arith.constant 0 : i32
      %dma_wait3A_54 = arith.constant 0 : i32
      %dma_wait3A_55 = tpu.memref_slice %arg8[%dma_wait3A_53, %dma_wait3A_54] : memref<128x128xf32, #tpu.memory_space<vmem>> -> memref<128x128xf32, #tpu.memory_space<vmem>>
      tpu.wait_dma2 semaphore(%run_scoped3A : memref<!tpu.dma_semaphore, #tpu.memory_space<semaphore_mem>>) src(%dma_wait3A_55 : memref<128x128xf32, #tpu.memory_space<vmem>>) dst(%dma_wait3A_52 : memref<128x128xf32, #tpu.memory_space<vmem_shared>>)
      tpu.yield
    }) : () -> ()
    %mul3A_23 = arith.constant 632 : i32
    %mul3A_24 = arith.muli %arg1, %mul3A_23 : i32
    %add3A_25 = arith.constant 512 : i32
    %add3A_26 = arith.addi %mul3A_24, %add3A_25 : i32
    "tpu.region"() ({
      %run_scoped3A = tpu.sem_alloc : memref<!tpu.dma_semaphore, #tpu.memory_space<semaphore_mem>>
      %dma_start3A = arith.constant 0 : i32
      %dma_start3A_38 = arith.constant 0 : i32
      %dma_start3A_39 = tpu.memref_slice %arg8[%dma_start3A, %dma_start3A_38] : memref<128x128xf32, #tpu.memory_space<vmem>> -> memref<120x128xf32, #tpu.memory_space<vmem>>
      %dma_start3A_40 = arith.constant 0 : i32
      %dma_start3A_41 = tpu.memref_slice %arg9[%add3A_26, %dma_start3A_40] : memref<10112x128xf32, #tpu.memory_space<vmem_shared>> -> memref<120x128xf32, #tpu.memory_space<vmem_shared>>
      %dma_start3A_42 = arith.constant 0 : i32
      %dma_start3A_43 = tpu.memref_slice %arg9[%add3A_26, %dma_start3A_42] : memref<10112x128xf32, #tpu.memory_space<vmem_shared>> -> memref<120x128xf32, #tpu.memory_space<vmem_shared>>
      %dma_start3A_44 = arith.constant 0 : i32
      %dma_start3A_45 = arith.constant 0 : i32
      %dma_start3A_46 = tpu.memref_slice %arg8[%dma_start3A_44, %dma_start3A_45] : memref<128x128xf32, #tpu.memory_space<vmem>> -> memref<120x128xf32, #tpu.memory_space<vmem>>
      tpu.enqueue_dma source(%dma_start3A_46 : memref<120x128xf32, #tpu.memory_space<vmem>>) target(%dma_start3A_43 : memref<120x128xf32, #tpu.memory_space<vmem_shared>>) target_semaphore(%run_scoped3A : memref<!tpu.dma_semaphore, #tpu.memory_space<semaphore_mem>>)
      %dma_wait3A = arith.constant 0 : i32
      %dma_wait3A_47 = arith.constant 0 : i32
      %dma_wait3A_48 = tpu.memref_slice %arg8[%dma_wait3A, %dma_wait3A_47] : memref<128x128xf32, #tpu.memory_space<vmem>> -> memref<120x128xf32, #tpu.memory_space<vmem>>
      %dma_wait3A_49 = arith.constant 0 : i32
      %dma_wait3A_50 = tpu.memref_slice %arg9[%add3A_26, %dma_wait3A_49] : memref<10112x128xf32, #tpu.memory_space<vmem_shared>> -> memref<120x128xf32, #tpu.memory_space<vmem_shared>>
      %dma_wait3A_51 = arith.constant 0 : i32
      %dma_wait3A_52 = tpu.memref_slice %arg9[%add3A_26, %dma_wait3A_51] : memref<10112x128xf32, #tpu.memory_space<vmem_shared>> -> memref<120x128xf32, #tpu.memory_space<vmem_shared>>
      %dma_wait3A_53 = arith.constant 0 : i32
      %dma_wait3A_54 = arith.constant 0 : i32
      %dma_wait3A_55 = tpu.memref_slice %arg8[%dma_wait3A_53, %dma_wait3A_54] : memref<128x128xf32, #tpu.memory_space<vmem>> -> memref<120x128xf32, #tpu.memory_space<vmem>>
      tpu.wait_dma2 semaphore(%run_scoped3A : memref<!tpu.dma_semaphore, #tpu.memory_space<semaphore_mem>>) src(%dma_wait3A_55 : memref<120x128xf32, #tpu.memory_space<vmem>>) dst(%dma_wait3A_52 : memref<120x128xf32, #tpu.memory_space<vmem_shared>>)
      tpu.yield
    }) : () -> ()
    %barrier3A = arith.constant 0 : index
    tpu.barrier barrier_id(%barrier3A)
    %scan3A_27 = arith.constant 0 : i32
    %scan3A_28 = arith.constant 0 : i32
    %scan3A_29 = arith.constant 79 : i32
    %scan3A_30 = arith.addi %scan3A_28, %scan3A_29 : i32
    %scan3A_31 = arith.constant 1 : i32
    scf.for %scan3A_38 = %scan3A_28 to %scan3A_30 step %scan3A_31  : i32 {
      %mul3A_39 = arith.constant 10112 : i32
      %mul3A_40 = arith.muli %add3A, %mul3A_39 : i32
      %mul3A_41 = arith.constant 128 : i32
      %mul3A_42 = arith.muli %scan3A_38, %mul3A_41 : i32
      %add3A_43 = arith.addi %mul3A_40, %mul3A_42 : i32
      "tpu.region"() ({
        %run_scoped3A = tpu.sem_alloc : memref<!tpu.dma_semaphore, #tpu.memory_space<semaphore_mem>>
        %dma_start3A_48 = tpu.memref_slice %arg3[%add3A_43] : memref<323584xi32, #tpu.memory_space<hbm>> -> memref<128xi32, #tpu.memory_space<hbm>>
        %dma_start3A_49 = tpu.memref_slice %arg3[%add3A_43] : memref<323584xi32, #tpu.memory_space<hbm>> -> memref<128xi32, #tpu.memory_space<hbm>>
        tpu.enqueue_dma source(%dma_start3A_49 : memref<128xi32, #tpu.memory_space<hbm>>) target(%arg6 : memref<128xi32, #tpu.memory_space<vmem>>) target_semaphore(%run_scoped3A : memref<!tpu.dma_semaphore, #tpu.memory_space<semaphore_mem>>)
        %dma_wait3A_50 = tpu.memref_slice %arg3[%add3A_43] : memref<323584xi32, #tpu.memory_space<hbm>> -> memref<128xi32, #tpu.memory_space<hbm>>
        %dma_wait3A_51 = tpu.memref_slice %arg3[%add3A_43] : memref<323584xi32, #tpu.memory_space<hbm>> -> memref<128xi32, #tpu.memory_space<hbm>>
        tpu.wait_dma2 semaphore(%run_scoped3A : memref<!tpu.dma_semaphore, #tpu.memory_space<semaphore_mem>>) src(%dma_wait3A_51 : memref<128xi32, #tpu.memory_space<hbm>>) dst(%arg6 : memref<128xi32, #tpu.memory_space<vmem>>)
        tpu.yield
      }) : () -> ()
      "tpu.region"() ({
        %run_scoped3A = tpu.sem_alloc : memref<!tpu.dma_semaphore, #tpu.memory_space<semaphore_mem>>
        %dma_start3A_48 = tpu.memref_slice %arg4[%add3A_43] : memref<323584xi32, #tpu.memory_space<hbm>> -> memref<128xi32, #tpu.memory_space<hbm>>
        %dma_start3A_49 = tpu.memref_slice %arg4[%add3A_43] : memref<323584xi32, #tpu.memory_space<hbm>> -> memref<128xi32, #tpu.memory_space<hbm>>
        tpu.enqueue_dma source(%dma_start3A_49 : memref<128xi32, #tpu.memory_space<hbm>>) target(%arg7 : memref<128xi32, #tpu.memory_space<vmem>>) target_semaphore(%run_scoped3A : memref<!tpu.dma_semaphore, #tpu.memory_space<semaphore_mem>>)
        %dma_wait3A_50 = tpu.memref_slice %arg4[%add3A_43] : memref<323584xi32, #tpu.memory_space<hbm>> -> memref<128xi32, #tpu.memory_space<hbm>>
        %dma_wait3A_51 = tpu.memref_slice %arg4[%add3A_43] : memref<323584xi32, #tpu.memory_space<hbm>> -> memref<128xi32, #tpu.memory_space<hbm>>
        tpu.wait_dma2 semaphore(%run_scoped3A : memref<!tpu.dma_semaphore, #tpu.memory_space<semaphore_mem>>) src(%dma_wait3A_51 : memref<128xi32, #tpu.memory_space<hbm>>) dst(%arg7 : memref<128xi32, #tpu.memory_space<vmem>>)
        tpu.yield
      }) : () -> ()
      %dma_start3A = arith.constant 0 : i32
      %dma_start3A_44 = arith.constant 0 : i32
      %dma_start3A_45 = tpu.memref_slice %arg2[%dma_start3A, %dma_start3A_44] : memref<10112x128xf32, #tpu.memory_space<hbm>> -> memref<10112x128xf32, #tpu.memory_space<hbm>>
      tpu.enqueue_indirect_dma source(%dma_start3A_45 : memref<10112x128xf32, #tpu.memory_space<hbm>>) target(%arg8 : memref<128x128xf32, #tpu.memory_space<vmem>>) offsets(%arg6 : memref<128xi32, #tpu.memory_space<vmem>>) semaphore(%arg10 : memref<!tpu.dma_semaphore, #tpu.memory_space<semaphore_mem>>)
      %dma_wait3A = arith.constant 0 : i32
      %dma_wait3A_46 = arith.constant 0 : i32
      %dma_wait3A_47 = tpu.memref_slice %arg2[%dma_wait3A, %dma_wait3A_46] : memref<10112x128xf32, #tpu.memory_space<hbm>> -> memref<10112x128xf32, #tpu.memory_space<hbm>>
      tpu.wait_indirect_dma semaphore(%arg10 : memref<!tpu.dma_semaphore, #tpu.memory_space<semaphore_mem>>) src(%dma_wait3A_47 : memref<10112x128xf32, #tpu.memory_space<hbm>>) dst(%arg8 : memref<128x128xf32, #tpu.memory_space<vmem>>)
      "tpu.region"() ({
        %run_scoped3A = tpu.sem_alloc : memref<!tpu.dma_semaphore, #tpu.memory_space<semaphore_mem>>
        %dma_start3A_48 = arith.constant 0 : i32
        %dma_start3A_49 = arith.constant 0 : i32
        %dma_start3A_50 = tpu.memref_slice %arg9[%dma_start3A_48, %dma_start3A_49] : memref<10112x128xf32, #tpu.memory_space<vmem_shared>> -> memref<10112x128xf32, #tpu.memory_space<vmem_shared>>
        tpu.enqueue_indirect_dma source(%arg8 : memref<128x128xf32, #tpu.memory_space<vmem>>) target(%dma_start3A_50 : memref<10112x128xf32, #tpu.memory_space<vmem_shared>>) offsets(%arg7 : memref<128xi32, #tpu.memory_space<vmem>>) semaphore(%run_scoped3A : memref<!tpu.dma_semaphore, #tpu.memory_space<semaphore_mem>>) {add = true}
        %dma_wait3A_51 = arith.constant 0 : i32
        %dma_wait3A_52 = arith.constant 0 : i32
        %dma_wait3A_53 = tpu.memref_slice %arg9[%dma_wait3A_51, %dma_wait3A_52] : memref<10112x128xf32, #tpu.memory_space<vmem_shared>> -> memref<10112x128xf32, #tpu.memory_space<vmem_shared>>
        tpu.wait_indirect_dma semaphore(%run_scoped3A : memref<!tpu.dma_semaphore, #tpu.memory_space<semaphore_mem>>) src(%arg8 : memref<128x128xf32, #tpu.memory_space<vmem>>) dst(%dma_wait3A_53 : memref<10112x128xf32, #tpu.memory_space<vmem_shared>>)
        tpu.yield
      }) : () -> ()
    }
    %scan3A_32 = arith.constant 79 : i32
    %barrier3A_33 = arith.constant 0 : index
    tpu.barrier barrier_id(%barrier3A_33)
    %mul3A_34 = arith.constant 632 : i32
    %mul3A_35 = arith.muli %arg1, %mul3A_34 : i32
    %mul3A_36 = arith.constant 632 : i32
    %mul3A_37 = arith.muli %arg1, %mul3A_36 : i32
    "tpu.region"() ({
      %run_scoped3A = tpu.sem_alloc : memref<!tpu.dma_semaphore, #tpu.memory_space<semaphore_mem>>
      %dma_start3A = arith.constant 0 : i32
      %dma_start3A_38 = tpu.memref_slice %arg5[%arg0, %mul3A_37, %dma_start3A] : memref<2x10112x128xf32, #tpu.memory_space<hbm>> -> memref<1x632x128xf32, #tpu.memory_space<hbm>>
      %dma_start3A_39 = tpu.memref_squeeze %dma_start3A_38 : memref<1x632x128xf32, #tpu.memory_space<hbm>> -> memref<632x128xf32, #tpu.memory_space<hbm>>
      %dma_start3A_40 = arith.constant 0 : i32
      %dma_start3A_41 = tpu.memref_slice %arg9[%mul3A_35, %dma_start3A_40] : memref<10112x128xf32, #tpu.memory_space<vmem_shared>> -> memref<632x128xf32, #tpu.memory_space<vmem_shared>>
      tpu.enqueue_dma source(%dma_start3A_41 : memref<632x128xf32, #tpu.memory_space<vmem_shared>>) target(%dma_start3A_39 : memref<632x128xf32, #tpu.memory_space<hbm>>) target_semaphore(%run_scoped3A : memref<!tpu.dma_semaphore, #tpu.memory_space<semaphore_mem>>)
      %dma_wait3A = arith.constant 0 : i32
      %dma_wait3A_42 = tpu.memref_slice %arg5[%arg0, %mul3A_37, %dma_wait3A] : memref<2x10112x128xf32, #tpu.memory_space<hbm>> -> memref<1x632x128xf32, #tpu.memory_space<hbm>>
      %dma_wait3A_43 = tpu.memref_squeeze %dma_wait3A_42 : memref<1x632x128xf32, #tpu.memory_space<hbm>> -> memref<632x128xf32, #tpu.memory_space<hbm>>
      %dma_wait3A_44 = arith.constant 0 : i32
      %dma_wait3A_45 = tpu.memref_slice %arg9[%mul3A_35, %dma_wait3A_44] : memref<10112x128xf32, #tpu.memory_space<vmem_shared>> -> memref<632x128xf32, #tpu.memory_space<vmem_shared>>
      tpu.wait_dma2 semaphore(%run_scoped3A : memref<!tpu.dma_semaphore, #tpu.memory_space<semaphore_mem>>) src(%dma_wait3A_45 : memref<632x128xf32, #tpu.memory_space<vmem_shared>>) dst(%dma_wait3A_43 : memref<632x128xf32, #tpu.memory_space<hbm>>)
      tpu.yield
    }) : () -> ()
    return
  }
}

#map = affine_map<(d0, d1) -> (0)>
#map1 = affine_map<(d0, d1) -> (0, 0, 0)>
module attributes {stable_mosaic.version = 14 : i64} {
  func.func @body(%arg0: i32, %arg1: i32, %arg2: memref<323584xi32, #tpu.memory_space<hbm>>, %arg3: memref<2x10112x128xf32, #tpu.memory_space<hbm>>, %arg4: memref<128xi32, #tpu.memory_space<vmem>>, %arg5: memref<128x128xf32, #tpu.memory_space<vmem>>, %arg6: memref<10112x128xf32, #tpu.memory_space<vmem_shared>>) attributes {dimension_semantics = [#tpu.dimension_semantics<core_parallel>, #tpu.dimension_semantics<subcore_parallel>], iteration_bounds = array<i64: 2, 16>, scalar_prefetch = 0 : i64, scratch_operands = 3 : i64, tpu.core_type = #tpu.core_type<sc_vector_subcore>, window_params = [{transform_indices = #map}, {transform_indices = #map1}]} {
    %mul3A = arith.constant 2 : i32
    %mul3A_0 = arith.muli %arg1, %mul3A : i32
    %add3A = arith.addi %mul3A_0, %arg0 : i32
    %broadcast_in_dim3A = arith.constant 0.000000e+00 : f32
    %broadcast_in_dim3A_1 = vector.broadcast %broadcast_in_dim3A : f32 to vector<16xf32>
    %broadcast_in_dim3A_2 = arith.constant 1.000000e+00 : f32
    %broadcast_in_dim3A_3 = vector.broadcast %broadcast_in_dim3A_2 : f32 to vector<16xf32>
    %scan3A = arith.constant 0 : i32
    %scan3A_4 = arith.constant 0 : i32
    %scan3A_5 = arith.constant 128 : i32
    %scan3A_6 = arith.addi %scan3A_4, %scan3A_5 : i32
    %scan3A_7 = arith.constant 1 : i32
    scf.for %scan3A_46 = %scan3A_4 to %scan3A_6 step %scan3A_7  : i32 {
      %swap3A = arith.index_cast %scan3A_46 : i32 to index
      %swap3A_47 = arith.constant 0 : index
      %swap3A_48 = tpu.vector_load %arg5[%swap3A, %swap3A_47] {strides = array<i32>} : memref<128x128xf32, #tpu.memory_space<vmem>>, vector<1x16xf32>,
      %swap3A_49 = vector.shape_cast %swap3A_48 : vector<1x16xf32> to vector<16xf32>
      %swap3A_50 = vector.shape_cast %broadcast_in_dim3A_1 : vector<16xf32> to vector<1x16xf32>
      tpu.vector_store %arg5[%swap3A, %swap3A_47], %swap3A_50 {strides = array<i32>} : memref<128x128xf32, #tpu.memory_space<vmem>>, vector<1x16xf32>,
      %swap3A_51 = arith.index_cast %scan3A_46 : i32 to index
      %swap3A_52 = arith.constant 16 : index
      %swap3A_53 = tpu.vector_load %arg5[%swap3A_51, %swap3A_52] {strides = array<i32>} : memref<128x128xf32, #tpu.memory_space<vmem>>, vector<1x16xf32>,
      %swap3A_54 = vector.shape_cast %swap3A_53 : vector<1x16xf32> to vector<16xf32>
      %swap3A_55 = vector.shape_cast %broadcast_in_dim3A_1 : vector<16xf32> to vector<1x16xf32>
      tpu.vector_store %arg5[%swap3A_51, %swap3A_52], %swap3A_55 {strides = array<i32>} : memref<128x128xf32, #tpu.memory_space<vmem>>, vector<1x16xf32>,
      %swap3A_56 = arith.index_cast %scan3A_46 : i32 to index
      %swap3A_57 = arith.constant 32 : index
      %swap3A_58 = tpu.vector_load %arg5[%swap3A_56, %swap3A_57] {strides = array<i32>} : memref<128x128xf32, #tpu.memory_space<vmem>>, vector<1x16xf32>,
      %swap3A_59 = vector.shape_cast %swap3A_58 : vector<1x16xf32> to vector<16xf32>
      %swap3A_60 = vector.shape_cast %broadcast_in_dim3A_1 : vector<16xf32> to vector<1x16xf32>
      tpu.vector_store %arg5[%swap3A_56, %swap3A_57], %swap3A_60 {strides = array<i32>} : memref<128x128xf32, #tpu.memory_space<vmem>>, vector<1x16xf32>,
      %swap3A_61 = arith.index_cast %scan3A_46 : i32 to index
      %swap3A_62 = arith.constant 48 : index
      %swap3A_63 = tpu.vector_load %arg5[%swap3A_61, %swap3A_62] {strides = array<i32>} : memref<128x128xf32, #tpu.memory_space<vmem>>, vector<1x16xf32>,
      %swap3A_64 = vector.shape_cast %swap3A_63 : vector<1x16xf32> to vector<16xf32>
      %swap3A_65 = vector.shape_cast %broadcast_in_dim3A_1 : vector<16xf32> to vector<1x16xf32>
      tpu.vector_store %arg5[%swap3A_61, %swap3A_62], %swap3A_65 {strides = array<i32>} : memref<128x128xf32, #tpu.memory_space<vmem>>, vector<1x16xf32>,
      %swap3A_66 = arith.index_cast %scan3A_46 : i32 to index
      %swap3A_67 = arith.constant 64 : index
      %swap3A_68 = tpu.vector_load %arg5[%swap3A_66, %swap3A_67] {strides = array<i32>} : memref<128x128xf32, #tpu.memory_space<vmem>>, vector<1x16xf32>,
      %swap3A_69 = vector.shape_cast %swap3A_68 : vector<1x16xf32> to vector<16xf32>
      %swap3A_70 = vector.shape_cast %broadcast_in_dim3A_1 : vector<16xf32> to vector<1x16xf32>
      tpu.vector_store %arg5[%swap3A_66, %swap3A_67], %swap3A_70 {strides = array<i32>} : memref<128x128xf32, #tpu.memory_space<vmem>>, vector<1x16xf32>,
      %swap3A_71 = arith.index_cast %scan3A_46 : i32 to index
      %swap3A_72 = arith.constant 80 : index
      %swap3A_73 = tpu.vector_load %arg5[%swap3A_71, %swap3A_72] {strides = array<i32>} : memref<128x128xf32, #tpu.memory_space<vmem>>, vector<1x16xf32>,
      %swap3A_74 = vector.shape_cast %swap3A_73 : vector<1x16xf32> to vector<16xf32>
      %swap3A_75 = vector.shape_cast %broadcast_in_dim3A_1 : vector<16xf32> to vector<1x16xf32>
      tpu.vector_store %arg5[%swap3A_71, %swap3A_72], %swap3A_75 {strides = array<i32>} : memref<128x128xf32, #tpu.memory_space<vmem>>, vector<1x16xf32>,
      %swap3A_76 = arith.index_cast %scan3A_46 : i32 to index
      %swap3A_77 = arith.constant 96 : index
      %swap3A_78 = tpu.vector_load %arg5[%swap3A_76, %swap3A_77] {strides = array<i32>} : memref<128x128xf32, #tpu.memory_space<vmem>>, vector<1x16xf32>,
      %swap3A_79 = vector.shape_cast %swap3A_78 : vector<1x16xf32> to vector<16xf32>
      %swap3A_80 = vector.shape_cast %broadcast_in_dim3A_1 : vector<16xf32> to vector<1x16xf32>
      tpu.vector_store %arg5[%swap3A_76, %swap3A_77], %swap3A_80 {strides = array<i32>} : memref<128x128xf32, #tpu.memory_space<vmem>>, vector<1x16xf32>,
      %swap3A_81 = arith.index_cast %scan3A_46 : i32 to index
      %swap3A_82 = arith.constant 112 : index
      %swap3A_83 = tpu.vector_load %arg5[%swap3A_81, %swap3A_82] {strides = array<i32>} : memref<128x128xf32, #tpu.memory_space<vmem>>, vector<1x16xf32>,
      %swap3A_84 = vector.shape_cast %swap3A_83 : vector<1x16xf32> to vector<16xf32>
      %swap3A_85 = vector.shape_cast %broadcast_in_dim3A_1 : vector<16xf32> to vector<1x16xf32>
      tpu.vector_store %arg5[%swap3A_81, %swap3A_82], %swap3A_85 {strides = array<i32>} : memref<128x128xf32, #tpu.memory_space<vmem>>, vector<1x16xf32>,
    }
    %scan3A_8 = arith.constant 128 : i32
    %mul3A_9 = arith.constant 632 : i32
    %mul3A_10 = arith.muli %arg1, %mul3A_9 : i32
    %add3A_11 = arith.constant 0 : i32
    %add3A_12 = arith.addi %mul3A_10, %add3A_11 : i32
    "tpu.region"() ({
      %run_scoped3A = tpu.sem_alloc : memref<!tpu.dma_semaphore, #tpu.memory_space<semaphore_mem>>
      %dma_start3A = arith.constant 0 : i32
      %dma_start3A_46 = arith.constant 0 : i32
      %dma_start3A_47 = tpu.memref_slice %arg5[%dma_start3A, %dma_start3A_46] : memref<128x128xf32, #tpu.memory_space<vmem>> -> memref<128x128xf32, #tpu.memory_space<vmem>>
      %dma_start3A_48 = arith.constant 0 : i32
      %dma_start3A_49 = tpu.memref_slice %arg6[%add3A_12, %dma_start3A_48] : memref<10112x128xf32, #tpu.memory_space<vmem_shared>> -> memref<128x128xf32, #tpu.memory_space<vmem_shared>>
      %dma_start3A_50 = arith.constant 0 : i32
      %dma_start3A_51 = tpu.memref_slice %arg6[%add3A_12, %dma_start3A_50] : memref<10112x128xf32, #tpu.memory_space<vmem_shared>> -> memref<128x128xf32, #tpu.memory_space<vmem_shared>>
      %dma_start3A_52 = arith.constant 0 : i32
      %dma_start3A_53 = arith.constant 0 : i32
      %dma_start3A_54 = tpu.memref_slice %arg5[%dma_start3A_52, %dma_start3A_53] : memref<128x128xf32, #tpu.memory_space<vmem>> -> memref<128x128xf32, #tpu.memory_space<vmem>>
      tpu.enqueue_dma source(%dma_start3A_54 : memref<128x128xf32, #tpu.memory_space<vmem>>) target(%dma_start3A_51 : memref<128x128xf32, #tpu.memory_space<vmem_shared>>) target_semaphore(%run_scoped3A : memref<!tpu.dma_semaphore, #tpu.memory_space<semaphore_mem>>)
      %dma_wait3A = arith.constant 0 : i32
      %dma_wait3A_55 = arith.constant 0 : i32
      %dma_wait3A_56 = tpu.memref_slice %arg5[%dma_wait3A, %dma_wait3A_55] : memref<128x128xf32, #tpu.memory_space<vmem>> -> memref<128x128xf32, #tpu.memory_space<vmem>>
      %dma_wait3A_57 = arith.constant 0 : i32
      %dma_wait3A_58 = tpu.memref_slice %arg6[%add3A_12, %dma_wait3A_57] : memref<10112x128xf32, #tpu.memory_space<vmem_shared>> -> memref<128x128xf32, #tpu.memory_space<vmem_shared>>
      %dma_wait3A_59 = arith.constant 0 : i32
      %dma_wait3A_60 = tpu.memref_slice %arg6[%add3A_12, %dma_wait3A_59] : memref<10112x128xf32, #tpu.memory_space<vmem_shared>> -> memref<128x128xf32, #tpu.memory_space<vmem_shared>>
      %dma_wait3A_61 = arith.constant 0 : i32
      %dma_wait3A_62 = arith.constant 0 : i32
      %dma_wait3A_63 = tpu.memref_slice %arg5[%dma_wait3A_61, %dma_wait3A_62] : memref<128x128xf32, #tpu.memory_space<vmem>> -> memref<128x128xf32, #tpu.memory_space<vmem>>
      tpu.wait_dma2 semaphore(%run_scoped3A : memref<!tpu.dma_semaphore, #tpu.memory_space<semaphore_mem>>) src(%dma_wait3A_63 : memref<128x128xf32, #tpu.memory_space<vmem>>) dst(%dma_wait3A_60 : memref<128x128xf32, #tpu.memory_space<vmem_shared>>)
      tpu.yield
    }) : () -> ()
    %mul3A_13 = arith.constant 632 : i32
    %mul3A_14 = arith.muli %arg1, %mul3A_13 : i32
    %add3A_15 = arith.constant 128 : i32
    %add3A_16 = arith.addi %mul3A_14, %add3A_15 : i32
    "tpu.region"() ({
      %run_scoped3A = tpu.sem_alloc : memref<!tpu.dma_semaphore, #tpu.memory_space<semaphore_mem>>
      %dma_start3A = arith.constant 0 : i32
      %dma_start3A_46 = arith.constant 0 : i32
      %dma_start3A_47 = tpu.memref_slice %arg5[%dma_start3A, %dma_start3A_46] : memref<128x128xf32, #tpu.memory_space<vmem>> -> memref<128x128xf32, #tpu.memory_space<vmem>>
      %dma_start3A_48 = arith.constant 0 : i32
      %dma_start3A_49 = tpu.memref_slice %arg6[%add3A_16, %dma_start3A_48] : memref<10112x128xf32, #tpu.memory_space<vmem_shared>> -> memref<128x128xf32, #tpu.memory_space<vmem_shared>>
      %dma_start3A_50 = arith.constant 0 : i32
      %dma_start3A_51 = tpu.memref_slice %arg6[%add3A_16, %dma_start3A_50] : memref<10112x128xf32, #tpu.memory_space<vmem_shared>> -> memref<128x128xf32, #tpu.memory_space<vmem_shared>>
      %dma_start3A_52 = arith.constant 0 : i32
      %dma_start3A_53 = arith.constant 0 : i32
      %dma_start3A_54 = tpu.memref_slice %arg5[%dma_start3A_52, %dma_start3A_53] : memref<128x128xf32, #tpu.memory_space<vmem>> -> memref<128x128xf32, #tpu.memory_space<vmem>>
      tpu.enqueue_dma source(%dma_start3A_54 : memref<128x128xf32, #tpu.memory_space<vmem>>) target(%dma_start3A_51 : memref<128x128xf32, #tpu.memory_space<vmem_shared>>) target_semaphore(%run_scoped3A : memref<!tpu.dma_semaphore, #tpu.memory_space<semaphore_mem>>)
      %dma_wait3A = arith.constant 0 : i32
      %dma_wait3A_55 = arith.constant 0 : i32
      %dma_wait3A_56 = tpu.memref_slice %arg5[%dma_wait3A, %dma_wait3A_55] : memref<128x128xf32, #tpu.memory_space<vmem>> -> memref<128x128xf32, #tpu.memory_space<vmem>>
      %dma_wait3A_57 = arith.constant 0 : i32
      %dma_wait3A_58 = tpu.memref_slice %arg6[%add3A_16, %dma_wait3A_57] : memref<10112x128xf32, #tpu.memory_space<vmem_shared>> -> memref<128x128xf32, #tpu.memory_space<vmem_shared>>
      %dma_wait3A_59 = arith.constant 0 : i32
      %dma_wait3A_60 = tpu.memref_slice %arg6[%add3A_16, %dma_wait3A_59] : memref<10112x128xf32, #tpu.memory_space<vmem_shared>> -> memref<128x128xf32, #tpu.memory_space<vmem_shared>>
      %dma_wait3A_61 = arith.constant 0 : i32
      %dma_wait3A_62 = arith.constant 0 : i32
      %dma_wait3A_63 = tpu.memref_slice %arg5[%dma_wait3A_61, %dma_wait3A_62] : memref<128x128xf32, #tpu.memory_space<vmem>> -> memref<128x128xf32, #tpu.memory_space<vmem>>
      tpu.wait_dma2 semaphore(%run_scoped3A : memref<!tpu.dma_semaphore, #tpu.memory_space<semaphore_mem>>) src(%dma_wait3A_63 : memref<128x128xf32, #tpu.memory_space<vmem>>) dst(%dma_wait3A_60 : memref<128x128xf32, #tpu.memory_space<vmem_shared>>)
      tpu.yield
    }) : () -> ()
    %mul3A_17 = arith.constant 632 : i32
    %mul3A_18 = arith.muli %arg1, %mul3A_17 : i32
    %add3A_19 = arith.constant 256 : i32
    %add3A_20 = arith.addi %mul3A_18, %add3A_19 : i32
    "tpu.region"() ({
      %run_scoped3A = tpu.sem_alloc : memref<!tpu.dma_semaphore, #tpu.memory_space<semaphore_mem>>
      %dma_start3A = arith.constant 0 : i32
      %dma_start3A_46 = arith.constant 0 : i32
      %dma_start3A_47 = tpu.memref_slice %arg5[%dma_start3A, %dma_start3A_46] : memref<128x128xf32, #tpu.memory_space<vmem>> -> memref<128x128xf32, #tpu.memory_space<vmem>>
      %dma_start3A_48 = arith.constant 0 : i32
      %dma_start3A_49 = tpu.memref_slice %arg6[%add3A_20, %dma_start3A_48] : memref<10112x128xf32, #tpu.memory_space<vmem_shared>> -> memref<128x128xf32, #tpu.memory_space<vmem_shared>>
      %dma_start3A_50 = arith.constant 0 : i32
      %dma_start3A_51 = tpu.memref_slice %arg6[%add3A_20, %dma_start3A_50] : memref<10112x128xf32, #tpu.memory_space<vmem_shared>> -> memref<128x128xf32, #tpu.memory_space<vmem_shared>>
      %dma_start3A_52 = arith.constant 0 : i32
      %dma_start3A_53 = arith.constant 0 : i32
      %dma_start3A_54 = tpu.memref_slice %arg5[%dma_start3A_52, %dma_start3A_53] : memref<128x128xf32, #tpu.memory_space<vmem>> -> memref<128x128xf32, #tpu.memory_space<vmem>>
      tpu.enqueue_dma source(%dma_start3A_54 : memref<128x128xf32, #tpu.memory_space<vmem>>) target(%dma_start3A_51 : memref<128x128xf32, #tpu.memory_space<vmem_shared>>) target_semaphore(%run_scoped3A : memref<!tpu.dma_semaphore, #tpu.memory_space<semaphore_mem>>)
      %dma_wait3A = arith.constant 0 : i32
      %dma_wait3A_55 = arith.constant 0 : i32
      %dma_wait3A_56 = tpu.memref_slice %arg5[%dma_wait3A, %dma_wait3A_55] : memref<128x128xf32, #tpu.memory_space<vmem>> -> memref<128x128xf32, #tpu.memory_space<vmem>>
      %dma_wait3A_57 = arith.constant 0 : i32
      %dma_wait3A_58 = tpu.memref_slice %arg6[%add3A_20, %dma_wait3A_57] : memref<10112x128xf32, #tpu.memory_space<vmem_shared>> -> memref<128x128xf32, #tpu.memory_space<vmem_shared>>
      %dma_wait3A_59 = arith.constant 0 : i32
      %dma_wait3A_60 = tpu.memref_slice %arg6[%add3A_20, %dma_wait3A_59] : memref<10112x128xf32, #tpu.memory_space<vmem_shared>> -> memref<128x128xf32, #tpu.memory_space<vmem_shared>>
      %dma_wait3A_61 = arith.constant 0 : i32
      %dma_wait3A_62 = arith.constant 0 : i32
      %dma_wait3A_63 = tpu.memref_slice %arg5[%dma_wait3A_61, %dma_wait3A_62] : memref<128x128xf32, #tpu.memory_space<vmem>> -> memref<128x128xf32, #tpu.memory_space<vmem>>
      tpu.wait_dma2 semaphore(%run_scoped3A : memref<!tpu.dma_semaphore, #tpu.memory_space<semaphore_mem>>) src(%dma_wait3A_63 : memref<128x128xf32, #tpu.memory_space<vmem>>) dst(%dma_wait3A_60 : memref<128x128xf32, #tpu.memory_space<vmem_shared>>)
      tpu.yield
    }) : () -> ()
    %mul3A_21 = arith.constant 632 : i32
    %mul3A_22 = arith.muli %arg1, %mul3A_21 : i32
    %add3A_23 = arith.constant 384 : i32
    %add3A_24 = arith.addi %mul3A_22, %add3A_23 : i32
    "tpu.region"() ({
      %run_scoped3A = tpu.sem_alloc : memref<!tpu.dma_semaphore, #tpu.memory_space<semaphore_mem>>
      %dma_start3A = arith.constant 0 : i32
      %dma_start3A_46 = arith.constant 0 : i32
      %dma_start3A_47 = tpu.memref_slice %arg5[%dma_start3A, %dma_start3A_46] : memref<128x128xf32, #tpu.memory_space<vmem>> -> memref<128x128xf32, #tpu.memory_space<vmem>>
      %dma_start3A_48 = arith.constant 0 : i32
      %dma_start3A_49 = tpu.memref_slice %arg6[%add3A_24, %dma_start3A_48] : memref<10112x128xf32, #tpu.memory_space<vmem_shared>> -> memref<128x128xf32, #tpu.memory_space<vmem_shared>>
      %dma_start3A_50 = arith.constant 0 : i32
      %dma_start3A_51 = tpu.memref_slice %arg6[%add3A_24, %dma_start3A_50] : memref<10112x128xf32, #tpu.memory_space<vmem_shared>> -> memref<128x128xf32, #tpu.memory_space<vmem_shared>>
      %dma_start3A_52 = arith.constant 0 : i32
      %dma_start3A_53 = arith.constant 0 : i32
      %dma_start3A_54 = tpu.memref_slice %arg5[%dma_start3A_52, %dma_start3A_53] : memref<128x128xf32, #tpu.memory_space<vmem>> -> memref<128x128xf32, #tpu.memory_space<vmem>>
      tpu.enqueue_dma source(%dma_start3A_54 : memref<128x128xf32, #tpu.memory_space<vmem>>) target(%dma_start3A_51 : memref<128x128xf32, #tpu.memory_space<vmem_shared>>) target_semaphore(%run_scoped3A : memref<!tpu.dma_semaphore, #tpu.memory_space<semaphore_mem>>)
      %dma_wait3A = arith.constant 0 : i32
      %dma_wait3A_55 = arith.constant 0 : i32
      %dma_wait3A_56 = tpu.memref_slice %arg5[%dma_wait3A, %dma_wait3A_55] : memref<128x128xf32, #tpu.memory_space<vmem>> -> memref<128x128xf32, #tpu.memory_space<vmem>>
      %dma_wait3A_57 = arith.constant 0 : i32
      %dma_wait3A_58 = tpu.memref_slice %arg6[%add3A_24, %dma_wait3A_57] : memref<10112x128xf32, #tpu.memory_space<vmem_shared>> -> memref<128x128xf32, #tpu.memory_space<vmem_shared>>
      %dma_wait3A_59 = arith.constant 0 : i32
      %dma_wait3A_60 = tpu.memref_slice %arg6[%add3A_24, %dma_wait3A_59] : memref<10112x128xf32, #tpu.memory_space<vmem_shared>> -> memref<128x128xf32, #tpu.memory_space<vmem_shared>>
      %dma_wait3A_61 = arith.constant 0 : i32
      %dma_wait3A_62 = arith.constant 0 : i32
      %dma_wait3A_63 = tpu.memref_slice %arg5[%dma_wait3A_61, %dma_wait3A_62] : memref<128x128xf32, #tpu.memory_space<vmem>> -> memref<128x128xf32, #tpu.memory_space<vmem>>
      tpu.wait_dma2 semaphore(%run_scoped3A : memref<!tpu.dma_semaphore, #tpu.memory_space<semaphore_mem>>) src(%dma_wait3A_63 : memref<128x128xf32, #tpu.memory_space<vmem>>) dst(%dma_wait3A_60 : memref<128x128xf32, #tpu.memory_space<vmem_shared>>)
      tpu.yield
    }) : () -> ()
    %mul3A_25 = arith.constant 632 : i32
    %mul3A_26 = arith.muli %arg1, %mul3A_25 : i32
    %add3A_27 = arith.constant 512 : i32
    %add3A_28 = arith.addi %mul3A_26, %add3A_27 : i32
    "tpu.region"() ({
      %run_scoped3A = tpu.sem_alloc : memref<!tpu.dma_semaphore, #tpu.memory_space<semaphore_mem>>
      %dma_start3A = arith.constant 0 : i32
      %dma_start3A_46 = arith.constant 0 : i32
      %dma_start3A_47 = tpu.memref_slice %arg5[%dma_start3A, %dma_start3A_46] : memref<128x128xf32, #tpu.memory_space<vmem>> -> memref<120x128xf32, #tpu.memory_space<vmem>>
      %dma_start3A_48 = arith.constant 0 : i32
      %dma_start3A_49 = tpu.memref_slice %arg6[%add3A_28, %dma_start3A_48] : memref<10112x128xf32, #tpu.memory_space<vmem_shared>> -> memref<120x128xf32, #tpu.memory_space<vmem_shared>>
      %dma_start3A_50 = arith.constant 0 : i32
      %dma_start3A_51 = tpu.memref_slice %arg6[%add3A_28, %dma_start3A_50] : memref<10112x128xf32, #tpu.memory_space<vmem_shared>> -> memref<120x128xf32, #tpu.memory_space<vmem_shared>>
      %dma_start3A_52 = arith.constant 0 : i32
      %dma_start3A_53 = arith.constant 0 : i32
      %dma_start3A_54 = tpu.memref_slice %arg5[%dma_start3A_52, %dma_start3A_53] : memref<128x128xf32, #tpu.memory_space<vmem>> -> memref<120x128xf32, #tpu.memory_space<vmem>>
      tpu.enqueue_dma source(%dma_start3A_54 : memref<120x128xf32, #tpu.memory_space<vmem>>) target(%dma_start3A_51 : memref<120x128xf32, #tpu.memory_space<vmem_shared>>) target_semaphore(%run_scoped3A : memref<!tpu.dma_semaphore, #tpu.memory_space<semaphore_mem>>)
      %dma_wait3A = arith.constant 0 : i32
      %dma_wait3A_55 = arith.constant 0 : i32
      %dma_wait3A_56 = tpu.memref_slice %arg5[%dma_wait3A, %dma_wait3A_55] : memref<128x128xf32, #tpu.memory_space<vmem>> -> memref<120x128xf32, #tpu.memory_space<vmem>>
      %dma_wait3A_57 = arith.constant 0 : i32
      %dma_wait3A_58 = tpu.memref_slice %arg6[%add3A_28, %dma_wait3A_57] : memref<10112x128xf32, #tpu.memory_space<vmem_shared>> -> memref<120x128xf32, #tpu.memory_space<vmem_shared>>
      %dma_wait3A_59 = arith.constant 0 : i32
      %dma_wait3A_60 = tpu.memref_slice %arg6[%add3A_28, %dma_wait3A_59] : memref<10112x128xf32, #tpu.memory_space<vmem_shared>> -> memref<120x128xf32, #tpu.memory_space<vmem_shared>>
      %dma_wait3A_61 = arith.constant 0 : i32
      %dma_wait3A_62 = arith.constant 0 : i32
      %dma_wait3A_63 = tpu.memref_slice %arg5[%dma_wait3A_61, %dma_wait3A_62] : memref<128x128xf32, #tpu.memory_space<vmem>> -> memref<120x128xf32, #tpu.memory_space<vmem>>
      tpu.wait_dma2 semaphore(%run_scoped3A : memref<!tpu.dma_semaphore, #tpu.memory_space<semaphore_mem>>) src(%dma_wait3A_63 : memref<120x128xf32, #tpu.memory_space<vmem>>) dst(%dma_wait3A_60 : memref<120x128xf32, #tpu.memory_space<vmem_shared>>)
      tpu.yield
    }) : () -> ()
    %scan3A_29 = arith.constant 0 : i32
    %scan3A_30 = arith.constant 0 : i32
    %scan3A_31 = arith.constant 128 : i32
    %scan3A_32 = arith.addi %scan3A_30, %scan3A_31 : i32
    %scan3A_33 = arith.constant 1 : i32
    scf.for %scan3A_46 = %scan3A_30 to %scan3A_32 step %scan3A_33  : i32 {
      %swap3A = arith.index_cast %scan3A_46 : i32 to index
      %swap3A_47 = arith.constant 0 : index
      %swap3A_48 = tpu.vector_load %arg5[%swap3A, %swap3A_47] {strides = array<i32>} : memref<128x128xf32, #tpu.memory_space<vmem>>, vector<1x16xf32>,
      %swap3A_49 = vector.shape_cast %swap3A_48 : vector<1x16xf32> to vector<16xf32>
      %swap3A_50 = vector.shape_cast %broadcast_in_dim3A_3 : vector<16xf32> to vector<1x16xf32>
      tpu.vector_store %arg5[%swap3A, %swap3A_47], %swap3A_50 {strides = array<i32>} : memref<128x128xf32, #tpu.memory_space<vmem>>, vector<1x16xf32>,
      %swap3A_51 = arith.index_cast %scan3A_46 : i32 to index
      %swap3A_52 = arith.constant 16 : index
      %swap3A_53 = tpu.vector_load %arg5[%swap3A_51, %swap3A_52] {strides = array<i32>} : memref<128x128xf32, #tpu.memory_space<vmem>>, vector<1x16xf32>,
      %swap3A_54 = vector.shape_cast %swap3A_53 : vector<1x16xf32> to vector<16xf32>
      %swap3A_55 = vector.shape_cast %broadcast_in_dim3A_3 : vector<16xf32> to vector<1x16xf32>
      tpu.vector_store %arg5[%swap3A_51, %swap3A_52], %swap3A_55 {strides = array<i32>} : memref<128x128xf32, #tpu.memory_space<vmem>>, vector<1x16xf32>,
      %swap3A_56 = arith.index_cast %scan3A_46 : i32 to index
      %swap3A_57 = arith.constant 32 : index
      %swap3A_58 = tpu.vector_load %arg5[%swap3A_56, %swap3A_57] {strides = array<i32>} : memref<128x128xf32, #tpu.memory_space<vmem>>, vector<1x16xf32>,
      %swap3A_59 = vector.shape_cast %swap3A_58 : vector<1x16xf32> to vector<16xf32>
      %swap3A_60 = vector.shape_cast %broadcast_in_dim3A_3 : vector<16xf32> to vector<1x16xf32>
      tpu.vector_store %arg5[%swap3A_56, %swap3A_57], %swap3A_60 {strides = array<i32>} : memref<128x128xf32, #tpu.memory_space<vmem>>, vector<1x16xf32>,
      %swap3A_61 = arith.index_cast %scan3A_46 : i32 to index
      %swap3A_62 = arith.constant 48 : index
      %swap3A_63 = tpu.vector_load %arg5[%swap3A_61, %swap3A_62] {strides = array<i32>} : memref<128x128xf32, #tpu.memory_space<vmem>>, vector<1x16xf32>,
      %swap3A_64 = vector.shape_cast %swap3A_63 : vector<1x16xf32> to vector<16xf32>
      %swap3A_65 = vector.shape_cast %broadcast_in_dim3A_3 : vector<16xf32> to vector<1x16xf32>
      tpu.vector_store %arg5[%swap3A_61, %swap3A_62], %swap3A_65 {strides = array<i32>} : memref<128x128xf32, #tpu.memory_space<vmem>>, vector<1x16xf32>,
      %swap3A_66 = arith.index_cast %scan3A_46 : i32 to index
      %swap3A_67 = arith.constant 64 : index
      %swap3A_68 = tpu.vector_load %arg5[%swap3A_66, %swap3A_67] {strides = array<i32>} : memref<128x128xf32, #tpu.memory_space<vmem>>, vector<1x16xf32>,
      %swap3A_69 = vector.shape_cast %swap3A_68 : vector<1x16xf32> to vector<16xf32>
      %swap3A_70 = vector.shape_cast %broadcast_in_dim3A_3 : vector<16xf32> to vector<1x16xf32>
      tpu.vector_store %arg5[%swap3A_66, %swap3A_67], %swap3A_70 {strides = array<i32>} : memref<128x128xf32, #tpu.memory_space<vmem>>, vector<1x16xf32>,
      %swap3A_71 = arith.index_cast %scan3A_46 : i32 to index
      %swap3A_72 = arith.constant 80 : index
      %swap3A_73 = tpu.vector_load %arg5[%swap3A_71, %swap3A_72] {strides = array<i32>} : memref<128x128xf32, #tpu.memory_space<vmem>>, vector<1x16xf32>,
      %swap3A_74 = vector.shape_cast %swap3A_73 : vector<1x16xf32> to vector<16xf32>
      %swap3A_75 = vector.shape_cast %broadcast_in_dim3A_3 : vector<16xf32> to vector<1x16xf32>
      tpu.vector_store %arg5[%swap3A_71, %swap3A_72], %swap3A_75 {strides = array<i32>} : memref<128x128xf32, #tpu.memory_space<vmem>>, vector<1x16xf32>,
      %swap3A_76 = arith.index_cast %scan3A_46 : i32 to index
      %swap3A_77 = arith.constant 96 : index
      %swap3A_78 = tpu.vector_load %arg5[%swap3A_76, %swap3A_77] {strides = array<i32>} : memref<128x128xf32, #tpu.memory_space<vmem>>, vector<1x16xf32>,
      %swap3A_79 = vector.shape_cast %swap3A_78 : vector<1x16xf32> to vector<16xf32>
      %swap3A_80 = vector.shape_cast %broadcast_in_dim3A_3 : vector<16xf32> to vector<1x16xf32>
      tpu.vector_store %arg5[%swap3A_76, %swap3A_77], %swap3A_80 {strides = array<i32>} : memref<128x128xf32, #tpu.memory_space<vmem>>, vector<1x16xf32>,
      %swap3A_81 = arith.index_cast %scan3A_46 : i32 to index
      %swap3A_82 = arith.constant 112 : index
      %swap3A_83 = tpu.vector_load %arg5[%swap3A_81, %swap3A_82] {strides = array<i32>} : memref<128x128xf32, #tpu.memory_space<vmem>>, vector<1x16xf32>,
      %swap3A_84 = vector.shape_cast %swap3A_83 : vector<1x16xf32> to vector<16xf32>
      %swap3A_85 = vector.shape_cast %broadcast_in_dim3A_3 : vector<16xf32> to vector<1x16xf32>
      tpu.vector_store %arg5[%swap3A_81, %swap3A_82], %swap3A_85 {strides = array<i32>} : memref<128x128xf32, #tpu.memory_space<vmem>>, vector<1x16xf32>,
    }
    %scan3A_34 = arith.constant 128 : i32
    %barrier3A = arith.constant 0 : index
    tpu.barrier barrier_id(%barrier3A)
    %scan3A_35 = arith.constant 0 : i32
    %scan3A_36 = arith.constant 0 : i32
    %scan3A_37 = arith.constant 79 : i32
    %scan3A_38 = arith.addi %scan3A_36, %scan3A_37 : i32
    %scan3A_39 = arith.constant 1 : i32
    scf.for %scan3A_46 = %scan3A_36 to %scan3A_38 step %scan3A_39  : i32 {
      %mul3A_47 = arith.constant 10112 : i32
      %mul3A_48 = arith.muli %add3A, %mul3A_47 : i32
      %mul3A_49 = arith.constant 128 : i32
      %mul3A_50 = arith.muli %scan3A_46, %mul3A_49 : i32
      %add3A_51 = arith.addi %mul3A_48, %mul3A_50 : i32
      "tpu.region"() ({
        %run_scoped3A = tpu.sem_alloc : memref<!tpu.dma_semaphore, #tpu.memory_space<semaphore_mem>>
        %dma_start3A = tpu.memref_slice %arg2[%add3A_51] : memref<323584xi32, #tpu.memory_space<hbm>> -> memref<128xi32, #tpu.memory_space<hbm>>
        %dma_start3A_52 = tpu.memref_slice %arg2[%add3A_51] : memref<323584xi32, #tpu.memory_space<hbm>> -> memref<128xi32, #tpu.memory_space<hbm>>
        tpu.enqueue_dma source(%dma_start3A_52 : memref<128xi32, #tpu.memory_space<hbm>>) target(%arg4 : memref<128xi32, #tpu.memory_space<vmem>>) target_semaphore(%run_scoped3A : memref<!tpu.dma_semaphore, #tpu.memory_space<semaphore_mem>>)
        %dma_wait3A = tpu.memref_slice %arg2[%add3A_51] : memref<323584xi32, #tpu.memory_space<hbm>> -> memref<128xi32, #tpu.memory_space<hbm>>
        %dma_wait3A_53 = tpu.memref_slice %arg2[%add3A_51] : memref<323584xi32, #tpu.memory_space<hbm>> -> memref<128xi32, #tpu.memory_space<hbm>>
        tpu.wait_dma2 semaphore(%run_scoped3A : memref<!tpu.dma_semaphore, #tpu.memory_space<semaphore_mem>>) src(%dma_wait3A_53 : memref<128xi32, #tpu.memory_space<hbm>>) dst(%arg4 : memref<128xi32, #tpu.memory_space<vmem>>)
        tpu.yield
      }) : () -> ()
      "tpu.region"() ({
        %run_scoped3A = tpu.sem_alloc : memref<!tpu.dma_semaphore, #tpu.memory_space<semaphore_mem>>
        %dma_start3A = arith.constant 0 : i32
        %dma_start3A_52 = arith.constant 0 : i32
        %dma_start3A_53 = tpu.memref_slice %arg6[%dma_start3A, %dma_start3A_52] : memref<10112x128xf32, #tpu.memory_space<vmem_shared>> -> memref<10112x128xf32, #tpu.memory_space<vmem_shared>>
        tpu.enqueue_indirect_dma source(%arg5 : memref<128x128xf32, #tpu.memory_space<vmem>>) target(%dma_start3A_53 : memref<10112x128xf32, #tpu.memory_space<vmem_shared>>) offsets(%arg4 : memref<128xi32, #tpu.memory_space<vmem>>) semaphore(%run_scoped3A : memref<!tpu.dma_semaphore, #tpu.memory_space<semaphore_mem>>) {add = true}
        %dma_wait3A = arith.constant 0 : i32
        %dma_wait3A_54 = arith.constant 0 : i32
        %dma_wait3A_55 = tpu.memref_slice %arg6[%dma_wait3A, %dma_wait3A_54] : memref<10112x128xf32, #tpu.memory_space<vmem_shared>> -> memref<10112x128xf32, #tpu.memory_space<vmem_shared>>
        tpu.wait_indirect_dma semaphore(%run_scoped3A : memref<!tpu.dma_semaphore, #tpu.memory_space<semaphore_mem>>) src(%arg5 : memref<128x128xf32, #tpu.memory_space<vmem>>) dst(%dma_wait3A_55 : memref<10112x128xf32, #tpu.memory_space<vmem_shared>>)
        tpu.yield
      }) : () -> ()
    }
    %scan3A_40 = arith.constant 79 : i32
    %barrier3A_41 = arith.constant 0 : index
    tpu.barrier barrier_id(%barrier3A_41)
    %mul3A_42 = arith.constant 632 : i32
    %mul3A_43 = arith.muli %arg1, %mul3A_42 : i32
    %mul3A_44 = arith.constant 632 : i32
    %mul3A_45 = arith.muli %arg1, %mul3A_44 : i32
    "tpu.region"() ({
      %run_scoped3A = tpu.sem_alloc : memref<!tpu.dma_semaphore, #tpu.memory_space<semaphore_mem>>
      %dma_start3A = arith.constant 0 : i32
      %dma_start3A_46 = tpu.memref_slice %arg3[%arg0, %mul3A_45, %dma_start3A] : memref<2x10112x128xf32, #tpu.memory_space<hbm>> -> memref<1x632x128xf32, #tpu.memory_space<hbm>>
      %dma_start3A_47 = tpu.memref_squeeze %dma_start3A_46 : memref<1x632x128xf32, #tpu.memory_space<hbm>> -> memref<632x128xf32, #tpu.memory_space<hbm>>
      %dma_start3A_48 = arith.constant 0 : i32
      %dma_start3A_49 = tpu.memref_slice %arg6[%mul3A_43, %dma_start3A_48] : memref<10112x128xf32, #tpu.memory_space<vmem_shared>> -> memref<632x128xf32, #tpu.memory_space<vmem_shared>>
      tpu.enqueue_dma source(%dma_start3A_49 : memref<632x128xf32, #tpu.memory_space<vmem_shared>>) target(%dma_start3A_47 : memref<632x128xf32, #tpu.memory_space<hbm>>) target_semaphore(%run_scoped3A : memref<!tpu.dma_semaphore, #tpu.memory_space<semaphore_mem>>)
      %dma_wait3A = arith.constant 0 : i32
      %dma_wait3A_50 = tpu.memref_slice %arg3[%arg0, %mul3A_45, %dma_wait3A] : memref<2x10112x128xf32, #tpu.memory_space<hbm>> -> memref<1x632x128xf32, #tpu.memory_space<hbm>>
      %dma_wait3A_51 = tpu.memref_squeeze %dma_wait3A_50 : memref<1x632x128xf32, #tpu.memory_space<hbm>> -> memref<632x128xf32, #tpu.memory_space<hbm>>
      %dma_wait3A_52 = arith.constant 0 : i32
      %dma_wait3A_53 = tpu.memref_slice %arg6[%mul3A_43, %dma_wait3A_52] : memref<10112x128xf32, #tpu.memory_space<vmem_shared>> -> memref<632x128xf32, #tpu.memory_space<vmem_shared>>
      tpu.wait_dma2 semaphore(%run_scoped3A : memref<!tpu.dma_semaphore, #tpu.memory_space<semaphore_mem>>) src(%dma_wait3A_53 : memref<632x128xf32, #tpu.memory_space<vmem_shared>>) dst(%dma_wait3A_51 : memref<632x128xf32, #tpu.memory_space<hbm>>)
      tpu.yield
    }) : () -> ()
    return
  }
}

#map = affine_map<(d0, d1) -> (0, 0)>
#map1 = affine_map<(d0, d1) -> (0)>
#map2 = affine_map<(d0, d1) -> (0, 0, 0)>
module attributes {stable_mosaic.version = 14 : i64} {
  func.func @body(%arg0: i32, %arg1: i32, %arg2: memref<10112x128xf32, #tpu.memory_space<hbm>>, %arg3: memref<323584xi32, #tpu.memory_space<hbm>>, %arg4: memref<323584xi32, #tpu.memory_space<hbm>>, %arg5: memref<2x10112x128xf32, #tpu.memory_space<hbm>>, %arg6: memref<128xi32, #tpu.memory_space<vmem>>, %arg7: memref<128xi32, #tpu.memory_space<vmem>>, %arg8: memref<128x128xf32, #tpu.memory_space<vmem>>, %arg9: memref<10112x128xf32, #tpu.memory_space<vmem_shared>>, %arg10: memref<!tpu.dma_semaphore, #tpu.memory_space<semaphore_mem>>) attributes {dimension_semantics = [#tpu.dimension_semantics<core_parallel>, #tpu.dimension_semantics<subcore_parallel>], iteration_bounds = array<i64: 2, 16>, scalar_prefetch = 0 : i64, scratch_operands = 5 : i64, tpu.core_type = #tpu.core_type<sc_vector_subcore>, window_params = [{transform_indices = #map}, {transform_indices = #map1}, {transform_indices = #map1}, {transform_indices = #map2}]} {
    %mul3A = arith.constant 2 : i32
    %mul3A_0 = arith.muli %arg1, %mul3A : i32
    %add3A = arith.addi %mul3A_0, %arg0 : i32
    %broadcast_in_dim3A = arith.constant 0.000000e+00 : f32
    %broadcast_in_dim3A_1 = vector.broadcast %broadcast_in_dim3A : f32 to vector<16xf32>
    %scan3A = arith.constant 0 : i32
    %scan3A_2 = arith.constant 0 : i32
    %scan3A_3 = arith.constant 128 : i32
    %scan3A_4 = arith.addi %scan3A_2, %scan3A_3 : i32
    %scan3A_5 = arith.constant 1 : i32
    scf.for %scan3A_38 = %scan3A_2 to %scan3A_4 step %scan3A_5  : i32 {
      %swap3A = arith.index_cast %scan3A_38 : i32 to index
      %swap3A_39 = arith.constant 0 : index
      %swap3A_40 = tpu.vector_load %arg8[%swap3A, %swap3A_39] {strides = array<i32>} : memref<128x128xf32, #tpu.memory_space<vmem>>, vector<1x16xf32>,
      %swap3A_41 = vector.shape_cast %swap3A_40 : vector<1x16xf32> to vector<16xf32>
      %swap3A_42 = vector.shape_cast %broadcast_in_dim3A_1 : vector<16xf32> to vector<1x16xf32>
      tpu.vector_store %arg8[%swap3A, %swap3A_39], %swap3A_42 {strides = array<i32>} : memref<128x128xf32, #tpu.memory_space<vmem>>, vector<1x16xf32>,
      %swap3A_43 = arith.index_cast %scan3A_38 : i32 to index
      %swap3A_44 = arith.constant 16 : index
      %swap3A_45 = tpu.vector_load %arg8[%swap3A_43, %swap3A_44] {strides = array<i32>} : memref<128x128xf32, #tpu.memory_space<vmem>>, vector<1x16xf32>,
      %swap3A_46 = vector.shape_cast %swap3A_45 : vector<1x16xf32> to vector<16xf32>
      %swap3A_47 = vector.shape_cast %broadcast_in_dim3A_1 : vector<16xf32> to vector<1x16xf32>
      tpu.vector_store %arg8[%swap3A_43, %swap3A_44], %swap3A_47 {strides = array<i32>} : memref<128x128xf32, #tpu.memory_space<vmem>>, vector<1x16xf32>,
      %swap3A_48 = arith.index_cast %scan3A_38 : i32 to index
      %swap3A_49 = arith.constant 32 : index
      %swap3A_50 = tpu.vector_load %arg8[%swap3A_48, %swap3A_49] {strides = array<i32>} : memref<128x128xf32, #tpu.memory_space<vmem>>, vector<1x16xf32>,
      %swap3A_51 = vector.shape_cast %swap3A_50 : vector<1x16xf32> to vector<16xf32>
      %swap3A_52 = vector.shape_cast %broadcast_in_dim3A_1 : vector<16xf32> to vector<1x16xf32>
      tpu.vector_store %arg8[%swap3A_48, %swap3A_49], %swap3A_52 {strides = array<i32>} : memref<128x128xf32, #tpu.memory_space<vmem>>, vector<1x16xf32>,
      %swap3A_53 = arith.index_cast %scan3A_38 : i32 to index
      %swap3A_54 = arith.constant 48 : index
      %swap3A_55 = tpu.vector_load %arg8[%swap3A_53, %swap3A_54] {strides = array<i32>} : memref<128x128xf32, #tpu.memory_space<vmem>>, vector<1x16xf32>,
      %swap3A_56 = vector.shape_cast %swap3A_55 : vector<1x16xf32> to vector<16xf32>
      %swap3A_57 = vector.shape_cast %broadcast_in_dim3A_1 : vector<16xf32> to vector<1x16xf32>
      tpu.vector_store %arg8[%swap3A_53, %swap3A_54], %swap3A_57 {strides = array<i32>} : memref<128x128xf32, #tpu.memory_space<vmem>>, vector<1x16xf32>,
      %swap3A_58 = arith.index_cast %scan3A_38 : i32 to index
      %swap3A_59 = arith.constant 64 : index
      %swap3A_60 = tpu.vector_load %arg8[%swap3A_58, %swap3A_59] {strides = array<i32>} : memref<128x128xf32, #tpu.memory_space<vmem>>, vector<1x16xf32>,
      %swap3A_61 = vector.shape_cast %swap3A_60 : vector<1x16xf32> to vector<16xf32>
      %swap3A_62 = vector.shape_cast %broadcast_in_dim3A_1 : vector<16xf32> to vector<1x16xf32>
      tpu.vector_store %arg8[%swap3A_58, %swap3A_59], %swap3A_62 {strides = array<i32>} : memref<128x128xf32, #tpu.memory_space<vmem>>, vector<1x16xf32>,
      %swap3A_63 = arith.index_cast %scan3A_38 : i32 to index
      %swap3A_64 = arith.constant 80 : index
      %swap3A_65 = tpu.vector_load %arg8[%swap3A_63, %swap3A_64] {strides = array<i32>} : memref<128x128xf32, #tpu.memory_space<vmem>>, vector<1x16xf32>,
      %swap3A_66 = vector.shape_cast %swap3A_65 : vector<1x16xf32> to vector<16xf32>
      %swap3A_67 = vector.shape_cast %broadcast_in_dim3A_1 : vector<16xf32> to vector<1x16xf32>
      tpu.vector_store %arg8[%swap3A_63, %swap3A_64], %swap3A_67 {strides = array<i32>} : memref<128x128xf32, #tpu.memory_space<vmem>>, vector<1x16xf32>,
      %swap3A_68 = arith.index_cast %scan3A_38 : i32 to index
      %swap3A_69 = arith.constant 96 : index
      %swap3A_70 = tpu.vector_load %arg8[%swap3A_68, %swap3A_69] {strides = array<i32>} : memref<128x128xf32, #tpu.memory_space<vmem>>, vector<1x16xf32>,
      %swap3A_71 = vector.shape_cast %swap3A_70 : vector<1x16xf32> to vector<16xf32>
      %swap3A_72 = vector.shape_cast %broadcast_in_dim3A_1 : vector<16xf32> to vector<1x16xf32>
      tpu.vector_store %arg8[%swap3A_68, %swap3A_69], %swap3A_72 {strides = array<i32>} : memref<128x128xf32, #tpu.memory_space<vmem>>, vector<1x16xf32>,
      %swap3A_73 = arith.index_cast %scan3A_38 : i32 to index
      %swap3A_74 = arith.constant 112 : index
      %swap3A_75 = tpu.vector_load %arg8[%swap3A_73, %swap3A_74] {strides = array<i32>} : memref<128x128xf32, #tpu.memory_space<vmem>>, vector<1x16xf32>,
      %swap3A_76 = vector.shape_cast %swap3A_75 : vector<1x16xf32> to vector<16xf32>
      %swap3A_77 = vector.shape_cast %broadcast_in_dim3A_1 : vector<16xf32> to vector<1x16xf32>
      tpu.vector_store %arg8[%swap3A_73, %swap3A_74], %swap3A_77 {strides = array<i32>} : memref<128x128xf32, #tpu.memory_space<vmem>>, vector<1x16xf32>,
    }
    %scan3A_6 = arith.constant 128 : i32
    %mul3A_7 = arith.constant 632 : i32
    %mul3A_8 = arith.muli %arg1, %mul3A_7 : i32
    %add3A_9 = arith.constant 0 : i32
    %add3A_10 = arith.addi %mul3A_8, %add3A_9 : i32
    "tpu.region"() ({
      %run_scoped3A = tpu.sem_alloc : memref<!tpu.dma_semaphore, #tpu.memory_space<semaphore_mem>>
      %dma_start3A = arith.constant 0 : i32
      %dma_start3A_38 = arith.constant 0 : i32
      %dma_start3A_39 = tpu.memref_slice %arg8[%dma_start3A, %dma_start3A_38] : memref<128x128xf32, #tpu.memory_space<vmem>> -> memref<128x128xf32, #tpu.memory_space<vmem>>
      %dma_start3A_40 = arith.constant 0 : i32
      %dma_start3A_41 = tpu.memref_slice %arg9[%add3A_10, %dma_start3A_40] : memref<10112x128xf32, #tpu.memory_space<vmem_shared>> -> memref<128x128xf32, #tpu.memory_space<vmem_shared>>
      %dma_start3A_42 = arith.constant 0 : i32
      %dma_start3A_43 = tpu.memref_slice %arg9[%add3A_10, %dma_start3A_42] : memref<10112x128xf32, #tpu.memory_space<vmem_shared>> -> memref<128x128xf32, #tpu.memory_space<vmem_shared>>
      %dma_start3A_44 = arith.constant 0 : i32
      %dma_start3A_45 = arith.constant 0 : i32
      %dma_start3A_46 = tpu.memref_slice %arg8[%dma_start3A_44, %dma_start3A_45] : memref<128x128xf32, #tpu.memory_space<vmem>> -> memref<128x128xf32, #tpu.memory_space<vmem>>
      tpu.enqueue_dma source(%dma_start3A_46 : memref<128x128xf32, #tpu.memory_space<vmem>>) target(%dma_start3A_43 : memref<128x128xf32, #tpu.memory_space<vmem_shared>>) target_semaphore(%run_scoped3A : memref<!tpu.dma_semaphore, #tpu.memory_space<semaphore_mem>>)
      %dma_wait3A = arith.constant 0 : i32
      %dma_wait3A_47 = arith.constant 0 : i32
      %dma_wait3A_48 = tpu.memref_slice %arg8[%dma_wait3A, %dma_wait3A_47] : memref<128x128xf32, #tpu.memory_space<vmem>> -> memref<128x128xf32, #tpu.memory_space<vmem>>
      %dma_wait3A_49 = arith.constant 0 : i32
      %dma_wait3A_50 = tpu.memref_slice %arg9[%add3A_10, %dma_wait3A_49] : memref<10112x128xf32, #tpu.memory_space<vmem_shared>> -> memref<128x128xf32, #tpu.memory_space<vmem_shared>>
      %dma_wait3A_51 = arith.constant 0 : i32
      %dma_wait3A_52 = tpu.memref_slice %arg9[%add3A_10, %dma_wait3A_51] : memref<10112x128xf32, #tpu.memory_space<vmem_shared>> -> memref<128x128xf32, #tpu.memory_space<vmem_shared>>
      %dma_wait3A_53 = arith.constant 0 : i32
      %dma_wait3A_54 = arith.constant 0 : i32
      %dma_wait3A_55 = tpu.memref_slice %arg8[%dma_wait3A_53, %dma_wait3A_54] : memref<128x128xf32, #tpu.memory_space<vmem>> -> memref<128x128xf32, #tpu.memory_space<vmem>>
      tpu.wait_dma2 semaphore(%run_scoped3A : memref<!tpu.dma_semaphore, #tpu.memory_space<semaphore_mem>>) src(%dma_wait3A_55 : memref<128x128xf32, #tpu.memory_space<vmem>>) dst(%dma_wait3A_52 : memref<128x128xf32, #tpu.memory_space<vmem_shared>>)
      tpu.yield
    }) : () -> ()
    %mul3A_11 = arith.constant 632 : i32
    %mul3A_12 = arith.muli %arg1, %mul3A_11 : i32
    %add3A_13 = arith.constant 128 : i32
    %add3A_14 = arith.addi %mul3A_12, %add3A_13 : i32
    "tpu.region"() ({
      %run_scoped3A = tpu.sem_alloc : memref<!tpu.dma_semaphore, #tpu.memory_space<semaphore_mem>>
      %dma_start3A = arith.constant 0 : i32
      %dma_start3A_38 = arith.constant 0 : i32
      %dma_start3A_39 = tpu.memref_slice %arg8[%dma_start3A, %dma_start3A_38] : memref<128x128xf32, #tpu.memory_space<vmem>> -> memref<128x128xf32, #tpu.memory_space<vmem>>
      %dma_start3A_40 = arith.constant 0 : i32
      %dma_start3A_41 = tpu.memref_slice %arg9[%add3A_14, %dma_start3A_40] : memref<10112x128xf32, #tpu.memory_space<vmem_shared>> -> memref<128x128xf32, #tpu.memory_space<vmem_shared>>
      %dma_start3A_42 = arith.constant 0 : i32
      %dma_start3A_43 = tpu.memref_slice %arg9[%add3A_14, %dma_start3A_42] : memref<10112x128xf32, #tpu.memory_space<vmem_shared>> -> memref<128x128xf32, #tpu.memory_space<vmem_shared>>
      %dma_start3A_44 = arith.constant 0 : i32
      %dma_start3A_45 = arith.constant 0 : i32
      %dma_start3A_46 = tpu.memref_slice %arg8[%dma_start3A_44, %dma_start3A_45] : memref<128x128xf32, #tpu.memory_space<vmem>> -> memref<128x128xf32, #tpu.memory_space<vmem>>
      tpu.enqueue_dma source(%dma_start3A_46 : memref<128x128xf32, #tpu.memory_space<vmem>>) target(%dma_start3A_43 : memref<128x128xf32, #tpu.memory_space<vmem_shared>>) target_semaphore(%run_scoped3A : memref<!tpu.dma_semaphore, #tpu.memory_space<semaphore_mem>>)
      %dma_wait3A = arith.constant 0 : i32
      %dma_wait3A_47 = arith.constant 0 : i32
      %dma_wait3A_48 = tpu.memref_slice %arg8[%dma_wait3A, %dma_wait3A_47] : memref<128x128xf32, #tpu.memory_space<vmem>> -> memref<128x128xf32, #tpu.memory_space<vmem>>
      %dma_wait3A_49 = arith.constant 0 : i32
      %dma_wait3A_50 = tpu.memref_slice %arg9[%add3A_14, %dma_wait3A_49] : memref<10112x128xf32, #tpu.memory_space<vmem_shared>> -> memref<128x128xf32, #tpu.memory_space<vmem_shared>>
      %dma_wait3A_51 = arith.constant 0 : i32
      %dma_wait3A_52 = tpu.memref_slice %arg9[%add3A_14, %dma_wait3A_51] : memref<10112x128xf32, #tpu.memory_space<vmem_shared>> -> memref<128x128xf32, #tpu.memory_space<vmem_shared>>
      %dma_wait3A_53 = arith.constant 0 : i32
      %dma_wait3A_54 = arith.constant 0 : i32
      %dma_wait3A_55 = tpu.memref_slice %arg8[%dma_wait3A_53, %dma_wait3A_54] : memref<128x128xf32, #tpu.memory_space<vmem>> -> memref<128x128xf32, #tpu.memory_space<vmem>>
      tpu.wait_dma2 semaphore(%run_scoped3A : memref<!tpu.dma_semaphore, #tpu.memory_space<semaphore_mem>>) src(%dma_wait3A_55 : memref<128x128xf32, #tpu.memory_space<vmem>>) dst(%dma_wait3A_52 : memref<128x128xf32, #tpu.memory_space<vmem_shared>>)
      tpu.yield
    }) : () -> ()
    %mul3A_15 = arith.constant 632 : i32
    %mul3A_16 = arith.muli %arg1, %mul3A_15 : i32
    %add3A_17 = arith.constant 256 : i32
    %add3A_18 = arith.addi %mul3A_16, %add3A_17 : i32
    "tpu.region"() ({
      %run_scoped3A = tpu.sem_alloc : memref<!tpu.dma_semaphore, #tpu.memory_space<semaphore_mem>>
      %dma_start3A = arith.constant 0 : i32
      %dma_start3A_38 = arith.constant 0 : i32
      %dma_start3A_39 = tpu.memref_slice %arg8[%dma_start3A, %dma_start3A_38] : memref<128x128xf32, #tpu.memory_space<vmem>> -> memref<128x128xf32, #tpu.memory_space<vmem>>
      %dma_start3A_40 = arith.constant 0 : i32
      %dma_start3A_41 = tpu.memref_slice %arg9[%add3A_18, %dma_start3A_40] : memref<10112x128xf32, #tpu.memory_space<vmem_shared>> -> memref<128x128xf32, #tpu.memory_space<vmem_shared>>
      %dma_start3A_42 = arith.constant 0 : i32
      %dma_start3A_43 = tpu.memref_slice %arg9[%add3A_18, %dma_start3A_42] : memref<10112x128xf32, #tpu.memory_space<vmem_shared>> -> memref<128x128xf32, #tpu.memory_space<vmem_shared>>
      %dma_start3A_44 = arith.constant 0 : i32
      %dma_start3A_45 = arith.constant 0 : i32
      %dma_start3A_46 = tpu.memref_slice %arg8[%dma_start3A_44, %dma_start3A_45] : memref<128x128xf32, #tpu.memory_space<vmem>> -> memref<128x128xf32, #tpu.memory_space<vmem>>
      tpu.enqueue_dma source(%dma_start3A_46 : memref<128x128xf32, #tpu.memory_space<vmem>>) target(%dma_start3A_43 : memref<128x128xf32, #tpu.memory_space<vmem_shared>>) target_semaphore(%run_scoped3A : memref<!tpu.dma_semaphore, #tpu.memory_space<semaphore_mem>>)
      %dma_wait3A = arith.constant 0 : i32
      %dma_wait3A_47 = arith.constant 0 : i32
      %dma_wait3A_48 = tpu.memref_slice %arg8[%dma_wait3A, %dma_wait3A_47] : memref<128x128xf32, #tpu.memory_space<vmem>> -> memref<128x128xf32, #tpu.memory_space<vmem>>
      %dma_wait3A_49 = arith.constant 0 : i32
      %dma_wait3A_50 = tpu.memref_slice %arg9[%add3A_18, %dma_wait3A_49] : memref<10112x128xf32, #tpu.memory_space<vmem_shared>> -> memref<128x128xf32, #tpu.memory_space<vmem_shared>>
      %dma_wait3A_51 = arith.constant 0 : i32
      %dma_wait3A_52 = tpu.memref_slice %arg9[%add3A_18, %dma_wait3A_51] : memref<10112x128xf32, #tpu.memory_space<vmem_shared>> -> memref<128x128xf32, #tpu.memory_space<vmem_shared>>
      %dma_wait3A_53 = arith.constant 0 : i32
      %dma_wait3A_54 = arith.constant 0 : i32
      %dma_wait3A_55 = tpu.memref_slice %arg8[%dma_wait3A_53, %dma_wait3A_54] : memref<128x128xf32, #tpu.memory_space<vmem>> -> memref<128x128xf32, #tpu.memory_space<vmem>>
      tpu.wait_dma2 semaphore(%run_scoped3A : memref<!tpu.dma_semaphore, #tpu.memory_space<semaphore_mem>>) src(%dma_wait3A_55 : memref<128x128xf32, #tpu.memory_space<vmem>>) dst(%dma_wait3A_52 : memref<128x128xf32, #tpu.memory_space<vmem_shared>>)
      tpu.yield
    }) : () -> ()
    %mul3A_19 = arith.constant 632 : i32
    %mul3A_20 = arith.muli %arg1, %mul3A_19 : i32
    %add3A_21 = arith.constant 384 : i32
    %add3A_22 = arith.addi %mul3A_20, %add3A_21 : i32
    "tpu.region"() ({
      %run_scoped3A = tpu.sem_alloc : memref<!tpu.dma_semaphore, #tpu.memory_space<semaphore_mem>>
      %dma_start3A = arith.constant 0 : i32
      %dma_start3A_38 = arith.constant 0 : i32
      %dma_start3A_39 = tpu.memref_slice %arg8[%dma_start3A, %dma_start3A_38] : memref<128x128xf32, #tpu.memory_space<vmem>> -> memref<128x128xf32, #tpu.memory_space<vmem>>
      %dma_start3A_40 = arith.constant 0 : i32
      %dma_start3A_41 = tpu.memref_slice %arg9[%add3A_22, %dma_start3A_40] : memref<10112x128xf32, #tpu.memory_space<vmem_shared>> -> memref<128x128xf32, #tpu.memory_space<vmem_shared>>
      %dma_start3A_42 = arith.constant 0 : i32
      %dma_start3A_43 = tpu.memref_slice %arg9[%add3A_22, %dma_start3A_42] : memref<10112x128xf32, #tpu.memory_space<vmem_shared>> -> memref<128x128xf32, #tpu.memory_space<vmem_shared>>
      %dma_start3A_44 = arith.constant 0 : i32
      %dma_start3A_45 = arith.constant 0 : i32
      %dma_start3A_46 = tpu.memref_slice %arg8[%dma_start3A_44, %dma_start3A_45] : memref<128x128xf32, #tpu.memory_space<vmem>> -> memref<128x128xf32, #tpu.memory_space<vmem>>
      tpu.enqueue_dma source(%dma_start3A_46 : memref<128x128xf32, #tpu.memory_space<vmem>>) target(%dma_start3A_43 : memref<128x128xf32, #tpu.memory_space<vmem_shared>>) target_semaphore(%run_scoped3A : memref<!tpu.dma_semaphore, #tpu.memory_space<semaphore_mem>>)
      %dma_wait3A = arith.constant 0 : i32
      %dma_wait3A_47 = arith.constant 0 : i32
      %dma_wait3A_48 = tpu.memref_slice %arg8[%dma_wait3A, %dma_wait3A_47] : memref<128x128xf32, #tpu.memory_space<vmem>> -> memref<128x128xf32, #tpu.memory_space<vmem>>
      %dma_wait3A_49 = arith.constant 0 : i32
      %dma_wait3A_50 = tpu.memref_slice %arg9[%add3A_22, %dma_wait3A_49] : memref<10112x128xf32, #tpu.memory_space<vmem_shared>> -> memref<128x128xf32, #tpu.memory_space<vmem_shared>>
      %dma_wait3A_51 = arith.constant 0 : i32
      %dma_wait3A_52 = tpu.memref_slice %arg9[%add3A_22, %dma_wait3A_51] : memref<10112x128xf32, #tpu.memory_space<vmem_shared>> -> memref<128x128xf32, #tpu.memory_space<vmem_shared>>
      %dma_wait3A_53 = arith.constant 0 : i32
      %dma_wait3A_54 = arith.constant 0 : i32
      %dma_wait3A_55 = tpu.memref_slice %arg8[%dma_wait3A_53, %dma_wait3A_54] : memref<128x128xf32, #tpu.memory_space<vmem>> -> memref<128x128xf32, #tpu.memory_space<vmem>>
      tpu.wait_dma2 semaphore(%run_scoped3A : memref<!tpu.dma_semaphore, #tpu.memory_space<semaphore_mem>>) src(%dma_wait3A_55 : memref<128x128xf32, #tpu.memory_space<vmem>>) dst(%dma_wait3A_52 : memref<128x128xf32, #tpu.memory_space<vmem_shared>>)
      tpu.yield
    }) : () -> ()
    %mul3A_23 = arith.constant 632 : i32
    %mul3A_24 = arith.muli %arg1, %mul3A_23 : i32
    %add3A_25 = arith.constant 512 : i32
    %add3A_26 = arith.addi %mul3A_24, %add3A_25 : i32
    "tpu.region"() ({
      %run_scoped3A = tpu.sem_alloc : memref<!tpu.dma_semaphore, #tpu.memory_space<semaphore_mem>>
      %dma_start3A = arith.constant 0 : i32
      %dma_start3A_38 = arith.constant 0 : i32
      %dma_start3A_39 = tpu.memref_slice %arg8[%dma_start3A, %dma_start3A_38] : memref<128x128xf32, #tpu.memory_space<vmem>> -> memref<120x128xf32, #tpu.memory_space<vmem>>
      %dma_start3A_40 = arith.constant 0 : i32
      %dma_start3A_41 = tpu.memref_slice %arg9[%add3A_26, %dma_start3A_40] : memref<10112x128xf32, #tpu.memory_space<vmem_shared>> -> memref<120x128xf32, #tpu.memory_space<vmem_shared>>
      %dma_start3A_42 = arith.constant 0 : i32
      %dma_start3A_43 = tpu.memref_slice %arg9[%add3A_26, %dma_start3A_42] : memref<10112x128xf32, #tpu.memory_space<vmem_shared>> -> memref<120x128xf32, #tpu.memory_space<vmem_shared>>
      %dma_start3A_44 = arith.constant 0 : i32
      %dma_start3A_45 = arith.constant 0 : i32
      %dma_start3A_46 = tpu.memref_slice %arg8[%dma_start3A_44, %dma_start3A_45] : memref<128x128xf32, #tpu.memory_space<vmem>> -> memref<120x128xf32, #tpu.memory_space<vmem>>
      tpu.enqueue_dma source(%dma_start3A_46 : memref<120x128xf32, #tpu.memory_space<vmem>>) target(%dma_start3A_43 : memref<120x128xf32, #tpu.memory_space<vmem_shared>>) target_semaphore(%run_scoped3A : memref<!tpu.dma_semaphore, #tpu.memory_space<semaphore_mem>>)
      %dma_wait3A = arith.constant 0 : i32
      %dma_wait3A_47 = arith.constant 0 : i32
      %dma_wait3A_48 = tpu.memref_slice %arg8[%dma_wait3A, %dma_wait3A_47] : memref<128x128xf32, #tpu.memory_space<vmem>> -> memref<120x128xf32, #tpu.memory_space<vmem>>
      %dma_wait3A_49 = arith.constant 0 : i32
      %dma_wait3A_50 = tpu.memref_slice %arg9[%add3A_26, %dma_wait3A_49] : memref<10112x128xf32, #tpu.memory_space<vmem_shared>> -> memref<120x128xf32, #tpu.memory_space<vmem_shared>>
      %dma_wait3A_51 = arith.constant 0 : i32
      %dma_wait3A_52 = tpu.memref_slice %arg9[%add3A_26, %dma_wait3A_51] : memref<10112x128xf32, #tpu.memory_space<vmem_shared>> -> memref<120x128xf32, #tpu.memory_space<vmem_shared>>
      %dma_wait3A_53 = arith.constant 0 : i32
      %dma_wait3A_54 = arith.constant 0 : i32
      %dma_wait3A_55 = tpu.memref_slice %arg8[%dma_wait3A_53, %dma_wait3A_54] : memref<128x128xf32, #tpu.memory_space<vmem>> -> memref<120x128xf32, #tpu.memory_space<vmem>>
      tpu.wait_dma2 semaphore(%run_scoped3A : memref<!tpu.dma_semaphore, #tpu.memory_space<semaphore_mem>>) src(%dma_wait3A_55 : memref<120x128xf32, #tpu.memory_space<vmem>>) dst(%dma_wait3A_52 : memref<120x128xf32, #tpu.memory_space<vmem_shared>>)
      tpu.yield
    }) : () -> ()
    %barrier3A = arith.constant 0 : index
    tpu.barrier barrier_id(%barrier3A)
    %scan3A_27 = arith.constant 0 : i32
    %scan3A_28 = arith.constant 0 : i32
    %scan3A_29 = arith.constant 79 : i32
    %scan3A_30 = arith.addi %scan3A_28, %scan3A_29 : i32
    %scan3A_31 = arith.constant 1 : i32
    scf.for %scan3A_38 = %scan3A_28 to %scan3A_30 step %scan3A_31  : i32 {
      %mul3A_39 = arith.constant 10112 : i32
      %mul3A_40 = arith.muli %add3A, %mul3A_39 : i32
      %mul3A_41 = arith.constant 128 : i32
      %mul3A_42 = arith.muli %scan3A_38, %mul3A_41 : i32
      %add3A_43 = arith.addi %mul3A_40, %mul3A_42 : i32
      "tpu.region"() ({
        %run_scoped3A = tpu.sem_alloc : memref<!tpu.dma_semaphore, #tpu.memory_space<semaphore_mem>>
        %dma_start3A_48 = tpu.memref_slice %arg3[%add3A_43] : memref<323584xi32, #tpu.memory_space<hbm>> -> memref<128xi32, #tpu.memory_space<hbm>>
        %dma_start3A_49 = tpu.memref_slice %arg3[%add3A_43] : memref<323584xi32, #tpu.memory_space<hbm>> -> memref<128xi32, #tpu.memory_space<hbm>>
        tpu.enqueue_dma source(%dma_start3A_49 : memref<128xi32, #tpu.memory_space<hbm>>) target(%arg6 : memref<128xi32, #tpu.memory_space<vmem>>) target_semaphore(%run_scoped3A : memref<!tpu.dma_semaphore, #tpu.memory_space<semaphore_mem>>)
        %dma_wait3A_50 = tpu.memref_slice %arg3[%add3A_43] : memref<323584xi32, #tpu.memory_space<hbm>> -> memref<128xi32, #tpu.memory_space<hbm>>
        %dma_wait3A_51 = tpu.memref_slice %arg3[%add3A_43] : memref<323584xi32, #tpu.memory_space<hbm>> -> memref<128xi32, #tpu.memory_space<hbm>>
        tpu.wait_dma2 semaphore(%run_scoped3A : memref<!tpu.dma_semaphore, #tpu.memory_space<semaphore_mem>>) src(%dma_wait3A_51 : memref<128xi32, #tpu.memory_space<hbm>>) dst(%arg6 : memref<128xi32, #tpu.memory_space<vmem>>)
        tpu.yield
      }) : () -> ()
      "tpu.region"() ({
        %run_scoped3A = tpu.sem_alloc : memref<!tpu.dma_semaphore, #tpu.memory_space<semaphore_mem>>
        %dma_start3A_48 = tpu.memref_slice %arg4[%add3A_43] : memref<323584xi32, #tpu.memory_space<hbm>> -> memref<128xi32, #tpu.memory_space<hbm>>
        %dma_start3A_49 = tpu.memref_slice %arg4[%add3A_43] : memref<323584xi32, #tpu.memory_space<hbm>> -> memref<128xi32, #tpu.memory_space<hbm>>
        tpu.enqueue_dma source(%dma_start3A_49 : memref<128xi32, #tpu.memory_space<hbm>>) target(%arg7 : memref<128xi32, #tpu.memory_space<vmem>>) target_semaphore(%run_scoped3A : memref<!tpu.dma_semaphore, #tpu.memory_space<semaphore_mem>>)
        %dma_wait3A_50 = tpu.memref_slice %arg4[%add3A_43] : memref<323584xi32, #tpu.memory_space<hbm>> -> memref<128xi32, #tpu.memory_space<hbm>>
        %dma_wait3A_51 = tpu.memref_slice %arg4[%add3A_43] : memref<323584xi32, #tpu.memory_space<hbm>> -> memref<128xi32, #tpu.memory_space<hbm>>
        tpu.wait_dma2 semaphore(%run_scoped3A : memref<!tpu.dma_semaphore, #tpu.memory_space<semaphore_mem>>) src(%dma_wait3A_51 : memref<128xi32, #tpu.memory_space<hbm>>) dst(%arg7 : memref<128xi32, #tpu.memory_space<vmem>>)
        tpu.yield
      }) : () -> ()
      %dma_start3A = arith.constant 0 : i32
      %dma_start3A_44 = arith.constant 0 : i32
      %dma_start3A_45 = tpu.memref_slice %arg2[%dma_start3A, %dma_start3A_44] : memref<10112x128xf32, #tpu.memory_space<hbm>> -> memref<10112x128xf32, #tpu.memory_space<hbm>>
      tpu.enqueue_indirect_dma source(%dma_start3A_45 : memref<10112x128xf32, #tpu.memory_space<hbm>>) target(%arg8 : memref<128x128xf32, #tpu.memory_space<vmem>>) offsets(%arg6 : memref<128xi32, #tpu.memory_space<vmem>>) semaphore(%arg10 : memref<!tpu.dma_semaphore, #tpu.memory_space<semaphore_mem>>)
      %dma_wait3A = arith.constant 0 : i32
      %dma_wait3A_46 = arith.constant 0 : i32
      %dma_wait3A_47 = tpu.memref_slice %arg2[%dma_wait3A, %dma_wait3A_46] : memref<10112x128xf32, #tpu.memory_space<hbm>> -> memref<10112x128xf32, #tpu.memory_space<hbm>>
      tpu.wait_indirect_dma semaphore(%arg10 : memref<!tpu.dma_semaphore, #tpu.memory_space<semaphore_mem>>) src(%dma_wait3A_47 : memref<10112x128xf32, #tpu.memory_space<hbm>>) dst(%arg8 : memref<128x128xf32, #tpu.memory_space<vmem>>)
      "tpu.region"() ({
        %run_scoped3A = tpu.sem_alloc : memref<!tpu.dma_semaphore, #tpu.memory_space<semaphore_mem>>
        %dma_start3A_48 = arith.constant 0 : i32
        %dma_start3A_49 = arith.constant 0 : i32
        %dma_start3A_50 = tpu.memref_slice %arg9[%dma_start3A_48, %dma_start3A_49] : memref<10112x128xf32, #tpu.memory_space<vmem_shared>> -> memref<10112x128xf32, #tpu.memory_space<vmem_shared>>
        tpu.enqueue_indirect_dma source(%arg8 : memref<128x128xf32, #tpu.memory_space<vmem>>) target(%dma_start3A_50 : memref<10112x128xf32, #tpu.memory_space<vmem_shared>>) offsets(%arg7 : memref<128xi32, #tpu.memory_space<vmem>>) semaphore(%run_scoped3A : memref<!tpu.dma_semaphore, #tpu.memory_space<semaphore_mem>>) {add = true}
        %dma_wait3A_51 = arith.constant 0 : i32
        %dma_wait3A_52 = arith.constant 0 : i32
        %dma_wait3A_53 = tpu.memref_slice %arg9[%dma_wait3A_51, %dma_wait3A_52] : memref<10112x128xf32, #tpu.memory_space<vmem_shared>> -> memref<10112x128xf32, #tpu.memory_space<vmem_shared>>
        tpu.wait_indirect_dma semaphore(%run_scoped3A : memref<!tpu.dma_semaphore, #tpu.memory_space<semaphore_mem>>) src(%arg8 : memref<128x128xf32, #tpu.memory_space<vmem>>) dst(%dma_wait3A_53 : memref<10112x128xf32, #tpu.memory_space<vmem_shared>>)
        tpu.yield
      }) : () -> ()
    }
    %scan3A_32 = arith.constant 79 : i32
    %barrier3A_33 = arith.constant 0 : index
    tpu.barrier barrier_id(%barrier3A_33)
    %mul3A_34 = arith.constant 632 : i32
    %mul3A_35 = arith.muli %arg1, %mul3A_34 : i32
    %mul3A_36 = arith.constant 632 : i32
    %mul3A_37 = arith.muli %arg1, %mul3A_36 : i32
    "tpu.region"() ({
      %run_scoped3A = tpu.sem_alloc : memref<!tpu.dma_semaphore, #tpu.memory_space<semaphore_mem>>
      %dma_start3A = arith.constant 0 : i32
      %dma_start3A_38 = tpu.memref_slice %arg5[%arg0, %mul3A_37, %dma_start3A] : memref<2x10112x128xf32, #tpu.memory_space<hbm>> -> memref<1x632x128xf32, #tpu.memory_space<hbm>>
      %dma_start3A_39 = tpu.memref_squeeze %dma_start3A_38 : memref<1x632x128xf32, #tpu.memory_space<hbm>> -> memref<632x128xf32, #tpu.memory_space<hbm>>
      %dma_start3A_40 = arith.constant 0 : i32
      %dma_start3A_41 = tpu.memref_slice %arg9[%mul3A_35, %dma_start3A_40] : memref<10112x128xf32, #tpu.memory_space<vmem_shared>> -> memref<632x128xf32, #tpu.memory_space<vmem_shared>>
      tpu.enqueue_dma source(%dma_start3A_41 : memref<632x128xf32, #tpu.memory_space<vmem_shared>>) target(%dma_start3A_39 : memref<632x128xf32, #tpu.memory_space<hbm>>) target_semaphore(%run_scoped3A : memref<!tpu.dma_semaphore, #tpu.memory_space<semaphore_mem>>)
      %dma_wait3A = arith.constant 0 : i32
      %dma_wait3A_42 = tpu.memref_slice %arg5[%arg0, %mul3A_37, %dma_wait3A] : memref<2x10112x128xf32, #tpu.memory_space<hbm>> -> memref<1x632x128xf32, #tpu.memory_space<hbm>>
      %dma_wait3A_43 = tpu.memref_squeeze %dma_wait3A_42 : memref<1x632x128xf32, #tpu.memory_space<hbm>> -> memref<632x128xf32, #tpu.memory_space<hbm>>
      %dma_wait3A_44 = arith.constant 0 : i32
      %dma_wait3A_45 = tpu.memref_slice %arg9[%mul3A_35, %dma_wait3A_44] : memref<10112x128xf32, #tpu.memory_space<vmem_shared>> -> memref<632x128xf32, #tpu.memory_space<vmem_shared>>
      tpu.wait_dma2 semaphore(%run_scoped3A : memref<!tpu.dma_semaphore, #tpu.memory_space<semaphore_mem>>) src(%dma_wait3A_45 : memref<632x128xf32, #tpu.memory_space<vmem_shared>>) dst(%dma_wait3A_43 : memref<632x128xf32, #tpu.memory_space<hbm>>)
      tpu.yield
    }) : () -> ()
    return
  }
}

module attributes {stable_mosaic.version = 14 : i64} {
  func.func @body(%arg0: memref<10000x128xf32, #tpu.memory_space<vmem>>, %arg1: memref<128x128xf32, #tpu.memory_space<vmem>>, %arg2: memref<1x128xf32, #tpu.memory_space<vmem>>, %arg3: memref<10112x128xf32, #tpu.memory_space<vmem>>) attributes {dimension_semantics = [], scalar_prefetch = 0 : i64, scratch_operands = 0 : i64, tpu.core_type = #tpu.core_type<tc>} {
    %get3A = arith.constant 0 : index
    %get3A_0 = arith.constant 0 : index
    %get3A_1 = vector.load %arg0[%get3A, %get3A_0] : memref<10000x128xf32, #tpu.memory_space<vmem>>, vector<10000x128xf32>
    %get3A_2 = arith.constant 0 : index
    %get3A_3 = arith.constant 0 : index
    %get3A_4 = vector.load %arg1[%get3A_2, %get3A_3] : memref<128x128xf32, #tpu.memory_space<vmem>>, vector<128x128xf32>
    %dot_general3A = arith.constant dense<0.000000e+00> : vector<10000x128xf32>
    %dot_general3A_5 = tpu.matmul %get3A_1, %get3A_4, %dot_general3A {dimension_numbers = #tpu.dot_dimension_numbers<[1], [0], [0], [1], [0, 0, 1, 1], [], []>, transpose_lhs_hint = false} : vector<10000x128xf32>, vector<128x128xf32>, vector<10000x128xf32> -> vector<10000x128xf32>
    %get3A_6 = arith.constant 0 : index
    %get3A_7 = arith.constant 0 : index
    %get3A_8 = vector.load %arg2[%get3A_6, %get3A_7] : memref<1x128xf32, #tpu.memory_space<vmem>>, vector<1x128xf32>
    %add3A = vector.broadcast %get3A_8 : vector<1x128xf32> to vector<10000x128xf32>
    %add3A_9 = arith.addf %dot_general3A_5, %add3A : vector<10000x128xf32>
    %swap3A = arith.constant 0 : index
    %swap3A_10 = arith.constant 0 : index
    %swap3A_11 = vector.load %arg3[%swap3A, %swap3A_10] : memref<10112x128xf32, #tpu.memory_space<vmem>>, vector<10000x128xf32>
    tpu.vector_store %arg3[%swap3A, %swap3A_10], %add3A_9 {strides = array<i32>} : memref<10112x128xf32, #tpu.memory_space<vmem>>, vector<10000x128xf32>,
    %broadcast_in_dim3A = arith.constant 0.000000e+00 : f32
    %broadcast_in_dim3A_12 = vector.broadcast %broadcast_in_dim3A : f32 to vector<112x128xf32>
    %swap3A_13 = arith.constant 10000 : index
    %swap3A_14 = arith.constant 0 : index
    %swap3A_15 = vector.load %arg3[%swap3A_13, %swap3A_14] : memref<10112x128xf32, #tpu.memory_space<vmem>>, vector<112x128xf32>
    tpu.vector_store %arg3[%swap3A_13, %swap3A_14], %broadcast_in_dim3A_12 {strides = array<i32>} : memref<10112x128xf32, #tpu.memory_space<vmem>>, vector<112x128xf32>,
    return
  }
}

module attributes {stable_mosaic.version = 14 : i64} {
  func.func @body(%arg0: memref<2x10112x128xf32, #tpu.memory_space<vmem>>, %arg1: memref<2x10112x128xf32, #tpu.memory_space<vmem>>, %arg2: memref<10112x128xf32, #tpu.memory_space<vmem>>, %arg3: memref<128x128xf32, #tpu.memory_space<vmem>>, %arg4: memref<1x128xf32, #tpu.memory_space<vmem>>, %arg5: memref<128x128xf32, #tpu.memory_space<vmem>>, %arg6: memref<1x128xf32, #tpu.memory_space<vmem>>, %arg7: memref<1x128xf32, #tpu.memory_space<vmem>>, %arg8: memref<10112x128xf32, #tpu.memory_space<vmem>>) attributes {dimension_semantics = [], scalar_prefetch = 0 : i64, scratch_operands = 0 : i64, tpu.core_type = #tpu.core_type<tc>} {
    %get3A = arith.constant 0 : index
    %get3A_0 = arith.constant 0 : index
    %get3A_1 = arith.constant 0 : index
    %get3A_2 = vector.load %arg0[%get3A, %get3A_0, %get3A_1] : memref<2x10112x128xf32, #tpu.memory_space<vmem>>, vector<2x10112x128xf32>
    %get3A_3 = arith.constant 0 : index
    %get3A_4 = arith.constant 0 : index
    %get3A_5 = arith.constant 0 : index
    %get3A_6 = vector.load %arg1[%get3A_3, %get3A_4, %get3A_5] : memref<2x10112x128xf32, #tpu.memory_space<vmem>>, vector<2x10112x128xf32>
    %get3A_7 = arith.constant 0 : index
    %get3A_8 = arith.constant 0 : index
    %get3A_9 = vector.load %arg2[%get3A_7, %get3A_8] : memref<10112x128xf32, #tpu.memory_space<vmem>>, vector<10112x128xf32>
    %get3A_10 = arith.constant 0 : index
    %get3A_11 = arith.constant 0 : index
    %get3A_12 = vector.load %arg3[%get3A_10, %get3A_11] : memref<128x128xf32, #tpu.memory_space<vmem>>, vector<128x128xf32>
    %get3A_13 = arith.constant 0 : index
    %get3A_14 = arith.constant 0 : index
    %get3A_15 = vector.load %arg4[%get3A_13, %get3A_14] : memref<1x128xf32, #tpu.memory_space<vmem>>, vector<1x128xf32>
    %get3A_16 = arith.constant 0 : index
    %get3A_17 = arith.constant 0 : index
    %get3A_18 = vector.load %arg5[%get3A_16, %get3A_17] : memref<128x128xf32, #tpu.memory_space<vmem>>, vector<128x128xf32>
    %get3A_19 = arith.constant 0 : index
    %get3A_20 = arith.constant 0 : index
    %get3A_21 = vector.load %arg6[%get3A_19, %get3A_20] : memref<1x128xf32, #tpu.memory_space<vmem>>, vector<1x128xf32>
    %get3A_22 = arith.constant 0 : index
    %get3A_23 = arith.constant 0 : index
    %get3A_24 = vector.load %arg7[%get3A_22, %get3A_23] : memref<1x128xf32, #tpu.memory_space<vmem>>, vector<1x128xf32>
    %slice3A = vector.extract_strided_slice %get3A_6 {offsets = [0, 0, 0], sizes = [1, 10112, 1], strides = [1, 1, 1]} : vector<2x10112x128xf32> to vector<1x10112x1xf32>
    %squeeze3A = vector.shape_cast %slice3A : vector<1x10112x1xf32> to vector<10112x1xf32>
    %slice3A_25 = vector.extract_strided_slice %get3A_6 {offsets = [1, 0, 0], sizes = [1, 10112, 1], strides = [1, 1, 1]} : vector<2x10112x128xf32> to vector<1x10112x1xf32>
    %squeeze3A_26 = vector.shape_cast %slice3A_25 : vector<1x10112x1xf32> to vector<10112x1xf32>
    %add3A = arith.addf %squeeze3A, %squeeze3A_26 : vector<10112x1xf32>
    %max3A = arith.constant 1.000000e+00 : f32
    %max3A_27 = vector.broadcast %max3A : f32 to vector<10112x1xf32>
    %max3A_28 = arith.maximumf %add3A, %max3A_27 : vector<10112x1xf32>
    %slice3A_29 = vector.extract_strided_slice %get3A_2 {offsets = [0, 0, 0], sizes = [1, 10112, 128], strides = [1, 1, 1]} : vector<2x10112x128xf32> to vector<1x10112x128xf32>
    %squeeze3A_30 = vector.shape_cast %slice3A_29 : vector<1x10112x128xf32> to vector<10112x128xf32>
    %slice3A_31 = vector.extract_strided_slice %get3A_2 {offsets = [1, 0, 0], sizes = [1, 10112, 128], strides = [1, 1, 1]} : vector<2x10112x128xf32> to vector<1x10112x128xf32>
    %squeeze3A_32 = vector.shape_cast %slice3A_31 : vector<1x10112x128xf32> to vector<10112x128xf32>
    %add3A_33 = arith.addf %squeeze3A_30, %squeeze3A_32 : vector<10112x128xf32>
    %div3A = vector.broadcast %max3A_28 : vector<10112x1xf32> to vector<10112x128xf32>
    %div3A_34 = arith.divf %add3A_33, %div3A : vector<10112x128xf32>
    %dot_general3A = arith.constant dense<0.000000e+00> : vector<10112x128xf32>
    %dot_general3A_35 = tpu.matmul %div3A_34, %get3A_12, %dot_general3A {dimension_numbers = #tpu.dot_dimension_numbers<[1], [0], [0], [1], [0, 0, 1, 1], [], []>, transpose_lhs_hint = false} : vector<10112x128xf32>, vector<128x128xf32>, vector<10112x128xf32> -> vector<10112x128xf32>
    %add3A_36 = vector.broadcast %get3A_15 : vector<1x128xf32> to vector<10112x128xf32>
    %add3A_37 = arith.addf %dot_general3A_35, %add3A_36 : vector<10112x128xf32>
    %dot_general3A_38 = arith.constant dense<0.000000e+00> : vector<10112x128xf32>
    %dot_general3A_39 = tpu.matmul %get3A_9, %get3A_18, %dot_general3A_38 {dimension_numbers = #tpu.dot_dimension_numbers<[1], [0], [0], [1], [0, 0, 1, 1], [], []>, transpose_lhs_hint = false} : vector<10112x128xf32>, vector<128x128xf32>, vector<10112x128xf32> -> vector<10112x128xf32>
    %add3A_40 = arith.addf %add3A_37, %dot_general3A_39 : vector<10112x128xf32>
    %slice3A_41 = vector.extract_strided_slice %add3A_40 {offsets = [0, 0], sizes = [10000, 128], strides = [1, 1]} : vector<10112x128xf32> to vector<10000x128xf32>
    %reduce_sum3A = arith.constant dense<0.000000e+00> : vector<128xf32>
    %reduce_sum3A_42 = vector.multi_reduction <add>, %slice3A_41, %reduce_sum3A [0] : vector<10000x128xf32> to vector<128xf32>
    %broadcast_in_dim3A = vector.shape_cast %reduce_sum3A_42 : vector<128xf32> to vector<1x128xf32>
    %div3A_43 = arith.constant 1.000000e+04 : f32
    %div3A_44 = vector.broadcast %div3A_43 : f32 to vector<1x128xf32>
    %div3A_45 = arith.divf %broadcast_in_dim3A, %div3A_44 : vector<1x128xf32>
    %sub3A = vector.broadcast %div3A_45 : vector<1x128xf32> to vector<10000x128xf32>
    %sub3A_46 = arith.subf %slice3A_41, %sub3A : vector<10000x128xf32>
    %integer_pow3A = arith.mulf %sub3A_46, %sub3A_46 : vector<10000x128xf32>
    %reduce_sum3A_47 = arith.constant dense<0.000000e+00> : vector<128xf32>
    %reduce_sum3A_48 = vector.multi_reduction <add>, %integer_pow3A, %reduce_sum3A_47 [0] : vector<10000x128xf32> to vector<128xf32>
    %broadcast_in_dim3A_49 = vector.shape_cast %reduce_sum3A_48 : vector<128xf32> to vector<1x128xf32>
    %div3A_50 = arith.constant 1.000000e+04 : f32
    %div3A_51 = vector.broadcast %div3A_50 : f32 to vector<1x128xf32>
    %div3A_52 = arith.divf %broadcast_in_dim3A_49, %div3A_51 : vector<1x128xf32>
    %sub3A_53 = vector.broadcast %div3A_45 : vector<1x128xf32> to vector<10112x128xf32>
    %sub3A_54 = arith.subf %add3A_40, %sub3A_53 : vector<10112x128xf32>
    %add3A_55 = arith.constant 9.99999974E-6 : f32
    %add3A_56 = vector.broadcast %add3A_55 : f32 to vector<1x128xf32>
    %add3A_57 = arith.addf %div3A_52, %add3A_56 : vector<1x128xf32>
    %rsqrt3A = math.rsqrt %add3A_57 : vector<1x128xf32>
    %mul3A = vector.broadcast %rsqrt3A : vector<1x128xf32> to vector<10112x128xf32>
    %mul3A_58 = arith.mulf %sub3A_54, %mul3A : vector<10112x128xf32>
    %mul3A_59 = vector.broadcast %get3A_21 : vector<1x128xf32> to vector<10112x128xf32>
    %mul3A_60 = arith.mulf %mul3A_58, %mul3A_59 : vector<10112x128xf32>
    %add3A_61 = vector.broadcast %get3A_24 : vector<1x128xf32> to vector<10112x128xf32>
    %add3A_62 = arith.addf %mul3A_60, %add3A_61 : vector<10112x128xf32>
    %max3A_63 = arith.constant 0.000000e+00 : f32
    %max3A_64 = vector.broadcast %max3A_63 : f32 to vector<10112x128xf32>
    %max3A_65 = arith.maximumf %add3A_62, %max3A_64 : vector<10112x128xf32>
    %swap3A = arith.constant 0 : index
    %swap3A_66 = arith.constant 0 : index
    %swap3A_67 = vector.load %arg8[%swap3A, %swap3A_66] : memref<10112x128xf32, #tpu.memory_space<vmem>>, vector<10112x128xf32>
    tpu.vector_store %arg8[%swap3A, %swap3A_66], %max3A_65 {strides = array<i32>} : memref<10112x128xf32, #tpu.memory_space<vmem>>, vector<10112x128xf32>,
    return
  }
}

module attributes {stable_mosaic.version = 14 : i64} {
  func.func @body(%arg0: memref<2x10112x128xf32, #tpu.memory_space<vmem>>, %arg1: memref<2x10112x128xf32, #tpu.memory_space<vmem>>, %arg2: memref<10112x128xf32, #tpu.memory_space<vmem>>, %arg3: memref<128x128xf32, #tpu.memory_space<vmem>>, %arg4: memref<1x128xf32, #tpu.memory_space<vmem>>, %arg5: memref<128x128xf32, #tpu.memory_space<vmem>>, %arg6: memref<1x128xf32, #tpu.memory_space<vmem>>, %arg7: memref<1x128xf32, #tpu.memory_space<vmem>>, %arg8: memref<128x40xf32, #tpu.memory_space<vmem>>, %arg9: memref<1x40xf32, #tpu.memory_space<vmem>>, %arg10: memref<10000x40xf32, #tpu.memory_space<vmem>>) attributes {dimension_semantics = [], scalar_prefetch = 0 : i64, scratch_operands = 0 : i64, tpu.core_type = #tpu.core_type<tc>} {
    %get3A = arith.constant 0 : index
    %get3A_0 = arith.constant 0 : index
    %get3A_1 = arith.constant 0 : index
    %get3A_2 = vector.load %arg0[%get3A, %get3A_0, %get3A_1] : memref<2x10112x128xf32, #tpu.memory_space<vmem>>, vector<2x10112x128xf32>
    %get3A_3 = arith.constant 0 : index
    %get3A_4 = arith.constant 0 : index
    %get3A_5 = arith.constant 0 : index
    %get3A_6 = vector.load %arg1[%get3A_3, %get3A_4, %get3A_5] : memref<2x10112x128xf32, #tpu.memory_space<vmem>>, vector<2x10112x128xf32>
    %get3A_7 = arith.constant 0 : index
    %get3A_8 = arith.constant 0 : index
    %get3A_9 = vector.load %arg2[%get3A_7, %get3A_8] : memref<10112x128xf32, #tpu.memory_space<vmem>>, vector<10112x128xf32>
    %get3A_10 = arith.constant 0 : index
    %get3A_11 = arith.constant 0 : index
    %get3A_12 = vector.load %arg3[%get3A_10, %get3A_11] : memref<128x128xf32, #tpu.memory_space<vmem>>, vector<128x128xf32>
    %get3A_13 = arith.constant 0 : index
    %get3A_14 = arith.constant 0 : index
    %get3A_15 = vector.load %arg4[%get3A_13, %get3A_14] : memref<1x128xf32, #tpu.memory_space<vmem>>, vector<1x128xf32>
    %get3A_16 = arith.constant 0 : index
    %get3A_17 = arith.constant 0 : index
    %get3A_18 = vector.load %arg5[%get3A_16, %get3A_17] : memref<128x128xf32, #tpu.memory_space<vmem>>, vector<128x128xf32>
    %get3A_19 = arith.constant 0 : index
    %get3A_20 = arith.constant 0 : index
    %get3A_21 = vector.load %arg6[%get3A_19, %get3A_20] : memref<1x128xf32, #tpu.memory_space<vmem>>, vector<1x128xf32>
    %get3A_22 = arith.constant 0 : index
    %get3A_23 = arith.constant 0 : index
    %get3A_24 = vector.load %arg7[%get3A_22, %get3A_23] : memref<1x128xf32, #tpu.memory_space<vmem>>, vector<1x128xf32>
    %slice3A = vector.extract_strided_slice %get3A_6 {offsets = [0, 0, 0], sizes = [1, 10112, 1], strides = [1, 1, 1]} : vector<2x10112x128xf32> to vector<1x10112x1xf32>
    %squeeze3A = vector.shape_cast %slice3A : vector<1x10112x1xf32> to vector<10112x1xf32>
    %slice3A_25 = vector.extract_strided_slice %get3A_6 {offsets = [1, 0, 0], sizes = [1, 10112, 1], strides = [1, 1, 1]} : vector<2x10112x128xf32> to vector<1x10112x1xf32>
    %squeeze3A_26 = vector.shape_cast %slice3A_25 : vector<1x10112x1xf32> to vector<10112x1xf32>
    %add3A = arith.addf %squeeze3A, %squeeze3A_26 : vector<10112x1xf32>
    %max3A = arith.constant 1.000000e+00 : f32
    %max3A_27 = vector.broadcast %max3A : f32 to vector<10112x1xf32>
    %max3A_28 = arith.maximumf %add3A, %max3A_27 : vector<10112x1xf32>
    %slice3A_29 = vector.extract_strided_slice %get3A_2 {offsets = [0, 0, 0], sizes = [1, 10112, 128], strides = [1, 1, 1]} : vector<2x10112x128xf32> to vector<1x10112x128xf32>
    %squeeze3A_30 = vector.shape_cast %slice3A_29 : vector<1x10112x128xf32> to vector<10112x128xf32>
    %slice3A_31 = vector.extract_strided_slice %get3A_2 {offsets = [1, 0, 0], sizes = [1, 10112, 128], strides = [1, 1, 1]} : vector<2x10112x128xf32> to vector<1x10112x128xf32>
    %squeeze3A_32 = vector.shape_cast %slice3A_31 : vector<1x10112x128xf32> to vector<10112x128xf32>
    %add3A_33 = arith.addf %squeeze3A_30, %squeeze3A_32 : vector<10112x128xf32>
    %div3A = vector.broadcast %max3A_28 : vector<10112x1xf32> to vector<10112x128xf32>
    %div3A_34 = arith.divf %add3A_33, %div3A : vector<10112x128xf32>
    %dot_general3A = arith.constant dense<0.000000e+00> : vector<10112x128xf32>
    %dot_general3A_35 = tpu.matmul %div3A_34, %get3A_12, %dot_general3A {dimension_numbers = #tpu.dot_dimension_numbers<[1], [0], [0], [1], [0, 0, 1, 1], [], []>, transpose_lhs_hint = false} : vector<10112x128xf32>, vector<128x128xf32>, vector<10112x128xf32> -> vector<10112x128xf32>
    %add3A_36 = vector.broadcast %get3A_15 : vector<1x128xf32> to vector<10112x128xf32>
    %add3A_37 = arith.addf %dot_general3A_35, %add3A_36 : vector<10112x128xf32>
    %dot_general3A_38 = arith.constant dense<0.000000e+00> : vector<10112x128xf32>
    %dot_general3A_39 = tpu.matmul %get3A_9, %get3A_18, %dot_general3A_38 {dimension_numbers = #tpu.dot_dimension_numbers<[1], [0], [0], [1], [0, 0, 1, 1], [], []>, transpose_lhs_hint = false} : vector<10112x128xf32>, vector<128x128xf32>, vector<10112x128xf32> -> vector<10112x128xf32>
    %add3A_40 = arith.addf %add3A_37, %dot_general3A_39 : vector<10112x128xf32>
    %slice3A_41 = vector.extract_strided_slice %add3A_40 {offsets = [0, 0], sizes = [10000, 128], strides = [1, 1]} : vector<10112x128xf32> to vector<10000x128xf32>
    %reduce_sum3A = arith.constant dense<0.000000e+00> : vector<128xf32>
    %reduce_sum3A_42 = vector.multi_reduction <add>, %slice3A_41, %reduce_sum3A [0] : vector<10000x128xf32> to vector<128xf32>
    %broadcast_in_dim3A = vector.shape_cast %reduce_sum3A_42 : vector<128xf32> to vector<1x128xf32>
    %div3A_43 = arith.constant 1.000000e+04 : f32
    %div3A_44 = vector.broadcast %div3A_43 : f32 to vector<1x128xf32>
    %div3A_45 = arith.divf %broadcast_in_dim3A, %div3A_44 : vector<1x128xf32>
    %sub3A = vector.broadcast %div3A_45 : vector<1x128xf32> to vector<10000x128xf32>
    %sub3A_46 = arith.subf %slice3A_41, %sub3A : vector<10000x128xf32>
    %integer_pow3A = arith.mulf %sub3A_46, %sub3A_46 : vector<10000x128xf32>
    %reduce_sum3A_47 = arith.constant dense<0.000000e+00> : vector<128xf32>
    %reduce_sum3A_48 = vector.multi_reduction <add>, %integer_pow3A, %reduce_sum3A_47 [0] : vector<10000x128xf32> to vector<128xf32>
    %broadcast_in_dim3A_49 = vector.shape_cast %reduce_sum3A_48 : vector<128xf32> to vector<1x128xf32>
    %div3A_50 = arith.constant 1.000000e+04 : f32
    %div3A_51 = vector.broadcast %div3A_50 : f32 to vector<1x128xf32>
    %div3A_52 = arith.divf %broadcast_in_dim3A_49, %div3A_51 : vector<1x128xf32>
    %sub3A_53 = vector.broadcast %div3A_45 : vector<1x128xf32> to vector<10112x128xf32>
    %sub3A_54 = arith.subf %add3A_40, %sub3A_53 : vector<10112x128xf32>
    %add3A_55 = arith.constant 9.99999974E-6 : f32
    %add3A_56 = vector.broadcast %add3A_55 : f32 to vector<1x128xf32>
    %add3A_57 = arith.addf %div3A_52, %add3A_56 : vector<1x128xf32>
    %rsqrt3A = math.rsqrt %add3A_57 : vector<1x128xf32>
    %mul3A = vector.broadcast %rsqrt3A : vector<1x128xf32> to vector<10112x128xf32>
    %mul3A_58 = arith.mulf %sub3A_54, %mul3A : vector<10112x128xf32>
    %mul3A_59 = vector.broadcast %get3A_21 : vector<1x128xf32> to vector<10112x128xf32>
    %mul3A_60 = arith.mulf %mul3A_58, %mul3A_59 : vector<10112x128xf32>
    %add3A_61 = vector.broadcast %get3A_24 : vector<1x128xf32> to vector<10112x128xf32>
    %add3A_62 = arith.addf %mul3A_60, %add3A_61 : vector<10112x128xf32>
    %max3A_63 = arith.constant 0.000000e+00 : f32
    %max3A_64 = vector.broadcast %max3A_63 : f32 to vector<10112x128xf32>
    %max3A_65 = arith.maximumf %add3A_62, %max3A_64 : vector<10112x128xf32>
    %slice3A_66 = vector.extract_strided_slice %max3A_65 {offsets = [0, 0], sizes = [10000, 128], strides = [1, 1]} : vector<10112x128xf32> to vector<10000x128xf32>
    %get3A_67 = arith.constant 0 : index
    %get3A_68 = arith.constant 0 : index
    %get3A_69 = vector.load %arg8[%get3A_67, %get3A_68] : memref<128x40xf32, #tpu.memory_space<vmem>>, vector<128x40xf32>
    %dot_general3A_70 = arith.constant dense<0.000000e+00> : vector<10000x40xf32>
    %dot_general3A_71 = tpu.matmul %slice3A_66, %get3A_69, %dot_general3A_70 {dimension_numbers = #tpu.dot_dimension_numbers<[1], [0], [0], [1], [0, 0, 1, 1], [], []>, transpose_lhs_hint = false} : vector<10000x128xf32>, vector<128x40xf32>, vector<10000x40xf32> -> vector<10000x40xf32>
    %get3A_72 = arith.constant 0 : index
    %get3A_73 = arith.constant 0 : index
    %get3A_74 = vector.load %arg9[%get3A_72, %get3A_73] : memref<1x40xf32, #tpu.memory_space<vmem>>, vector<1x40xf32>
    %add3A_75 = vector.broadcast %get3A_74 : vector<1x40xf32> to vector<10000x40xf32>
    %add3A_76 = arith.addf %dot_general3A_71, %add3A_75 : vector<10000x40xf32>
    %reduce_max3A = arith.constant dense<0xFF800000> : vector<10000xf32>
    %reduce_max3A_77 = vector.multi_reduction <maximumf>, %add3A_76, %reduce_max3A [1] : vector<10000x40xf32> to vector<10000xf32>
    %broadcast_in_dim3A_78 = vector.shape_cast %reduce_max3A_77 : vector<10000xf32> to vector<10000x1xf32>
    %sub3A_79 = vector.broadcast %broadcast_in_dim3A_78 : vector<10000x1xf32> to vector<10000x40xf32>
    %sub3A_80 = arith.subf %add3A_76, %sub3A_79 : vector<10000x40xf32>
    %exp3A = math.exp %sub3A_80 : vector<10000x40xf32>
    %reduce_sum3A_81 = arith.constant dense<0.000000e+00> : vector<10000xf32>
    %reduce_sum3A_82 = vector.multi_reduction <add>, %exp3A, %reduce_sum3A_81 [1] : vector<10000x40xf32> to vector<10000xf32>
    %broadcast_in_dim3A_83 = vector.shape_cast %reduce_sum3A_82 : vector<10000xf32> to vector<10000x1xf32>
    %div3A_84 = vector.broadcast %broadcast_in_dim3A_83 : vector<10000x1xf32> to vector<10000x40xf32>
    %div3A_85 = arith.divf %exp3A, %div3A_84 : vector<10000x40xf32>
    %swap3A = arith.constant 0 : index
    %swap3A_86 = arith.constant 0 : index
    %swap3A_87 = vector.load %arg10[%swap3A, %swap3A_86] : memref<10000x40xf32, #tpu.memory_space<vmem>>, vector<10000x40xf32>
    tpu.vector_store %arg10[%swap3A, %swap3A_86], %div3A_85 {strides = array<i32>} : memref<10000x40xf32, #tpu.memory_space<vmem>>, vector<10000x40xf32>,
    return
  }
}

</mosaic_0001>

<sc_bundles>
// kernel: kernel.10.cloned.1.call-start
scs
__scs_entry_jumppad:
0x0: {  	(pc) =	sbr.rel $0x88, $3  }
0x1: {  	(tag) =	ssettag $0x0;
	lr =	simm.s32 $0x1  }
0x2: {  	[smem:$0x3F8C] =	sst lr;
	_ =	strace $0xD0000000  }
0x3: {  	_ = 	snop  }
0x4: {  	_ = 	snop  }
0x5: {  	_ = 	snop  }
0x6: {  	_ = 	snop  }
0x7: {  	_ = 	snop  }
__scs_overlays_trampoline_lowered:
0x8: {  	[smem:$0x3F9B] =	sst s0  }
0x9: {  	[smem:$0x3F9C] =	sst s1  }
0xa: {  	[smem:$0x3F9D] =	sst s2  }
0xb: {  	[smem:$0x3F9E] =	sst s3  }
0xc: {  	[smem:$0x3F9F] =	sst s4  }
0xd: {  	[smem:$0x3FA0] =	sst s5  }
0xe: {  	[smem:$0x3FA1] =	sst s6  }
0xf: {  	[smem:$0x3FA2] =	sst s7  }
0x10: {  	[smem:$0x3FA3] =	sst s8  }
0x11: {  	[smem:$0x3FA4] =	sst s9;
	s0 =	simm.s32 @!p0 $0x0  }
0x12: {  	s1 =	sld [smem:$0x3F8A];
	s0 =	simm.s32 @p0 $0x1  }
0x13: {  	[smem:$0x3FA5] =	sst s0;
	s0 =	simm.s32 @!p1 $0x0  }
0x14: {  	s2 =	sld [smem:$0x3F89];
	s0 =	simm.s32 @p1 $0x1  }
0x15: {  	[smem:$0x3FA6] =	sst s0;
	s0 =	simm.s32 @!p2 $0x0  }
0x16: {  	s3 =	sld [smem:$0x3FDB];
	s0 =	simm.s32 @p2 $0x1  }
0x17: {  	s4 =	simm.s32 $0x1BF5;
	[smem:$0x3FA8] =	sst s0  }
0x18: {  	s0 =	sld [smem:$0x3F8B];
	_ =	swait.ge [sflag:s4], $0x0  }
0x19: {  	s7 =	sld [smem:$0x3F8C]  }
0x1a: {  	s8 =	sadd.s32 $0xFFFFE003, lr  }
0x1b: {  	s9 =	sadd.s32 $0xFFFFFEF7, lr;
	s5 =	simm.s32 $0xFFFFFFFF;
	p2 =	slt.u32 s8, $0xFFFFF086  }
0x1c: {  	p1 =	slt.u32 s9, $0xF7A;
	s5 =	simm.s32 @!p2 $0x0  }
0x1d: {  	s5 =	simm.s32 @p1 $0x1;
	p0 =	seq.s32 s7, s2  }
0x1e: {  	s7 =	smul.u32 @!p0 $0xF7A, s2;
	p2 =	seq.s32 @!p0 s5, $0x0  }
0x1f: {  	s9 =	smul.u32 $0xF7A, s1;
	s8 =	simm.s32 @!p0 $0x1BF5;
	p2 =	por !p2, p0  }
0x20: {  	[sflag:s8] =	ssyncset.s32 @!p0 $0xFFFFF086;
	s6 =	sadd.s32 @!p0 s3, s7;
	s7 =	simm.s32 @!p0 $0x108  }
0x21: {  	s3 =	sadd.s32 s3, s9;
	s6 =	sadd.s32 @!p0 $0x88, s6;
	s7 =	simm.s32 @p2 $0x1082  }
0x22: {  	[simem:s7], [sflag:s8] =	dma.local @!p0 [hbm:s6], $0xF7A  }
0x23: {  	s9 =	sor.u32 $0xD0000000, s2;
	s6 =	simm.s32 $0x108;
	_ =	swait.ge @!p0 [sflag:s8], $0x0  }
0x24: {  	s3 =	sadd.s32 $0x88, s3;
	s6 =	simm.s32 @!p1 $0x1082;
	[sflag:s4] =	ssyncset.s32 $0xFFFFF086  }
0x25: {  	[simem:s6], [sflag:s4] =	dma.local [hbm:s3], $0xF7A  }
0x26: {  	[smem:$0x3F8C] =	sst s1;
	(tag) =	ssettag s2;
	_ =	strace s9  }
0x27: {  	s1 =	sld [smem:$0x3F9C]  }
0x28: {  	s2 =	sld [smem:$0x3F9D]  }
0x29: {  	s4 =	sld [smem:$0x3F9F]  }
0x2a: {  	p0 =	seq.s32 s5, $0x0;
	s5 =	sld [smem:$0x3FA0]  }
0x2b: {  	s6 =	sld [smem:$0x3FA1]  }
0x2c: {  	s7 =	sld [smem:$0x3FA2]  }
0x2d: {  	s3 =	simm.s32 $0x108;
	s8 =	sld [smem:$0x3FA3]  }
0x2e: {  	s3 =	simm.s32 @!p0 $0x1082;
	s9 =	sld [smem:$0x3FA4]  }
0x2f: {  	lr =	sadd.s32 s0, s3;
	s0 =	sld [smem:$0x3F9B]  }
0x30: {  	s3 =	sld [smem:$0x3F9E]  }
0x31: {  	[smem:$0x3FA7] =	sst s10  }
0x32: {  	s10 =	sld [smem:$0x3FA5];
	_ =	sdelay $0x3  }
0x33: {  	p0 =	seq.s32 s10, $0x1;
	s10 =	sld [smem:$0x3FA7];
	_ =	sdelay $0x3  }
0x34: {  	[smem:$0x3FA7] =	sst s10  }
0x35: {  	s10 =	sld [smem:$0x3FA6];
	_ =	sdelay $0x3  }
0x36: {  	p1 =	seq.s32 s10, $0x1;
	s10 =	sld [smem:$0x3FA7];
	_ =	sdelay $0x3  }
0x37: {  	[smem:$0x3FA7] =	sst s10  }
0x38: {  	s10 =	sld [smem:$0x3FA8]  }
0x39: {  	_ = 	snop;
	(pc) =	sbr.ind lr, $3  }
0x3a: {  	_ = 	snop  }
0x3b: {  	_ = 	snop  }
0x3c: {  	p2 =	seq.s32 s10, $0x1;
	s10 =	sld [smem:$0x3FA7]  }
0x3d: {  	_ =	shalt  }
0x3e: {  	_ =	shalt  }
0x3f: {  	_ =	shalt  }
0x40: {  	_ =	shalt  }
0x41: {  	_ =	shalt  }
0x42: {  	_ =	shalt  }
0x43: {  	_ =	shalt  }
0x44: {  	_ =	shalt  }
0x45: {  	_ =	shalt  }
0x46: {  	_ =	shalt  }
0x47: {  	_ =	shalt  }
0x48: {  	_ =	shalt  }
0x49: {  	_ =	shalt  }
0x4a: {  	_ =	shalt  }
0x4b: {  	_ =	shalt  }
0x4c: {  	_ =	shalt  }
0x4d: {  	_ =	shalt  }
0x4e: {  	_ =	shalt  }
0x4f: {  	_ =	shalt  }
0x50: {  	_ =	shalt  }
0x51: {  	_ =	shalt  }
0x52: {  	_ =	shalt  }
0x53: {  	_ =	shalt  }
0x54: {  	_ =	shalt  }
0x55: {  	_ =	shalt  }
0x56: {  	_ =	shalt  }
0x57: {  	_ =	shalt  }
0x58: {  	_ =	shalt  }
0x59: {  	_ =	shalt  }
0x5a: {  	_ =	shalt  }
0x5b: {  	_ =	shalt  }
0x5c: {  	_ =	shalt  }
0x5d: {  	_ =	shalt  }
0x5e: {  	_ =	shalt  }
0x5f: {  	_ =	shalt  }
0x60: {  	_ =	shalt  }
0x61: {  	_ =	shalt  }
0x62: {  	_ =	shalt  }
0x63: {  	_ =	shalt  }
0x64: {  	_ =	shalt  }
0x65: {  	_ =	shalt  }
0x66: {  	_ =	shalt  }
0x67: {  	_ =	shalt  }
0x68: {  	_ =	shalt  }
0x69: {  	_ =	shalt  }
0x6a: {  	_ =	shalt  }
0x6b: {  	_ =	shalt  }
0x6c: {  	_ =	shalt  }
0x6d: {  	_ =	shalt  }
0x6e: {  	_ =	shalt  }
0x6f: {  	_ =	shalt  }
0x70: {  	_ =	shalt  }
0x71: {  	_ =	shalt  }
0x72: {  	_ =	shalt  }
0x73: {  	_ =	shalt  }
0x74: {  	_ =	shalt  }
0x75: {  	_ =	shalt  }
0x76: {  	_ =	shalt  }
0x77: {  	_ =	shalt  }
0x78: {  	_ =	shalt  }
0x79: {  	_ =	shalt  }
0x7a: {  	_ =	shalt  }
0x7b: {  	_ =	shalt  }
0x7c: {  	_ =	shalt  }
0x7d: {  	_ =	shalt  }
0x7e: {  	_ =	shalt  }
0x7f: {  	_ =	shalt  }
0x80: {  	_ =	shalt  }
0x81: {  	_ =	shalt  }
0x82: {  	_ =	shalt  }
0x83: {  	_ =	shalt  }
0x84: {  	_ =	shalt  }
0x85: {  	_ =	shalt  }
0x86: {  	_ =	shalt  }
0x87: {  	_ =	shalt  }
.Lfunc_end0:
.L_simem_size_0:
called_computation_lowered:
.L_overlay_start_0:
0x88: {  	s2 =	sld [smem:$0x3FD9]  }
0x89: {  	s3 =	sld [smem:$0x3FFE];
	_ =	sdelay $0x1  }
0x8a: {  	s1 =	srdreg.scid  }
0x8b: {  	s0 =	sand.u32 $0x1, s1  }
0x8c: {  	s17 =	sshll.u32 s0, $0xA;
	s2 =	sadd.s32 s3, s2  }
0x8d: {  	s2 =	sadd.s32 s2, s17  }
0x8e: {  	[smem:$0x3FB3] =	sst s2  }
0x8f: {  	_ = 	snop  }
0x90: {  	s18 =	sld [smem:$0x3FD0];
	(tm) =	ssettm $0x1  }
0x91: {  	s19 =	sld [smem:$0x3FFB];
	_ =	sdelay $0x3  }
0x92: {  	_ =	strace s19  }
0x93: {  	s2 =	sld [smem:$0x3FFC];
	_ =	sdelay $0x3  }
0x94: {  	_ =	strace s2  }
0x95: {  	s2 =	sld [smem:$0x3FFD];
	_ =	sdelay $0x3  }
0x96: {  	_ =	strace s2  }
0x97: {  	_ =	strace $0x8FFFFFFF  }
0x98: {  	s20 =	sld [smem:$0x3FDB];
	_ =	sdelay $0x1  }
0x99: {  	s4 =	simm.s32 $_scs_section_size  }
0x9a: {  	s5 =	simm.s32 $_size__tile_overlayer_lowered;
	s6 =	simm.s32 $_tile_overlayer_lowered  }
0x9b: {  	s7 =	simm.s32 $0x1BFF;
	s21 =	sshll.u32 s6, $0x1;
	s4 =	sadd.s32 s4, s20  }
0x9c: {  	s22 =	simm.s32 $0x0;
	s5 =	sshll.u32 s5, $0x1;
	s6 =	sadd.s32 s21, s4  }
0x9d: {  	[timem:s22], [sflag:s7] =	dma.local [hbm:s6], s5  }
0x9e: {  	_ =	swait.ge [sflag:s7], s5  }
0x9f: {  	s5 =	ssub.s32 $0x0, s5;
	[sflag:s7] =	ssyncset.done $0x0  }
0xa0: {  	[sflag:s7] =	ssyncadd.s32 s5;
	_ =	sdelay $0x1  }
0xa1: {  	s23 =	simm.s32 $0x1B8B  }
0xa2: {  	_ =	swait.ge [sflag:s23], $0x1  }
0xa3: {  	[sflag:s23] =	ssyncset.done $0x0  }
0xa4: {  	[sflag:s23] =	ssyncadd.s32 $0xFFFFFFFF  }
0xa5: {  	s5 =	sld [smem:$0x0]  }
0xa6: {  	s6 =	sand.u32 $0xFFFFFFFE, s1  }
0xa7: {  	p0 =	sne.s32 s1, s6  }
0xa8: {  	s6 =	sshll.u32 @p0 s6, $0xE  }
0xa9: {  	s6 =	sadd.s32 @p0 $0x11B8D, s6;
	s7 =	sshll.u32 @p0 s5, $0x11  }
0xaa: {  	s6 =	sor.u32 @p0 s7, s6  }
0xab: {  	[sflag:s6] =	ssyncadd.remote.s32 @p0 $0x1;
	_ =	sdelay $0x1  }
0xac: {  	s6 =	simm.s32 @p0 $0x1B8D  }
0xad: {  	_ =	swait.eq @p0 [sflag:s6], $0x1  }
0xae: {  	[sflag:s6] =	ssyncadd.s32 @p0 $0xFFFFFFFF  }
0xaf: {  	s7 =	sshll.u32 @!p0 s1, $0xE  }
0xb0: {  	s7 =	sor.u32 @!p0 $0x4000, s7;
	s6 =	simm.s32 @!p0 $0x1B8D  }
0xb1: {  	s5 =	sshll.u32 @!p0 s5, $0x11;
	s7 =	sadd.s32 @!p0 $0x11B8D, s7;
	_ =	swait.eq @!p0 [sflag:s6], $0x1  }
0xb2: {  	s5 =	sor.u32 @!p0 s5, s7;
	[sflag:s6] =	ssyncadd.s32 @!p0 $0xFFFFFFFF  }
0xb3: {  	s25 =	simm.s32 $0x1B8E;
	s24 =	sld [smem:$0x3FFE];
	[sflag:s5] =	ssyncadd.remote.s32 @!p0 $0x1  }
0xb4: {  	s26 =	simm.s32 $execute0_lowered;
	[smem:$0x3FD2] =	sst s25  }
0xb5: {  	s6 =	sshll.u32 s26, $0x1;
	_ =	strace $0x80000049;
	[dreg:$0x1] =	wrdreg $0xFFFFFFFF  }
0xb6: {  	s28 =	simm.s32 $_size_execute0_lowered;
	s4 =	sadd.s32 s4, s6;
	[dreg:$0x0] =	wrdreg $0x0  }
0xb7: {  	s6 =	sshll.u32 s28, $0x1;
	[dreg:$0x2] =	wrdreg s4  }
0xb8: {  	[dreg:$0x3] =	wrdreg s6  }
0xb9: {  	[dreg:$0x4] =	wrdreg $0xC0  }
0xba: {  	_ =	task [dreg:s22], $0x5FFFF  }
0xbb: {  	[dreg:$0x1] =	wrdreg $0xFFFFFFFF  }
0xbc: {  	[dreg:$0x0] =	wrdreg $0x60  }
0xbd: {  	[dreg:$0x2] =	wrdreg s18  }
0xbe: {  	[dreg:$0x3] =	wrdreg s24  }
0xbf: {  	[dreg:$0x4] =	wrdreg $0x40800  }
0xc0: {  	[dreg:$0x5] =	wrdreg $0x9  }
0xc1: {  	_ =	task.clear_ibuf [dreg:s22], $0x6FFFF;
	_ =	strace $0x90000049  }
0xc2: {  	s29 =	simm.s32 $0x9;
	_ =	strace $0x8000004B  }
0xc3: {  	_ =	swait.ge [sflag:s29], $0x1  }
0xc4: {  	[sflag:s29] =	ssyncadd.s32 $0xFFFFFFFF  }
0xc5: {  	_ =	strace $0x9000004B  }
0xc6: {  	_ =	sfence  }
0xc7: {  	s30 =	sld [smem:$0x0];
	_ =	sdelay $0x2  }
0xc8: {  	s31 =	sshll.u32 s1, $0xD;
	s1 =	sshrl.u32 s1, $0x2  }
0xc9: {  	s4 =	sand.u32 $0x4000, s31;
	s1 =	sadd.s32 s1, s30  }
0xca: {  	s0 =	sor.u32 s4, s0;
	s1 =	sshll.u32 s1, $0x11  }
0xcb: {  	s0 =	sor.u32 s1, s0  }
0xcc: {  	s0 =	sadd.s32 $0x8F2B, s0  }
0xcd: {  	[sflag:s0] =	ssyncadd.remote.s32 $0x1  }
0xce: {  	_ =	sfence.sel $0xFFFF  }
0xcf: {  	[dreg:$0x0] =	wrdreg $0xFFFFFFFF;
	(pc) =	sbr.abs _section_cstart, $3  }
0xd0: {  	[dreg:$0x1] =	wrdreg $0xFFFFFFFF  }
0xd1: {  	_ =	task.clear_ibuf [dreg:s22], $0x2FFFF;
	_ =	strace $0x9FFFFFFF  }
0xd2: {  	(tm) =	ssettm $0x7FFFFFFF  }
0xd3: {  	_ =	shalt  }
tec
execute0_lowered:
.L_overlay_start_1:
0x0: {  	(tag) =	ssettag $0x1  }
0x1: {  	s9 =	rddreg [dreg:$0x0]  }
0x2: {  	s0 =	srdreg.scid;
	s4 =	rddreg [dreg:$0x1]  }
0x3: {  	s2 =	rddreg [dreg:$0x2];
	s7 =	sand.u32 $0x1, s0  }
0x4: {  	s0 =	stileid.u32;
	s5 =	smul.u32 $0x13C000, s7  }
0x5: {  	s1 =	rddreg [dreg:$0x3];
	s3 =	simm.s32 $0x0;
	s6 =	smul.u32 $0x13C00, s0  }
0x6: {  	s16 =	simm.s32 $0x0;
	[smem:$0x7FF] =	sst s3;
	s29 =	smul.u32 $0x4F000, s0  }
0x7: {  	_ =	strace $0x8000004A;
	s8 =	ssub.s32 $0x2, s7;
	s12 =	smul.u32 $0x9E0, s0  }
0x8: {  	s13 =	smul.u32 $0x4F0, s7;
	s14 =	sshll.u32 s0, $0x6;
	s5 =	sadd.s32 s6, s5  }
0x9: {  	s30 =	sshrl.u32 s8, $0x1;
	s31 =	sshrl.u32 s29, $0x2;
	s5 =	sshrl.u32 s5, $0x3  }
0xa: {  	s14 =	sor.u32 $0x1C01, s14;
	s10 =	sadd.s32 s5, s4;
	s4 =	sadd.s32 s31, s2  }
0xb: {  	s11 =	ssub.s32 s8, s30;
	s12 =	sadd.s32 s12, s9;
	s5 =	sadd.s32 $0x4000, s4  }
0xc: {  	s6 =	sadd.s32 $0x8000, s4;
	s7 =	sadd.s32 $0xC000, s4;
	s8 =	sadd.s32 $0x10000, s4  }
0xd: {  	s9 =	sadd.s32 $0x85000, s10;
	s10 =	smax.u32 s11, $0x1;
	s11 =	sadd.s32 s13, s12  }
0xe: {  	v0 =	vimm.f32 $0.0e+00;
	v1 =	vimm.f32 $1.000000000e+00;
	s12 =	simm.s32 $0x80;
	s13 =	simm.s32 $0x1;
	s15 =	sshrl.u32 s4, $0x3  }
.LBB2_1:
0xf: {  	s17 =	simm.s32 $0x0;
	s18 =	simm.s32 $0x200  }
.LBB2_2:
0x10: {  	p0 =	sne.s32 s18, $0xFE00;
	[tilespmem:s17+$0xF0] =	vst v0  }
0x11: {  	[tilespmem:s17+$0x80] =	vst v0  }
0x12: {  	[tilespmem:s17+$0x90] =	vst v0  }
.Ltmp0:
0x13: {  	[tilespmem:s17+$0xA0] =	vst v0;
	(pc) =	sbr.rel @p0 .LBB2_2-.Ltmp0, $4  }
0x14: {  	[tilespmem:s17+$0xB0] =	vst v0  }
0x15: {  	[tilespmem:s17+$0xC0] =	vst v0  }
0x16: {  	[tilespmem:s17+$0xD0] =	vst v0  }
0x17: {  	[tilespmem:s17+$0xE0] =	vst v0;
	s17 =	sshra.s32 s18, $0x2;
	s18 =	sadd.s32 $0x200, s18  }
0x18: {  	[tilespmem:s17+$0xF0] =	vst v0  }
0x19: {  	[tilespmem:s17+$0x80] =	vst v0  }
0x1a: {  	[tilespmem:s17+$0x90] =	vst v0  }
0x1b: {  	[tilespmem:s17+$0xA0] =	vst v0  }
0x1c: {  	[tilespmem:s17+$0xB0] =	vst v0  }
0x1d: {  	[tilespmem:s17+$0xC0] =	vst v0  }
0x1e: {  	[tilespmem:s17+$0xD0] =	vst v0  }
0x1f: {  	[tilespmem:s17+$0xE0] =	vst v0  }
0x20: {  	[spmem:s4] =	stream.linear.scatter [tilespmem:s12], [sflag:$0x1], $0x4000, $0x38;
	[tilespmem:$0x17C80] =	vst v63  }
0x21: {  	_ =	swait.ge [sflag:s13], $0x4000  }
0x22: {  	[sflag:s13] =	ssyncset.done $0x0  }
0x23: {  	[sflag:s13] =	ssyncadd.s32 $0xFFFFC000  }
0x24: {  	[spmem:s5] =	stream.linear.scatter [tilespmem:s12], [sflag:$0x1], $0x4000, $0x38;
	[tilespmem:$0x17C80] =	vst v63  }
0x25: {  	_ =	swait.ge [sflag:s13], $0x4000  }
0x26: {  	[sflag:s13] =	ssyncset.done $0x0  }
0x27: {  	[sflag:s13] =	ssyncadd.s32 $0xFFFFC000  }
0x28: {  	[spmem:s6] =	stream.linear.scatter [tilespmem:s12], [sflag:$0x1], $0x4000, $0x38;
	[tilespmem:$0x17C80] =	vst v63  }
0x29: {  	_ =	swait.ge [sflag:s13], $0x4000  }
0x2a: {  	[sflag:s13] =	ssyncset.done $0x0  }
0x2b: {  	[sflag:s13] =	ssyncadd.s32 $0xFFFFC000  }
0x2c: {  	[spmem:s7] =	stream.linear.scatter [tilespmem:s12], [sflag:$0x1], $0x4000, $0x38;
	[tilespmem:$0x17C80] =	vst v63  }
0x2d: {  	_ =	swait.ge [sflag:s13], $0x4000  }
0x2e: {  	[sflag:s13] =	ssyncset.done $0x0  }
0x2f: {  	[sflag:s13] =	ssyncadd.s32 $0xFFFFC000  }
0x30: {  	[spmem:s8] =	stream.linear.scatter [tilespmem:s12], [sflag:$0x1], $0x3C00, $0x38;
	[tilespmem:$0x17C80] =	vst v63  }
0x31: {  	_ =	swait.ge [sflag:s13], $0x3C00  }
0x32: {  	[sflag:s13] =	ssyncset.done $0x0  }
0x33: {  	s17 =	simm.s32 $0x0;
	s18 =	simm.s32 $0x200;
	[sflag:s13] =	ssyncadd.s32 $0xFFFFC400  }
.LBB2_4:
0x34: {  	p0 =	sne.s32 s18, $0xFE00;
	[tilespmem:s17+$0xF0] =	vst v1  }
0x35: {  	[tilespmem:s17+$0x80] =	vst v1  }
0x36: {  	[tilespmem:s17+$0x90] =	vst v1  }
.Ltmp1:
0x37: {  	[tilespmem:s17+$0xA0] =	vst v1;
	(pc) =	sbr.rel @p0 .LBB2_4-.Ltmp1, $4  }
0x38: {  	[tilespmem:s17+$0xB0] =	vst v1  }
0x39: {  	[tilespmem:s17+$0xC0] =	vst v1  }
0x3a: {  	[tilespmem:s17+$0xD0] =	vst v1  }
0x3b: {  	[tilespmem:s17+$0xE0] =	vst v1;
	s17 =	sshra.s32 s18, $0x2;
	s18 =	sadd.s32 $0x200, s18  }
0x3c: {  	[tilespmem:s17+$0xF0] =	vst v1  }
0x3d: {  	[tilespmem:s17+$0x80] =	vst v1  }
0x3e: {  	[tilespmem:s17+$0x90] =	vst v1  }
0x3f: {  	[tilespmem:s17+$0xA0] =	vst v1  }
0x40: {  	[tilespmem:s17+$0xB0] =	vst v1  }
0x41: {  	[tilespmem:s17+$0xC0] =	vst v1  }
0x42: {  	[tilespmem:s17+$0xD0] =	vst v1  }
0x43: {  	[tilespmem:s17+$0xE0] =	vst v1  }
0x44: {  	s31 =	sadd.s32 $0x0, s11;
	[bflag:$0x0] =	sbarrier.arrive $0xFFFF  }
0x45: {  	[tilespmem:s3], [sflag:$0x1] =	stream.linear.gather [hbm4b:s31+s3], $0x80, $0x38;
	[tilespmem:$0x17C80] =	vst v63  }
0x46: {  	_ =	swait.ge [sflag:s13], $0x80  }
0x47: {  	[sflag:s13] =	ssyncset.done $0x0  }
0x48: {  	[sflag:s13] =	ssyncadd.s32 $0xFFFFFF80  }
0x49: {  	[spmem:s2] =	stream.indirect.scatter.add.f32 [tilespmem:s12], [sflag:$0x1], $0x80, s3, s12, $0xb8;
	[tilespmem:$0x17C80] =	vst v63  }
0x4a: {  	_ =	swait.ge [sflag:s13], $0x4000  }
0x4b: {  	s17 =	simm.s32 $0x10;
	s18 =	simm.s32 $0x20;
	[sflag:s13] =	ssyncset.done $0x0  }
.LBB2_6:
0x4c: {  	s19 =	sadd.s32 s17, s11  }
0x4d: {  	[sflag:s13] =	ssyncadd.s32 $0xFFFFC000;
	s17 =	smov.u32 s18;
	s20 =	sadd.s32 $0x10, s18  }
0x4e: {  	[tilespmem:s3], [sflag:$0x1] =	stream.linear.gather [hbm4b:s19+s3], $0x80, $0x38;
	[tilespmem:$0x17C80] =	vst v63  }
0x4f: {  	p0 =	sne.s32 s18, $0x4E0;
	_ =	swait.ge [sflag:s13], $0x80  }
.Ltmp2:
0x50: {  	[sflag:s13] =	ssyncset.done $0x0;
	(pc) =	sbr.rel @p0 .LBB2_6-.Ltmp2, $4  }
0x51: {  	[sflag:s13] =	ssyncadd.s32 $0xFFFFFF80  }
0x52: {  	[spmem:s2] =	stream.indirect.scatter.add.f32 [tilespmem:s12], [sflag:$0x1], $0x80, s3, s12, $0xb8;
	[tilespmem:$0x17C80] =	vst v63  }
0x53: {  	_ =	swait.ge [sflag:s13], $0x4000  }
0x54: {  	s18 =	smov.u32 s20;
	[sflag:s13] =	ssyncset.done $0x0  }
0x55: {  	s17 =	sadd.s32 s17, s11;
	[sflag:s13] =	ssyncadd.s32 $0xFFFFC000  }
0x56: {  	[tilespmem:s3], [sflag:$0x1] =	stream.linear.gather [hbm4b:s17+s3], $0x80, $0x38;
	[tilespmem:$0x17C80] =	vst v63  }
0x57: {  	_ =	swait.ge [sflag:s13], $0x80  }
0x58: {  	[sflag:s13] =	ssyncset.done $0x0  }
0x59: {  	[sflag:s13] =	ssyncadd.s32 $0xFFFFFF80  }
0x5a: {  	[spmem:s2] =	stream.indirect.scatter.add.f32 [tilespmem:s12], [sflag:$0x1], $0x80, s3, s12, $0xb8;
	[tilespmem:$0x17C80] =	vst v63  }
0x5b: {  	_ =	swait.ge [sflag:s13], $0x4000  }
0x5c: {  	s16 =	sadd.s32 $0x1, s16;
	[sflag:s13] =	ssyncset.done $0x0  }
0x5d: {  	p0 =	sne.s32 s16, s10;
	[sflag:s13] =	ssyncadd.s32 $0xFFFFC000  }
.Ltmp3:
0x5e: {  	[bflag:$0x0] =	sbarrier.arrive $0xFFFF;
	(pc) =	sbr.rel @p0 .LBB2_1-.Ltmp3, $4  }
0x5f: {  	[hbm:s9], [sflag:s14] =	dma.local [spmem:s15], $0x2780  }
0x60: {  	_ =	swait.ge [sflag:s13], $0x2780  }
0x61: {  	[sflag:s13] =	ssyncset.done $0x0  }
0x62: {  	[sflag:s13] =	ssyncadd.s32 $0xFFFFD880  }
0x63: {  	_ =	sfence.sel $0x180000  }
0x64: {  	[bflag:$0x0] =	sbarrier.arrive $0xFFFF  }
0x65: {  	p0 =	sne.s32 s0, $0x0;
	_ =	strace $0x9000004A  }
0x66: {  	s0 =	sadd.s32 @!p0 $0x100000, s1;
	[bflag:$0x2] =	sbarrier.arrive $0xFFFF  }
0x67: {  	[sflag:s0] =	ssyncadd.tile.s32 @!p0 $0x1;
	_ =	shalt  }
.Lfunc_end2:
_tile_overlayer_lowered:
.L_overlay_start_2:
0x68: {  	(tag) =	ssettag $0x2  }
0x69: {  	s0 =	rddreg [dreg:$0x0];
	s2 =	stileid.u32  }
0x6a: {  	s1 =	rddreg [dreg:$0x1];
	p0 =	sne.s32 s2, $0x0  }
0x6b: {  	s3 =	rddreg [dreg:$0x2];
	[bflag:$0x3] =	sbarrier.arrive $0xFFFF;
	s2 =	simm.s32 @!p0 $0x1C01  }
0x6c: {  	[timem:s3], [sflag:s2] =	dma.local @!p0 [hbm:s0], s1  }
0x6d: {  	s0 =	simm.s32 @!p0 $0x1  }
0x6e: {  	_ =	swait.ge @!p0 [sflag:s0], s1  }
0x6f: {  	s1 =	ssub.s32 @!p0 $0x0, s1;
	[sflag:s0] =	ssyncset.done @!p0 $0x0  }
0x70: {  	[sflag:s0] =	ssyncadd.s32 @!p0 s1  }
0x71: {  	[bflag:$0x3] =	sbarrier.arrive $0xFFFF  }
0x72: {  	_ =	shalt  }

// kernel: kernel.13.cloned.1.call-start
scs
__scs_entry_jumppad:
0x0: {  	(pc) =	sbr.rel $0x88, $3  }
0x1: {  	(tag) =	ssettag $0x0;
	lr =	simm.s32 $0x1  }
0x2: {  	[smem:$0x3F8C] =	sst lr;
	_ =	strace $0xD0000000  }
0x3: {  	_ = 	snop  }
0x4: {  	_ = 	snop  }
0x5: {  	_ = 	snop  }
0x6: {  	_ = 	snop  }
0x7: {  	_ = 	snop  }
__scs_overlays_trampoline_lowered:
0x8: {  	[smem:$0x3F9B] =	sst s0  }
0x9: {  	[smem:$0x3F9C] =	sst s1  }
0xa: {  	[smem:$0x3F9D] =	sst s2  }
0xb: {  	[smem:$0x3F9E] =	sst s3  }
0xc: {  	[smem:$0x3F9F] =	sst s4  }
0xd: {  	[smem:$0x3FA0] =	sst s5  }
0xe: {  	[smem:$0x3FA1] =	sst s6  }
0xf: {  	[smem:$0x3FA2] =	sst s7  }
0x10: {  	[smem:$0x3FA3] =	sst s8  }
0x11: {  	[smem:$0x3FA4] =	sst s9;
	s0 =	simm.s32 @!p0 $0x0  }
0x12: {  	s1 =	sld [smem:$0x3F8A];
	s0 =	simm.s32 @p0 $0x1  }
0x13: {  	[smem:$0x3FA5] =	sst s0;
	s0 =	simm.s32 @!p1 $0x0  }
0x14: {  	s2 =	sld [smem:$0x3F89];
	s0 =	simm.s32 @p1 $0x1  }
0x15: {  	[smem:$0x3FA6] =	sst s0;
	s0 =	simm.s32 @!p2 $0x0  }
0x16: {  	s3 =	sld [smem:$0x3FDB];
	s0 =	simm.s32 @p2 $0x1  }
0x17: {  	s4 =	simm.s32 $0x1BF5;
	[smem:$0x3FA8] =	sst s0  }
0x18: {  	s0 =	sld [smem:$0x3F8B];
	_ =	swait.ge [sflag:s4], $0x0  }
0x19: {  	s7 =	sld [smem:$0x3F8C]  }
0x1a: {  	s8 =	sadd.s32 $0xFFFFE003, lr  }
0x1b: {  	s9 =	sadd.s32 $0xFFFFFEF7, lr;
	s5 =	simm.s32 $0xFFFFFFFF;
	p2 =	slt.u32 s8, $0xFFFFF086  }
0x1c: {  	p1 =	slt.u32 s9, $0xF7A;
	s5 =	simm.s32 @!p2 $0x0  }
0x1d: {  	s5 =	simm.s32 @p1 $0x1;
	p0 =	seq.s32 s7, s2  }
0x1e: {  	s7 =	smul.u32 @!p0 $0xF7A, s2;
	p2 =	seq.s32 @!p0 s5, $0x0  }
0x1f: {  	s9 =	smul.u32 $0xF7A, s1;
	s8 =	simm.s32 @!p0 $0x1BF5;
	p2 =	por !p2, p0  }
0x20: {  	[sflag:s8] =	ssyncset.s32 @!p0 $0xFFFFF086;
	s6 =	sadd.s32 @!p0 s3, s7;
	s7 =	simm.s32 @!p0 $0x108  }
0x21: {  	s3 =	sadd.s32 s3, s9;
	s6 =	sadd.s32 @!p0 $0x88, s6;
	s7 =	simm.s32 @p2 $0x1082  }
0x22: {  	[simem:s7], [sflag:s8] =	dma.local @!p0 [hbm:s6], $0xF7A  }
0x23: {  	s9 =	sor.u32 $0xD0000000, s2;
	s6 =	simm.s32 $0x108;
	_ =	swait.ge @!p0 [sflag:s8], $0x0  }
0x24: {  	s3 =	sadd.s32 $0x88, s3;
	s6 =	simm.s32 @!p1 $0x1082;
	[sflag:s4] =	ssyncset.s32 $0xFFFFF086  }
0x25: {  	[simem:s6], [sflag:s4] =	dma.local [hbm:s3], $0xF7A  }
0x26: {  	[smem:$0x3F8C] =	sst s1;
	(tag) =	ssettag s2;
	_ =	strace s9  }
0x27: {  	s1 =	sld [smem:$0x3F9C]  }
0x28: {  	s2 =	sld [smem:$0x3F9D]  }
0x29: {  	s4 =	sld [smem:$0x3F9F]  }
0x2a: {  	p0 =	seq.s32 s5, $0x0;
	s5 =	sld [smem:$0x3FA0]  }
0x2b: {  	s6 =	sld [smem:$0x3FA1]  }
0x2c: {  	s7 =	sld [smem:$0x3FA2]  }
0x2d: {  	s3 =	simm.s32 $0x108;
	s8 =	sld [smem:$0x3FA3]  }
0x2e: {  	s3 =	simm.s32 @!p0 $0x1082;
	s9 =	sld [smem:$0x3FA4]  }
0x2f: {  	lr =	sadd.s32 s0, s3;
	s0 =	sld [smem:$0x3F9B]  }
0x30: {  	s3 =	sld [smem:$0x3F9E]  }
0x31: {  	[smem:$0x3FA7] =	sst s10  }
0x32: {  	s10 =	sld [smem:$0x3FA5];
	_ =	sdelay $0x3  }
0x33: {  	p0 =	seq.s32 s10, $0x1;
	s10 =	sld [smem:$0x3FA7];
	_ =	sdelay $0x3  }
0x34: {  	[smem:$0x3FA7] =	sst s10  }
0x35: {  	s10 =	sld [smem:$0x3FA6];
	_ =	sdelay $0x3  }
0x36: {  	p1 =	seq.s32 s10, $0x1;
	s10 =	sld [smem:$0x3FA7];
	_ =	sdelay $0x3  }
0x37: {  	[smem:$0x3FA7] =	sst s10  }
0x38: {  	s10 =	sld [smem:$0x3FA8]  }
0x39: {  	_ = 	snop;
	(pc) =	sbr.ind lr, $3  }
0x3a: {  	_ = 	snop  }
0x3b: {  	_ = 	snop  }
0x3c: {  	p2 =	seq.s32 s10, $0x1;
	s10 =	sld [smem:$0x3FA7]  }
0x3d: {  	_ =	shalt  }
0x3e: {  	_ =	shalt  }
0x3f: {  	_ =	shalt  }
0x40: {  	_ =	shalt  }
0x41: {  	_ =	shalt  }
0x42: {  	_ =	shalt  }
0x43: {  	_ =	shalt  }
0x44: {  	_ =	shalt  }
0x45: {  	_ =	shalt  }
0x46: {  	_ =	shalt  }
0x47: {  	_ =	shalt  }
0x48: {  	_ =	shalt  }
0x49: {  	_ =	shalt  }
0x4a: {  	_ =	shalt  }
0x4b: {  	_ =	shalt  }
0x4c: {  	_ =	shalt  }
0x4d: {  	_ =	shalt  }
0x4e: {  	_ =	shalt  }
0x4f: {  	_ =	shalt  }
0x50: {  	_ =	shalt  }
0x51: {  	_ =	shalt  }
0x52: {  	_ =	shalt  }
0x53: {  	_ =	shalt  }
0x54: {  	_ =	shalt  }
0x55: {  	_ =	shalt  }
0x56: {  	_ =	shalt  }
0x57: {  	_ =	shalt  }
0x58: {  	_ =	shalt  }
0x59: {  	_ =	shalt  }
0x5a: {  	_ =	shalt  }
0x5b: {  	_ =	shalt  }
0x5c: {  	_ =	shalt  }
0x5d: {  	_ =	shalt  }
0x5e: {  	_ =	shalt  }
0x5f: {  	_ =	shalt  }
0x60: {  	_ =	shalt  }
0x61: {  	_ =	shalt  }
0x62: {  	_ =	shalt  }
0x63: {  	_ =	shalt  }
0x64: {  	_ =	shalt  }
0x65: {  	_ =	shalt  }
0x66: {  	_ =	shalt  }
0x67: {  	_ =	shalt  }
0x68: {  	_ =	shalt  }
0x69: {  	_ =	shalt  }
0x6a: {  	_ =	shalt  }
0x6b: {  	_ =	shalt  }
0x6c: {  	_ =	shalt  }
0x6d: {  	_ =	shalt  }
0x6e: {  	_ =	shalt  }
0x6f: {  	_ =	shalt  }
0x70: {  	_ =	shalt  }
0x71: {  	_ =	shalt  }
0x72: {  	_ =	shalt  }
0x73: {  	_ =	shalt  }
0x74: {  	_ =	shalt  }
0x75: {  	_ =	shalt  }
0x76: {  	_ =	shalt  }
0x77: {  	_ =	shalt  }
0x78: {  	_ =	shalt  }
0x79: {  	_ =	shalt  }
0x7a: {  	_ =	shalt  }
0x7b: {  	_ =	shalt  }
0x7c: {  	_ =	shalt  }
0x7d: {  	_ =	shalt  }
0x7e: {  	_ =	shalt  }
0x7f: {  	_ =	shalt  }
0x80: {  	_ =	shalt  }
0x81: {  	_ =	shalt  }
0x82: {  	_ =	shalt  }
0x83: {  	_ =	shalt  }
0x84: {  	_ =	shalt  }
0x85: {  	_ =	shalt  }
0x86: {  	_ =	shalt  }
0x87: {  	_ =	shalt  }
.Lfunc_end0:
.L_simem_size_0:
called_computation.1_lowered:
.L_overlay_start_0:
0x88: {  	s2 =	sld [smem:$0x3FD9]  }
0x89: {  	s3 =	sld [smem:$0x3FFE];
	_ =	sdelay $0x1  }
0x8a: {  	s1 =	srdreg.scid  }
0x8b: {  	s0 =	sand.u32 $0x1, s1  }
0x8c: {  	s17 =	sshll.u32 s0, $0xA;
	s2 =	sadd.s32 s3, s2  }
0x8d: {  	s2 =	sadd.s32 s2, s17  }
0x8e: {  	[smem:$0x3FB3] =	sst s2  }
0x8f: {  	_ = 	snop  }
0x90: {  	s2 =	sld [smem:$0x3FD0];
	(tm) =	ssettm $0x1  }
0x91: {  	s18 =	sld [smem:$0x3FFB];
	_ =	sdelay $0x3  }
0x92: {  	_ =	strace s18  }
0x93: {  	s3 =	sld [smem:$0x3FFC];
	_ =	sdelay $0x3  }
0x94: {  	_ =	strace s3  }
0x95: {  	s3 =	sld [smem:$0x3FFD];
	_ =	sdelay $0x3  }
0x96: {  	_ =	strace s3  }
0x97: {  	_ =	strace $0x8FFFFFFF  }
0x98: {  	s19 =	sld [smem:$0x3FDB];
	_ =	sdelay $0x1  }
0x99: {  	s4 =	simm.s32 $_scs_section_size  }
0x9a: {  	s5 =	simm.s32 $_size__tile_overlayer_lowered;
	s6 =	simm.s32 $_tile_overlayer_lowered  }
0x9b: {  	s22 =	simm.s32 $0x1BFF;
	s21 =	sshll.u32 s6, $0x1;
	s3 =	sadd.s32 s4, s19  }
0x9c: {  	s7 =	simm.s32 $0x0;
	s20 =	sshll.u32 s5, $0x1;
	s5 =	sadd.s32 s21, s3  }
0x9d: {  	[timem:s7], [sflag:s22] =	dma.local [hbm:s5], s20  }
0x9e: {  	_ =	swait.ge [sflag:s22], s20  }
0x9f: {  	s4 =	ssub.s32 $0x0, s20;
	[sflag:s22] =	ssyncset.done $0x0  }
0xa0: {  	[sflag:s22] =	ssyncadd.s32 s4;
	_ =	sdelay $0x1  }
0xa1: {  	s23 =	simm.s32 $0x1B8B  }
0xa2: {  	_ =	swait.ge [sflag:s23], $0x1  }
0xa3: {  	[sflag:s23] =	ssyncset.done $0x0  }
0xa4: {  	s25 =	simm.s32 $0x1B8E;
	s24 =	sld [smem:$0x3FFE];
	[sflag:s23] =	ssyncadd.s32 $0xFFFFFFFF  }
0xa5: {  	s26 =	simm.s32 $execute0_lowered;
	[smem:$0x3FD2] =	sst s25  }
0xa6: {  	s5 =	sshll.u32 s26, $0x1;
	_ =	strace $0x80000046;
	[dreg:$0x1] =	wrdreg $0xFFFFFFFF  }
0xa7: {  	s28 =	simm.s32 $_size_execute0_lowered;
	s3 =	sadd.s32 s3, s5;
	[dreg:$0x0] =	wrdreg $0x0  }
0xa8: {  	s5 =	sshll.u32 s28, $0x1;
	[dreg:$0x2] =	wrdreg s3  }
0xa9: {  	[dreg:$0x3] =	wrdreg s5  }
0xaa: {  	[dreg:$0x4] =	wrdreg $0xC0  }
0xab: {  	_ =	task [dreg:s7], $0x5FFFF  }
0xac: {  	[dreg:$0x1] =	wrdreg $0xFFFFFFFF  }
0xad: {  	[dreg:$0x0] =	wrdreg $0x60  }
0xae: {  	[dreg:$0x2] =	wrdreg s24  }
0xaf: {  	[dreg:$0x3] =	wrdreg s2  }
0xb0: {  	[dreg:$0x4] =	wrdreg $0x41000  }
0xb1: {  	[dreg:$0x5] =	wrdreg $0xA  }
0xb2: {  	_ =	task.clear_ibuf [dreg:s7], $0x6FFFF;
	_ =	strace $0x90000046  }
0xb3: {  	s29 =	simm.s32 $0xA;
	_ =	strace $0x80000048  }
0xb4: {  	_ =	swait.ge [sflag:s29], $0x1  }
0xb5: {  	[sflag:s29] =	ssyncadd.s32 $0xFFFFFFFF  }
0xb6: {  	_ =	strace $0x90000048  }
0xb7: {  	_ =	sfence  }
0xb8: {  	s30 =	sld [smem:$0x0];
	_ =	sdelay $0x2  }
0xb9: {  	s31 =	sshll.u32 s1, $0xD;
	s1 =	sshrl.u32 s1, $0x2  }
0xba: {  	s3 =	sand.u32 $0x4000, s31;
	s1 =	sadd.s32 s1, s30  }
0xbb: {  	s0 =	sor.u32 s3, s0;
	s1 =	sshll.u32 s1, $0x11  }
0xbc: {  	s0 =	sor.u32 s1, s0  }
0xbd: {  	s0 =	sadd.s32 $0x8F2B, s0  }
0xbe: {  	[sflag:s0] =	ssyncadd.remote.s32 $0x1  }
0xbf: {  	_ =	sfence.sel $0xFFFF  }
0xc0: {  	[dreg:$0x0] =	wrdreg $0xFFFFFFFF;
	(pc) =	sbr.abs _section_cstart, $3  }
0xc1: {  	[dreg:$0x1] =	wrdreg $0xFFFFFFFF  }
0xc2: {  	_ =	task.clear_ibuf [dreg:s7], $0x2FFFF;
	_ =	strace $0x9FFFFFFF  }
0xc3: {  	(tm) =	ssettm $0x7FFFFFFF  }
tec
execute0_lowered:
.L_overlay_start_1:
0x0: {  	(tag) =	ssettag $0x1  }
0x1: {  	s6 =	rddreg [dreg:$0x0];
	s0 =	stileid.u32  }
0x2: {  	s1 =	srdreg.scid;
	s11 =	rddreg [dreg:$0x1]  }
0x3: {  	s2 =	rddreg [dreg:$0x2];
	s3 =	simm.s32 $0x0;
	s16 =	simm.s32 $0x80  }
0x4: {  	s17 =	simm.s32 $0x1;
	s20 =	simm.s32 $0x0;
	s12 =	smul.u32 $0x9E0, s0  }
0x5: {  	s9 =	sand.u32 $0x1, s1;
	s1 =	rddreg [dreg:$0x3];
	s7 =	smul.u32 $0x13C00, s0  }
0x6: {  	[smem:$0x7FF] =	sst s3;
	s8 =	smul.u32 $0x4F000, s0;
	s4 =	sadd.s32 $0xE800, s6  }
0x7: {  	s18 =	sshll.u32 s0, $0x6;
	s5 =	smul.u32 $0x13C000, s9;
	_ =	strace $0x80000047  }
0x8: {  	s31 =	ssub.s32 $0x2, s9;
	s15 =	smul.u32 $0x4F0, s9;
	s18 =	sor.u32 $0x1C02, s18  }
0x9: {  	s13 =	sadd.s32 s12, s6;
	s8 =	sshrl.u32 s8, $0x2;
	s14 =	sshrl.u32 s31, $0x1  }
0xa: {  	s12 =	sadd.s32 s12, s11;
	s5 =	sadd.s32 s7, s5;
	s14 =	ssub.s32 s31, s14  }
0xb: {  	s12 =	sadd.s32 s15, s12;
	s13 =	sadd.s32 s15, s13;
	s15 =	simm.s32 $0x2  }
0xc: {  	s10 =	sshrl.u32 s5, $0x3;
	s5 =	sadd.s32 s8, s2;
	s11 =	smax.u32 s14, $0x1  }
0xd: {  	s13 =	sadd.s32 $0x4A00, s13;
	s14 =	simm.s32 $0x100;
	s10 =	sadd.s32 s10, s6  }
0xe: {  	s6 =	sadd.s32 $0x4000, s5;
	s7 =	sadd.s32 $0x8000, s5;
	s8 =	sadd.s32 $0xC000, s5  }
0xf: {  	v0 =	vimm.f32 $0.0e+00;
	s9 =	sadd.s32 $0x10000, s5;
	s19 =	sshrl.u32 s5, $0x3;
	s10 =	sadd.s32 $0x36000, s10  }
.LBB2_1:
0x10: {  	s21 =	simm.s32 $0x0;
	s22 =	simm.s32 $0x200  }
.LBB2_2:
0x11: {  	p0 =	sne.s32 s22, $0xFE00;
	[tilespmem:s21+$0x170] =	vst v0  }
0x12: {  	[tilespmem:s21+$0x100] =	vst v0  }
0x13: {  	[tilespmem:s21+$0x110] =	vst v0  }
.Ltmp0:
0x14: {  	[tilespmem:s21+$0x120] =	vst v0;
	(pc) =	sbr.rel @p0 .LBB2_2-.Ltmp0, $4  }
0x15: {  	[tilespmem:s21+$0x130] =	vst v0  }
0x16: {  	[tilespmem:s21+$0x140] =	vst v0  }
0x17: {  	[tilespmem:s21+$0x150] =	vst v0  }
0x18: {  	[tilespmem:s21+$0x160] =	vst v0;
	s21 =	sshra.s32 s22, $0x2;
	s22 =	sadd.s32 $0x200, s22  }
0x19: {  	[tilespmem:s21+$0x170] =	vst v0  }
0x1a: {  	[tilespmem:s21+$0x100] =	vst v0  }
0x1b: {  	[tilespmem:s21+$0x110] =	vst v0  }
0x1c: {  	[tilespmem:s21+$0x120] =	vst v0  }
0x1d: {  	[tilespmem:s21+$0x130] =	vst v0  }
0x1e: {  	[tilespmem:s21+$0x140] =	vst v0  }
0x1f: {  	[tilespmem:s21+$0x150] =	vst v0  }
0x20: {  	[tilespmem:s21+$0x160] =	vst v0  }
0x21: {  	[spmem:s5] =	stream.linear.scatter [tilespmem:s14], [sflag:$0x2], $0x4000, $0x38;
	[tilespmem:$0x17D00] =	vst v63  }
0x22: {  	_ =	swait.ge [sflag:s15], $0x4000  }
0x23: {  	[sflag:s15] =	ssyncset.done $0x0  }
0x24: {  	[sflag:s15] =	ssyncadd.s32 $0xFFFFC000  }
0x25: {  	[spmem:s6] =	stream.linear.scatter [tilespmem:s14], [sflag:$0x2], $0x4000, $0x38;
	[tilespmem:$0x17D00] =	vst v63  }
0x26: {  	_ =	swait.ge [sflag:s15], $0x4000  }
0x27: {  	[sflag:s15] =	ssyncset.done $0x0  }
0x28: {  	[sflag:s15] =	ssyncadd.s32 $0xFFFFC000  }
0x29: {  	[spmem:s7] =	stream.linear.scatter [tilespmem:s14], [sflag:$0x2], $0x4000, $0x38;
	[tilespmem:$0x17D00] =	vst v63  }
0x2a: {  	_ =	swait.ge [sflag:s15], $0x4000  }
0x2b: {  	[sflag:s15] =	ssyncset.done $0x0  }
0x2c: {  	[sflag:s15] =	ssyncadd.s32 $0xFFFFC000  }
0x2d: {  	[spmem:s8] =	stream.linear.scatter [tilespmem:s14], [sflag:$0x2], $0x4000, $0x38;
	[tilespmem:$0x17D00] =	vst v63  }
0x2e: {  	_ =	swait.ge [sflag:s15], $0x4000  }
0x2f: {  	[sflag:s15] =	ssyncset.done $0x0  }
0x30: {  	[sflag:s15] =	ssyncadd.s32 $0xFFFFC000  }
0x31: {  	[spmem:s9] =	stream.linear.scatter [tilespmem:s14], [sflag:$0x2], $0x3C00, $0x38;
	[tilespmem:$0x17D00] =	vst v63  }
0x32: {  	_ =	swait.ge [sflag:s15], $0x3C00  }
0x33: {  	[sflag:s15] =	ssyncset.done $0x0  }
0x34: {  	[sflag:s15] =	ssyncadd.s32 $0xFFFFC400  }
0x35: {  	s30 =	sadd.s32 $0x0, s13;
	[bflag:$0x0] =	sbarrier.arrive $0xFFFF  }
0x36: {  	[tilespmem:s3], [sflag:$0x2] =	stream.linear.gather [hbm4b:s30+s3], $0x80, $0x38;
	[tilespmem:$0x17D00] =	vst v63  }
0x37: {  	_ =	swait.ge [sflag:s15], $0x80  }
0x38: {  	[sflag:s15] =	ssyncset.done $0x0  }
0x39: {  	s31 =	sadd.s32 $0x0, s12;
	[sflag:s15] =	ssyncadd.s32 $0xFFFFFF80  }
0x3a: {  	[tilespmem:s16], [sflag:$0x2] =	stream.linear.gather [hbm4b:s31+s3], $0x80, $0x38;
	[tilespmem:$0x17D00] =	vst v63  }
0x3b: {  	_ =	swait.ge [sflag:s15], $0x80  }
0x3c: {  	[sflag:s15] =	ssyncset.done $0x0  }
0x3d: {  	[sflag:s15] =	ssyncadd.s32 $0xFFFFFF80  }
0x3e: {  	[tilespmem:s14], [sflag:$0x1] =	stream.indirect.gather [hbm4b:s4+s16], $0x80, s3, s16, $0xb8;
	[tilespmem:$0x17D00] =	vst v63  }
0x3f: {  	_ =	swait.ge [sflag:s17], $0x4000  }
0x40: {  	[sflag:s17] =	ssyncset.done $0x0  }
0x41: {  	[sflag:s17] =	ssyncadd.s32 $0xFFFFC000  }
0x42: {  	[spmem:s2] =	stream.indirect.scatter.add.f32 [tilespmem:s14], [sflag:$0x2], $0x80, s16, s16, $0xb8;
	[tilespmem:$0x17D00] =	vst v63  }
0x43: {  	_ =	swait.ge [sflag:s15], $0x4000  }
0x44: {  	s21 =	simm.s32 $0x10;
	s22 =	simm.s32 $0x20;
	[sflag:s15] =	ssyncset.done $0x0  }
.LBB2_4:
0x45: {  	s23 =	sadd.s32 s21, s13  }
0x46: {  	[sflag:s15] =	ssyncadd.s32 $0xFFFFC000;
	s24 =	smov.u32 s22;
	s25 =	sadd.s32 $0x10, s22  }
0x47: {  	[tilespmem:s3], [sflag:$0x2] =	stream.linear.gather [hbm4b:s23+s3], $0x80, $0x38;
	[tilespmem:$0x17D00] =	vst v63  }
0x48: {  	p0 =	sne.s32 s22, $0x4E0;
	_ =	swait.ge [sflag:s15], $0x80  }
0x49: {  	[sflag:s15] =	ssyncset.done $0x0  }
0x4a: {  	s22 =	sadd.s32 s21, s12;
	s21 =	smov.u32 s24;
	[sflag:s15] =	ssyncadd.s32 $0xFFFFFF80  }
0x4b: {  	[tilespmem:s16], [sflag:$0x2] =	stream.linear.gather [hbm4b:s22+s3], $0x80, $0x38;
	[tilespmem:$0x17D00] =	vst v63  }
0x4c: {  	_ =	swait.ge [sflag:s15], $0x80  }
0x4d: {  	[sflag:s15] =	ssyncset.done $0x0  }
0x4e: {  	[sflag:s15] =	ssyncadd.s32 $0xFFFFFF80  }
0x4f: {  	[tilespmem:s14], [sflag:$0x1] =	stream.indirect.gather [hbm4b:s4+s16], $0x80, s3, s16, $0xb8;
	[tilespmem:$0x17D00] =	vst v63  }
0x50: {  	_ =	swait.ge [sflag:s17], $0x4000  }
.Ltmp1:
0x51: {  	[sflag:s17] =	ssyncset.done $0x0;
	(pc) =	sbr.rel @p0 .LBB2_4-.Ltmp1, $4  }
0x52: {  	[sflag:s17] =	ssyncadd.s32 $0xFFFFC000  }
0x53: {  	[spmem:s2] =	stream.indirect.scatter.add.f32 [tilespmem:s14], [sflag:$0x2], $0x80, s16, s16, $0xb8;
	[tilespmem:$0x17D00] =	vst v63  }
0x54: {  	_ =	swait.ge [sflag:s15], $0x4000  }
0x55: {  	s22 =	smov.u32 s25;
	[sflag:s15] =	ssyncset.done $0x0  }
0x56: {  	s22 =	sadd.s32 s21, s13;
	[sflag:s15] =	ssyncadd.s32 $0xFFFFC000  }
0x57: {  	[tilespmem:s3], [sflag:$0x2] =	stream.linear.gather [hbm4b:s22+s3], $0x80, $0x38;
	[tilespmem:$0x17D00] =	vst v63  }
0x58: {  	_ =	swait.ge [sflag:s15], $0x80  }
0x59: {  	[sflag:s15] =	ssyncset.done $0x0  }
0x5a: {  	s31 =	sadd.s32 s21, s12;
	[sflag:s15] =	ssyncadd.s32 $0xFFFFFF80  }
0x5b: {  	[tilespmem:s16], [sflag:$0x2] =	stream.linear.gather [hbm4b:s31+s3], $0x80, $0x38;
	[tilespmem:$0x17D00] =	vst v63  }
0x5c: {  	_ =	swait.ge [sflag:s15], $0x80  }
0x5d: {  	[sflag:s15] =	ssyncset.done $0x0  }
0x5e: {  	[sflag:s15] =	ssyncadd.s32 $0xFFFFFF80  }
0x5f: {  	[tilespmem:s14], [sflag:$0x1] =	stream.indirect.gather [hbm4b:s4+s16], $0x80, s3, s16, $0xb8;
	[tilespmem:$0x17D00] =	vst v63  }
0x60: {  	_ =	swait.ge [sflag:s17], $0x4000  }
0x61: {  	[sflag:s17] =	ssyncset.done $0x0  }
0x62: {  	[sflag:s17] =	ssyncadd.s32 $0xFFFFC000  }
0x63: {  	[spmem:s2] =	stream.indirect.scatter.add.f32 [tilespmem:s14], [sflag:$0x2], $0x80, s16, s16, $0xb8;
	[tilespmem:$0x17D00] =	vst v63  }
0x64: {  	_ =	swait.ge [sflag:s15], $0x4000  }
0x65: {  	s20 =	sadd.s32 $0x1, s20;
	[sflag:s15] =	ssyncset.done $0x0  }
0x66: {  	p0 =	sne.s32 s20, s11;
	[sflag:s15] =	ssyncadd.s32 $0xFFFFC000  }
.Ltmp2:
0x67: {  	[bflag:$0x0] =	sbarrier.arrive $0xFFFF;
	(pc) =	sbr.rel @p0 .LBB2_1-.Ltmp2, $4  }
0x68: {  	[hbm:s10], [sflag:s18] =	dma.local [spmem:s19], $0x2780  }
0x69: {  	_ =	swait.ge [sflag:s15], $0x2780  }
0x6a: {  	[sflag:s15] =	ssyncset.done $0x0  }
0x6b: {  	[sflag:s15] =	ssyncadd.s32 $0xFFFFD880  }
0x6c: {  	_ =	sfence.sel $0x180000  }
0x6d: {  	[bflag:$0x0] =	sbarrier.arrive $0xFFFF  }
0x6e: {  	p0 =	sne.s32 s0, $0x0;
	_ =	strace $0x90000047  }
0x6f: {  	s0 =	sadd.s32 @!p0 $0x100000, s1;
	[bflag:$0x2] =	sbarrier.arrive $0xFFFF  }
0x70: {  	[sflag:s0] =	ssyncadd.tile.s32 @!p0 $0x1;
	_ =	shalt  }
.Lfunc_end2:
_tile_overlayer_lowered:
.L_overlay_start_2:
0x71: {  	(tag) =	ssettag $0x2  }
0x72: {  	s0 =	rddreg [dreg:$0x0];
	s2 =	stileid.u32  }
0x73: {  	s1 =	rddreg [dreg:$0x1];
	p0 =	sne.s32 s2, $0x0  }
0x74: {  	s3 =	rddreg [dreg:$0x2];
	[bflag:$0x3] =	sbarrier.arrive $0xFFFF;
	s2 =	simm.s32 @!p0 $0x1C02  }
0x75: {  	[timem:s3], [sflag:s2] =	dma.local @!p0 [hbm:s0], s1  }
0x76: {  	s0 =	simm.s32 @!p0 $0x2  }
0x77: {  	_ =	swait.ge @!p0 [sflag:s0], s1  }
0x78: {  	s1 =	ssub.s32 @!p0 $0x0, s1;
	[sflag:s0] =	ssyncset.done @!p0 $0x0  }
0x79: {  	[sflag:s0] =	ssyncadd.s32 @!p0 s1  }
0x7a: {  	[bflag:$0x3] =	sbarrier.arrive $0xFFFF  }
0x7b: {  	_ =	shalt  }

// kernel: kernel.16.cloned.1.call-start
scs
__scs_entry_jumppad:
0x0: {  	(pc) =	sbr.rel $0x88, $3  }
0x1: {  	(tag) =	ssettag $0x0;
	lr =	simm.s32 $0x1  }
0x2: {  	[smem:$0x3F8C] =	sst lr;
	_ =	strace $0xD0000000  }
0x3: {  	_ = 	snop  }
0x4: {  	_ = 	snop  }
0x5: {  	_ = 	snop  }
0x6: {  	_ = 	snop  }
0x7: {  	_ = 	snop  }
__scs_overlays_trampoline_lowered:
0x8: {  	[smem:$0x3F9B] =	sst s0  }
0x9: {  	[smem:$0x3F9C] =	sst s1  }
0xa: {  	[smem:$0x3F9D] =	sst s2  }
0xb: {  	[smem:$0x3F9E] =	sst s3  }
0xc: {  	[smem:$0x3F9F] =	sst s4  }
0xd: {  	[smem:$0x3FA0] =	sst s5  }
0xe: {  	[smem:$0x3FA1] =	sst s6  }
0xf: {  	[smem:$0x3FA2] =	sst s7  }
0x10: {  	[smem:$0x3FA3] =	sst s8  }
0x11: {  	[smem:$0x3FA4] =	sst s9;
	s0 =	simm.s32 @!p0 $0x0  }
0x12: {  	s1 =	sld [smem:$0x3F8A];
	s0 =	simm.s32 @p0 $0x1  }
0x13: {  	[smem:$0x3FA5] =	sst s0;
	s0 =	simm.s32 @!p1 $0x0  }
0x14: {  	s2 =	sld [smem:$0x3F89];
	s0 =	simm.s32 @p1 $0x1  }
0x15: {  	[smem:$0x3FA6] =	sst s0;
	s0 =	simm.s32 @!p2 $0x0  }
0x16: {  	s3 =	sld [smem:$0x3FDB];
	s0 =	simm.s32 @p2 $0x1  }
0x17: {  	s4 =	simm.s32 $0x1BF5;
	[smem:$0x3FA8] =	sst s0  }
0x18: {  	s0 =	sld [smem:$0x3F8B];
	_ =	swait.ge [sflag:s4], $0x0  }
0x19: {  	s7 =	sld [smem:$0x3F8C]  }
0x1a: {  	s8 =	sadd.s32 $0xFFFFE003, lr  }
0x1b: {  	s9 =	sadd.s32 $0xFFFFFEF7, lr;
	s5 =	simm.s32 $0xFFFFFFFF;
	p2 =	slt.u32 s8, $0xFFFFF086  }
0x1c: {  	p1 =	slt.u32 s9, $0xF7A;
	s5 =	simm.s32 @!p2 $0x0  }
0x1d: {  	s5 =	simm.s32 @p1 $0x1;
	p0 =	seq.s32 s7, s2  }
0x1e: {  	s7 =	smul.u32 @!p0 $0xF7A, s2;
	p2 =	seq.s32 @!p0 s5, $0x0  }
0x1f: {  	s9 =	smul.u32 $0xF7A, s1;
	s8 =	simm.s32 @!p0 $0x1BF5;
	p2 =	por !p2, p0  }
0x20: {  	[sflag:s8] =	ssyncset.s32 @!p0 $0xFFFFF086;
	s6 =	sadd.s32 @!p0 s3, s7;
	s7 =	simm.s32 @!p0 $0x108  }
0x21: {  	s3 =	sadd.s32 s3, s9;
	s6 =	sadd.s32 @!p0 $0x88, s6;
	s7 =	simm.s32 @p2 $0x1082  }
0x22: {  	[simem:s7], [sflag:s8] =	dma.local @!p0 [hbm:s6], $0xF7A  }
0x23: {  	s9 =	sor.u32 $0xD0000000, s2;
	s6 =	simm.s32 $0x108;
	_ =	swait.ge @!p0 [sflag:s8], $0x0  }
0x24: {  	s3 =	sadd.s32 $0x88, s3;
	s6 =	simm.s32 @!p1 $0x1082;
	[sflag:s4] =	ssyncset.s32 $0xFFFFF086  }
0x25: {  	[simem:s6], [sflag:s4] =	dma.local [hbm:s3], $0xF7A  }
0x26: {  	[smem:$0x3F8C] =	sst s1;
	(tag) =	ssettag s2;
	_ =	strace s9  }
0x27: {  	s1 =	sld [smem:$0x3F9C]  }
0x28: {  	s2 =	sld [smem:$0x3F9D]  }
0x29: {  	s4 =	sld [smem:$0x3F9F]  }
0x2a: {  	p0 =	seq.s32 s5, $0x0;
	s5 =	sld [smem:$0x3FA0]  }
0x2b: {  	s6 =	sld [smem:$0x3FA1]  }
0x2c: {  	s7 =	sld [smem:$0x3FA2]  }
0x2d: {  	s3 =	simm.s32 $0x108;
	s8 =	sld [smem:$0x3FA3]  }
0x2e: {  	s3 =	simm.s32 @!p0 $0x1082;
	s9 =	sld [smem:$0x3FA4]  }
0x2f: {  	lr =	sadd.s32 s0, s3;
	s0 =	sld [smem:$0x3F9B]  }
0x30: {  	s3 =	sld [smem:$0x3F9E]  }
0x31: {  	[smem:$0x3FA7] =	sst s10  }
0x32: {  	s10 =	sld [smem:$0x3FA5];
	_ =	sdelay $0x3  }
0x33: {  	p0 =	seq.s32 s10, $0x1;
	s10 =	sld [smem:$0x3FA7];
	_ =	sdelay $0x3  }
0x34: {  	[smem:$0x3FA7] =	sst s10  }
0x35: {  	s10 =	sld [smem:$0x3FA6];
	_ =	sdelay $0x3  }
0x36: {  	p1 =	seq.s32 s10, $0x1;
	s10 =	sld [smem:$0x3FA7];
	_ =	sdelay $0x3  }
0x37: {  	[smem:$0x3FA7] =	sst s10  }
0x38: {  	s10 =	sld [smem:$0x3FA8]  }
0x39: {  	_ = 	snop;
	(pc) =	sbr.ind lr, $3  }
0x3a: {  	_ = 	snop  }
0x3b: {  	_ = 	snop  }
0x3c: {  	p2 =	seq.s32 s10, $0x1;
	s10 =	sld [smem:$0x3FA7]  }
0x3d: {  	_ =	shalt  }
0x3e: {  	_ =	shalt  }
0x3f: {  	_ =	shalt  }
0x40: {  	_ =	shalt  }
0x41: {  	_ =	shalt  }
0x42: {  	_ =	shalt  }
0x43: {  	_ =	shalt  }
0x44: {  	_ =	shalt  }
0x45: {  	_ =	shalt  }
0x46: {  	_ =	shalt  }
0x47: {  	_ =	shalt  }
0x48: {  	_ =	shalt  }
0x49: {  	_ =	shalt  }
0x4a: {  	_ =	shalt  }
0x4b: {  	_ =	shalt  }
0x4c: {  	_ =	shalt  }
0x4d: {  	_ =	shalt  }
0x4e: {  	_ =	shalt  }
0x4f: {  	_ =	shalt  }
0x50: {  	_ =	shalt  }
0x51: {  	_ =	shalt  }
0x52: {  	_ =	shalt  }
0x53: {  	_ =	shalt  }
0x54: {  	_ =	shalt  }
0x55: {  	_ =	shalt  }
0x56: {  	_ =	shalt  }
0x57: {  	_ =	shalt  }
0x58: {  	_ =	shalt  }
0x59: {  	_ =	shalt  }
0x5a: {  	_ =	shalt  }
0x5b: {  	_ =	shalt  }
0x5c: {  	_ =	shalt  }
0x5d: {  	_ =	shalt  }
0x5e: {  	_ =	shalt  }
0x5f: {  	_ =	shalt  }
0x60: {  	_ =	shalt  }
0x61: {  	_ =	shalt  }
0x62: {  	_ =	shalt  }
0x63: {  	_ =	shalt  }
0x64: {  	_ =	shalt  }
0x65: {  	_ =	shalt  }
0x66: {  	_ =	shalt  }
0x67: {  	_ =	shalt  }
0x68: {  	_ =	shalt  }
0x69: {  	_ =	shalt  }
0x6a: {  	_ =	shalt  }
0x6b: {  	_ =	shalt  }
0x6c: {  	_ =	shalt  }
0x6d: {  	_ =	shalt  }
0x6e: {  	_ =	shalt  }
0x6f: {  	_ =	shalt  }
0x70: {  	_ =	shalt  }
0x71: {  	_ =	shalt  }
0x72: {  	_ =	shalt  }
0x73: {  	_ =	shalt  }
0x74: {  	_ =	shalt  }
0x75: {  	_ =	shalt  }
0x76: {  	_ =	shalt  }
0x77: {  	_ =	shalt  }
0x78: {  	_ =	shalt  }
0x79: {  	_ =	shalt  }
0x7a: {  	_ =	shalt  }
0x7b: {  	_ =	shalt  }
0x7c: {  	_ =	shalt  }
0x7d: {  	_ =	shalt  }
0x7e: {  	_ =	shalt  }
0x7f: {  	_ =	shalt  }
0x80: {  	_ =	shalt  }
0x81: {  	_ =	shalt  }
0x82: {  	_ =	shalt  }
0x83: {  	_ =	shalt  }
0x84: {  	_ =	shalt  }
0x85: {  	_ =	shalt  }
0x86: {  	_ =	shalt  }
0x87: {  	_ =	shalt  }
.Lfunc_end0:
.L_simem_size_0:
called_computation.2_lowered:
.L_overlay_start_0:
0x88: {  	s2 =	sld [smem:$0x3FD9]  }
0x89: {  	s3 =	sld [smem:$0x3FFE];
	_ =	sdelay $0x1  }
0x8a: {  	s1 =	srdreg.scid  }
0x8b: {  	s0 =	sand.u32 $0x1, s1  }
0x8c: {  	s17 =	sshll.u32 s0, $0xA;
	s2 =	sadd.s32 s3, s2  }
0x8d: {  	s2 =	sadd.s32 s2, s17  }
0x8e: {  	[smem:$0x3FB3] =	sst s2  }
0x8f: {  	_ = 	snop  }
0x90: {  	s2 =	sld [smem:$0x3FD0];
	(tm) =	ssettm $0x1  }
0x91: {  	s18 =	sld [smem:$0x3FFB];
	_ =	sdelay $0x3  }
0x92: {  	_ =	strace s18  }
0x93: {  	s3 =	sld [smem:$0x3FFC];
	_ =	sdelay $0x3  }
0x94: {  	_ =	strace s3  }
0x95: {  	s3 =	sld [smem:$0x3FFD];
	_ =	sdelay $0x3  }
0x96: {  	_ =	strace s3  }
0x97: {  	_ =	strace $0x8FFFFFFF  }
0x98: {  	s19 =	sld [smem:$0x3FDB];
	_ =	sdelay $0x1  }
0x99: {  	s4 =	simm.s32 $_scs_section_size  }
0x9a: {  	s5 =	simm.s32 $_size__tile_overlayer_lowered;
	s6 =	simm.s32 $_tile_overlayer_lowered  }
0x9b: {  	s22 =	simm.s32 $0x1BFF;
	s21 =	sshll.u32 s6, $0x1;
	s3 =	sadd.s32 s4, s19  }
0x9c: {  	s7 =	simm.s32 $0x0;
	s20 =	sshll.u32 s5, $0x1;
	s5 =	sadd.s32 s21, s3  }
0x9d: {  	[timem:s7], [sflag:s22] =	dma.local [hbm:s5], s20  }
0x9e: {  	_ =	swait.ge [sflag:s22], s20  }
0x9f: {  	s4 =	ssub.s32 $0x0, s20;
	[sflag:s22] =	ssyncset.done $0x0  }
0xa0: {  	[sflag:s22] =	ssyncadd.s32 s4;
	_ =	sdelay $0x1  }
0xa1: {  	s23 =	simm.s32 $0x1B8B  }
0xa2: {  	_ =	swait.ge [sflag:s23], $0x1  }
0xa3: {  	[sflag:s23] =	ssyncset.done $0x0  }
0xa4: {  	s25 =	simm.s32 $0x1B8E;
	s24 =	sld [smem:$0x3FFE];
	[sflag:s23] =	ssyncadd.s32 $0xFFFFFFFF  }
0xa5: {  	s26 =	simm.s32 $execute0_lowered;
	[smem:$0x3FD2] =	sst s25  }
0xa6: {  	s5 =	sshll.u32 s26, $0x1;
	_ =	strace $0x8000004C;
	[dreg:$0x1] =	wrdreg $0xFFFFFFFF  }
0xa7: {  	s28 =	simm.s32 $_size_execute0_lowered;
	s3 =	sadd.s32 s3, s5;
	[dreg:$0x0] =	wrdreg $0x0  }
0xa8: {  	s5 =	sshll.u32 s28, $0x1;
	[dreg:$0x2] =	wrdreg s3  }
0xa9: {  	[dreg:$0x3] =	wrdreg s5  }
0xaa: {  	[dreg:$0x4] =	wrdreg $0xC0  }
0xab: {  	_ =	task [dreg:s7], $0x5FFFF  }
0xac: {  	[dreg:$0x1] =	wrdreg $0xFFFFFFFF  }
0xad: {  	[dreg:$0x0] =	wrdreg $0x60  }
0xae: {  	[dreg:$0x2] =	wrdreg s24  }
0xaf: {  	[dreg:$0x3] =	wrdreg s2  }
0xb0: {  	[dreg:$0x4] =	wrdreg $0x41000  }
0xb1: {  	[dreg:$0x5] =	wrdreg $0x9  }
0xb2: {  	_ =	task.clear_ibuf [dreg:s7], $0x6FFFF;
	_ =	strace $0x9000004C  }
0xb3: {  	s29 =	simm.s32 $0x9;
	_ =	strace $0x8000004E  }
0xb4: {  	_ =	swait.ge [sflag:s29], $0x1  }
0xb5: {  	[sflag:s29] =	ssyncadd.s32 $0xFFFFFFFF  }
0xb6: {  	_ =	strace $0x9000004E  }
0xb7: {  	_ =	sfence  }
0xb8: {  	s30 =	sld [smem:$0x0];
	_ =	sdelay $0x2  }
0xb9: {  	s31 =	sshll.u32 s1, $0xD;
	s1 =	sshrl.u32 s1, $0x2  }
0xba: {  	s3 =	sand.u32 $0x4000, s31;
	s1 =	sadd.s32 s1, s30  }
0xbb: {  	s0 =	sor.u32 s3, s0;
	s1 =	sshll.u32 s1, $0x11  }
0xbc: {  	s0 =	sor.u32 s1, s0  }
0xbd: {  	s0 =	sadd.s32 $0x8F2B, s0  }
0xbe: {  	[sflag:s0] =	ssyncadd.remote.s32 $0x1  }
0xbf: {  	_ =	sfence.sel $0xFFFF  }
0xc0: {  	[dreg:$0x0] =	wrdreg $0xFFFFFFFF;
	(pc) =	sbr.abs _section_cstart, $3  }
0xc1: {  	[dreg:$0x1] =	wrdreg $0xFFFFFFFF  }
0xc2: {  	_ =	task.clear_ibuf [dreg:s7], $0x2FFFF;
	_ =	strace $0x9FFFFFFF  }
0xc3: {  	(tm) =	ssettm $0x7FFFFFFF  }
tec
execute0_lowered:
.L_overlay_start_1:
0x0: {  	(tag) =	ssettag $0x1  }
0x1: {  	s6 =	rddreg [dreg:$0x0];
	s0 =	stileid.u32  }
0x2: {  	s1 =	srdreg.scid;
	s11 =	rddreg [dreg:$0x1]  }
0x3: {  	s2 =	rddreg [dreg:$0x2];
	s3 =	simm.s32 $0x0;
	s16 =	simm.s32 $0x80  }
0x4: {  	s17 =	simm.s32 $0x1;
	s20 =	simm.s32 $0x0;
	s12 =	smul.u32 $0x9E0, s0  }
0x5: {  	s9 =	sand.u32 $0x1, s1;
	s1 =	rddreg [dreg:$0x3];
	s7 =	smul.u32 $0x13C00, s0  }
0x6: {  	[smem:$0x7FF] =	sst s3;
	s8 =	smul.u32 $0x4F000, s0;
	s4 =	sadd.s32 $0xE800, s6  }
0x7: {  	s18 =	sshll.u32 s0, $0x6;
	s5 =	smul.u32 $0x13C000, s9;
	_ =	strace $0x8000004D  }
0x8: {  	s31 =	ssub.s32 $0x2, s9;
	s15 =	smul.u32 $0x4F0, s9;
	s18 =	sor.u32 $0x1C02, s18  }
0x9: {  	s13 =	sadd.s32 s12, s6;
	s8 =	sshrl.u32 s8, $0x2;
	s14 =	sshrl.u32 s31, $0x1  }
0xa: {  	s12 =	sadd.s32 s12, s11;
	s5 =	sadd.s32 s7, s5;
	s14 =	ssub.s32 s31, s14  }
0xb: {  	s12 =	sadd.s32 s15, s12;
	s13 =	sadd.s32 s15, s13;
	s15 =	simm.s32 $0x2  }
0xc: {  	s10 =	sshrl.u32 s5, $0x3;
	s5 =	sadd.s32 s8, s2;
	s11 =	smax.u32 s14, $0x1  }
0xd: {  	s13 =	sadd.s32 $0x4A00, s13;
	s14 =	simm.s32 $0x100;
	s10 =	sadd.s32 s10, s6  }
0xe: {  	s6 =	sadd.s32 $0x4000, s5;
	s7 =	sadd.s32 $0x8000, s5;
	s8 =	sadd.s32 $0xC000, s5  }
0xf: {  	v0 =	vimm.f32 $0.0e+00;
	s9 =	sadd.s32 $0x10000, s5;
	s19 =	sshrl.u32 s5, $0x3;
	s10 =	sadd.s32 $0x36000, s10  }
.LBB2_1:
0x10: {  	s21 =	simm.s32 $0x0;
	s22 =	simm.s32 $0x200  }
.LBB2_2:
0x11: {  	p0 =	sne.s32 s22, $0xFE00;
	[tilespmem:s21+$0x170] =	vst v0  }
0x12: {  	[tilespmem:s21+$0x100] =	vst v0  }
0x13: {  	[tilespmem:s21+$0x110] =	vst v0  }
.Ltmp0:
0x14: {  	[tilespmem:s21+$0x120] =	vst v0;
	(pc) =	sbr.rel @p0 .LBB2_2-.Ltmp0, $4  }
0x15: {  	[tilespmem:s21+$0x130] =	vst v0  }
0x16: {  	[tilespmem:s21+$0x140] =	vst v0  }
0x17: {  	[tilespmem:s21+$0x150] =	vst v0  }
0x18: {  	[tilespmem:s21+$0x160] =	vst v0;
	s21 =	sshra.s32 s22, $0x2;
	s22 =	sadd.s32 $0x200, s22  }
0x19: {  	[tilespmem:s21+$0x170] =	vst v0  }
0x1a: {  	[tilespmem:s21+$0x100] =	vst v0  }
0x1b: {  	[tilespmem:s21+$0x110] =	vst v0  }
0x1c: {  	[tilespmem:s21+$0x120] =	vst v0  }
0x1d: {  	[tilespmem:s21+$0x130] =	vst v0  }
0x1e: {  	[tilespmem:s21+$0x140] =	vst v0  }
0x1f: {  	[tilespmem:s21+$0x150] =	vst v0  }
0x20: {  	[tilespmem:s21+$0x160] =	vst v0  }
0x21: {  	[spmem:s5] =	stream.linear.scatter [tilespmem:s14], [sflag:$0x2], $0x4000, $0x38;
	[tilespmem:$0x17D00] =	vst v63  }
0x22: {  	_ =	swait.ge [sflag:s15], $0x4000  }
0x23: {  	[sflag:s15] =	ssyncset.done $0x0  }
0x24: {  	[sflag:s15] =	ssyncadd.s32 $0xFFFFC000  }
0x25: {  	[spmem:s6] =	stream.linear.scatter [tilespmem:s14], [sflag:$0x2], $0x4000, $0x38;
	[tilespmem:$0x17D00] =	vst v63  }
0x26: {  	_ =	swait.ge [sflag:s15], $0x4000  }
0x27: {  	[sflag:s15] =	ssyncset.done $0x0  }
0x28: {  	[sflag:s15] =	ssyncadd.s32 $0xFFFFC000  }
0x29: {  	[spmem:s7] =	stream.linear.scatter [tilespmem:s14], [sflag:$0x2], $0x4000, $0x38;
	[tilespmem:$0x17D00] =	vst v63  }
0x2a: {  	_ =	swait.ge [sflag:s15], $0x4000  }
0x2b: {  	[sflag:s15] =	ssyncset.done $0x0  }
0x2c: {  	[sflag:s15] =	ssyncadd.s32 $0xFFFFC000  }
0x2d: {  	[spmem:s8] =	stream.linear.scatter [tilespmem:s14], [sflag:$0x2], $0x4000, $0x38;
	[tilespmem:$0x17D00] =	vst v63  }
0x2e: {  	_ =	swait.ge [sflag:s15], $0x4000  }
0x2f: {  	[sflag:s15] =	ssyncset.done $0x0  }
0x30: {  	[sflag:s15] =	ssyncadd.s32 $0xFFFFC000  }
0x31: {  	[spmem:s9] =	stream.linear.scatter [tilespmem:s14], [sflag:$0x2], $0x3C00, $0x38;
	[tilespmem:$0x17D00] =	vst v63  }
0x32: {  	_ =	swait.ge [sflag:s15], $0x3C00  }
0x33: {  	[sflag:s15] =	ssyncset.done $0x0  }
0x34: {  	[sflag:s15] =	ssyncadd.s32 $0xFFFFC400  }
0x35: {  	s30 =	sadd.s32 $0x0, s13;
	[bflag:$0x0] =	sbarrier.arrive $0xFFFF  }
0x36: {  	[tilespmem:s3], [sflag:$0x2] =	stream.linear.gather [hbm4b:s30+s3], $0x80, $0x38;
	[tilespmem:$0x17D00] =	vst v63  }
0x37: {  	_ =	swait.ge [sflag:s15], $0x80  }
0x38: {  	[sflag:s15] =	ssyncset.done $0x0  }
0x39: {  	s31 =	sadd.s32 $0x0, s12;
	[sflag:s15] =	ssyncadd.s32 $0xFFFFFF80  }
0x3a: {  	[tilespmem:s16], [sflag:$0x2] =	stream.linear.gather [hbm4b:s31+s3], $0x80, $0x38;
	[tilespmem:$0x17D00] =	vst v63  }
0x3b: {  	_ =	swait.ge [sflag:s15], $0x80  }
0x3c: {  	[sflag:s15] =	ssyncset.done $0x0  }
0x3d: {  	[sflag:s15] =	ssyncadd.s32 $0xFFFFFF80  }
0x3e: {  	[tilespmem:s14], [sflag:$0x1] =	stream.indirect.gather [hbm4b:s4+s16], $0x80, s3, s16, $0xb8;
	[tilespmem:$0x17D00] =	vst v63  }
0x3f: {  	_ =	swait.ge [sflag:s17], $0x4000  }
0x40: {  	[sflag:s17] =	ssyncset.done $0x0  }
0x41: {  	[sflag:s17] =	ssyncadd.s32 $0xFFFFC000  }
0x42: {  	[spmem:s2] =	stream.indirect.scatter.add.f32 [tilespmem:s14], [sflag:$0x2], $0x80, s16, s16, $0xb8;
	[tilespmem:$0x17D00] =	vst v63  }
0x43: {  	_ =	swait.ge [sflag:s15], $0x4000  }
0x44: {  	s21 =	simm.s32 $0x10;
	s22 =	simm.s32 $0x20;
	[sflag:s15] =	ssyncset.done $0x0  }
.LBB2_4:
0x45: {  	s23 =	sadd.s32 s21, s13  }
0x46: {  	[sflag:s15] =	ssyncadd.s32 $0xFFFFC000;
	s24 =	smov.u32 s22;
	s25 =	sadd.s32 $0x10, s22  }
0x47: {  	[tilespmem:s3], [sflag:$0x2] =	stream.linear.gather [hbm4b:s23+s3], $0x80, $0x38;
	[tilespmem:$0x17D00] =	vst v63  }
0x48: {  	p0 =	sne.s32 s22, $0x4E0;
	_ =	swait.ge [sflag:s15], $0x80  }
0x49: {  	[sflag:s15] =	ssyncset.done $0x0  }
0x4a: {  	s22 =	sadd.s32 s21, s12;
	s21 =	smov.u32 s24;
	[sflag:s15] =	ssyncadd.s32 $0xFFFFFF80  }
0x4b: {  	[tilespmem:s16], [sflag:$0x2] =	stream.linear.gather [hbm4b:s22+s3], $0x80, $0x38;
	[tilespmem:$0x17D00] =	vst v63  }
0x4c: {  	_ =	swait.ge [sflag:s15], $0x80  }
0x4d: {  	[sflag:s15] =	ssyncset.done $0x0  }
0x4e: {  	[sflag:s15] =	ssyncadd.s32 $0xFFFFFF80  }
0x4f: {  	[tilespmem:s14], [sflag:$0x1] =	stream.indirect.gather [hbm4b:s4+s16], $0x80, s3, s16, $0xb8;
	[tilespmem:$0x17D00] =	vst v63  }
0x50: {  	_ =	swait.ge [sflag:s17], $0x4000  }
.Ltmp1:
0x51: {  	[sflag:s17] =	ssyncset.done $0x0;
	(pc) =	sbr.rel @p0 .LBB2_4-.Ltmp1, $4  }
0x52: {  	[sflag:s17] =	ssyncadd.s32 $0xFFFFC000  }
0x53: {  	[spmem:s2] =	stream.indirect.scatter.add.f32 [tilespmem:s14], [sflag:$0x2], $0x80, s16, s16, $0xb8;
	[tilespmem:$0x17D00] =	vst v63  }
0x54: {  	_ =	swait.ge [sflag:s15], $0x4000  }
0x55: {  	s22 =	smov.u32 s25;
	[sflag:s15] =	ssyncset.done $0x0  }
0x56: {  	s22 =	sadd.s32 s21, s13;
	[sflag:s15] =	ssyncadd.s32 $0xFFFFC000  }
0x57: {  	[tilespmem:s3], [sflag:$0x2] =	stream.linear.gather [hbm4b:s22+s3], $0x80, $0x38;
	[tilespmem:$0x17D00] =	vst v63  }
0x58: {  	_ =	swait.ge [sflag:s15], $0x80  }
0x59: {  	[sflag:s15] =	ssyncset.done $0x0  }
0x5a: {  	s31 =	sadd.s32 s21, s12;
	[sflag:s15] =	ssyncadd.s32 $0xFFFFFF80  }
0x5b: {  	[tilespmem:s16], [sflag:$0x2] =	stream.linear.gather [hbm4b:s31+s3], $0x80, $0x38;
	[tilespmem:$0x17D00] =	vst v63  }
0x5c: {  	_ =	swait.ge [sflag:s15], $0x80  }
0x5d: {  	[sflag:s15] =	ssyncset.done $0x0  }
0x5e: {  	[sflag:s15] =	ssyncadd.s32 $0xFFFFFF80  }
0x5f: {  	[tilespmem:s14], [sflag:$0x1] =	stream.indirect.gather [hbm4b:s4+s16], $0x80, s3, s16, $0xb8;
	[tilespmem:$0x17D00] =	vst v63  }
0x60: {  	_ =	swait.ge [sflag:s17], $0x4000  }
0x61: {  	[sflag:s17] =	ssyncset.done $0x0  }
0x62: {  	[sflag:s17] =	ssyncadd.s32 $0xFFFFC000  }
0x63: {  	[spmem:s2] =	stream.indirect.scatter.add.f32 [tilespmem:s14], [sflag:$0x2], $0x80, s16, s16, $0xb8;
	[tilespmem:$0x17D00] =	vst v63  }
0x64: {  	_ =	swait.ge [sflag:s15], $0x4000  }
0x65: {  	s20 =	sadd.s32 $0x1, s20;
	[sflag:s15] =	ssyncset.done $0x0  }
0x66: {  	p0 =	sne.s32 s20, s11;
	[sflag:s15] =	ssyncadd.s32 $0xFFFFC000  }
.Ltmp2:
0x67: {  	[bflag:$0x0] =	sbarrier.arrive $0xFFFF;
	(pc) =	sbr.rel @p0 .LBB2_1-.Ltmp2, $4  }
0x68: {  	[hbm:s10], [sflag:s18] =	dma.local [spmem:s19], $0x2780  }
0x69: {  	_ =	swait.ge [sflag:s15], $0x2780  }
0x6a: {  	[sflag:s15] =	ssyncset.done $0x0  }
0x6b: {  	[sflag:s15] =	ssyncadd.s32 $0xFFFFD880  }
0x6c: {  	_ =	sfence.sel $0x180000  }
0x6d: {  	[bflag:$0x0] =	sbarrier.arrive $0xFFFF  }
0x6e: {  	p0 =	sne.s32 s0, $0x0;
	_ =	strace $0x9000004D  }
0x6f: {  	s0 =	sadd.s32 @!p0 $0x100000, s1;
	[bflag:$0x2] =	sbarrier.arrive $0xFFFF  }
0x70: {  	[sflag:s0] =	ssyncadd.tile.s32 @!p0 $0x1;
	_ =	shalt  }
.Lfunc_end2:
_tile_overlayer_lowered:
.L_overlay_start_2:
0x71: {  	(tag) =	ssettag $0x2  }
0x72: {  	s0 =	rddreg [dreg:$0x0];
	s2 =	stileid.u32  }
0x73: {  	s1 =	rddreg [dreg:$0x1];
	p0 =	sne.s32 s2, $0x0  }
0x74: {  	s3 =	rddreg [dreg:$0x2];
	[bflag:$0x3] =	sbarrier.arrive $0xFFFF;
	s2 =	simm.s32 @!p0 $0x1C02  }
0x75: {  	[timem:s3], [sflag:s2] =	dma.local @!p0 [hbm:s0], s1  }
0x76: {  	s0 =	simm.s32 @!p0 $0x2  }
0x77: {  	_ =	swait.ge @!p0 [sflag:s0], s1  }
0x78: {  	s1 =	ssub.s32 @!p0 $0x0, s1;
	[sflag:s0] =	ssyncset.done @!p0 $0x0  }
0x79: {  	[sflag:s0] =	ssyncadd.s32 @!p0 s1  }
0x7a: {  	[bflag:$0x3] =	sbarrier.arrive $0xFFFF  }
0x7b: {  	_ =	shalt  }

// kernel: kernel.19.cloned.1.call-start
scs
__scs_entry_jumppad:
0x0: {  	(pc) =	sbr.rel $0x88, $3  }
0x1: {  	(tag) =	ssettag $0x0;
	lr =	simm.s32 $0x1  }
0x2: {  	[smem:$0x3F8C] =	sst lr;
	_ =	strace $0xD0000000  }
0x3: {  	_ = 	snop  }
0x4: {  	_ = 	snop  }
0x5: {  	_ = 	snop  }
0x6: {  	_ = 	snop  }
0x7: {  	_ = 	snop  }
__scs_overlays_trampoline_lowered:
0x8: {  	[smem:$0x3F9B] =	sst s0  }
0x9: {  	[smem:$0x3F9C] =	sst s1  }
0xa: {  	[smem:$0x3F9D] =	sst s2  }
0xb: {  	[smem:$0x3F9E] =	sst s3  }
0xc: {  	[smem:$0x3F9F] =	sst s4  }
0xd: {  	[smem:$0x3FA0] =	sst s5  }
0xe: {  	[smem:$0x3FA1] =	sst s6  }
0xf: {  	[smem:$0x3FA2] =	sst s7  }
0x10: {  	[smem:$0x3FA3] =	sst s8  }
0x11: {  	[smem:$0x3FA4] =	sst s9;
	s0 =	simm.s32 @!p0 $0x0  }
0x12: {  	s1 =	sld [smem:$0x3F8A];
	s0 =	simm.s32 @p0 $0x1  }
0x13: {  	[smem:$0x3FA5] =	sst s0;
	s0 =	simm.s32 @!p1 $0x0  }
0x14: {  	s2 =	sld [smem:$0x3F89];
	s0 =	simm.s32 @p1 $0x1  }
0x15: {  	[smem:$0x3FA6] =	sst s0;
	s0 =	simm.s32 @!p2 $0x0  }
0x16: {  	s3 =	sld [smem:$0x3FDB];
	s0 =	simm.s32 @p2 $0x1  }
0x17: {  	s4 =	simm.s32 $0x1BF5;
	[smem:$0x3FA8] =	sst s0  }
0x18: {  	s0 =	sld [smem:$0x3F8B];
	_ =	swait.ge [sflag:s4], $0x0  }
0x19: {  	s7 =	sld [smem:$0x3F8C]  }
0x1a: {  	s8 =	sadd.s32 $0xFFFFE003, lr  }
0x1b: {  	s9 =	sadd.s32 $0xFFFFFEF7, lr;
	s5 =	simm.s32 $0xFFFFFFFF;
	p2 =	slt.u32 s8, $0xFFFFF086  }
0x1c: {  	p1 =	slt.u32 s9, $0xF7A;
	s5 =	simm.s32 @!p2 $0x0  }
0x1d: {  	s5 =	simm.s32 @p1 $0x1;
	p0 =	seq.s32 s7, s2  }
0x1e: {  	s7 =	smul.u32 @!p0 $0xF7A, s2;
	p2 =	seq.s32 @!p0 s5, $0x0  }
0x1f: {  	s9 =	smul.u32 $0xF7A, s1;
	s8 =	simm.s32 @!p0 $0x1BF5;
	p2 =	por !p2, p0  }
0x20: {  	[sflag:s8] =	ssyncset.s32 @!p0 $0xFFFFF086;
	s6 =	sadd.s32 @!p0 s3, s7;
	s7 =	simm.s32 @!p0 $0x108  }
0x21: {  	s3 =	sadd.s32 s3, s9;
	s6 =	sadd.s32 @!p0 $0x88, s6;
	s7 =	simm.s32 @p2 $0x1082  }
0x22: {  	[simem:s7], [sflag:s8] =	dma.local @!p0 [hbm:s6], $0xF7A  }
0x23: {  	s9 =	sor.u32 $0xD0000000, s2;
	s6 =	simm.s32 $0x108;
	_ =	swait.ge @!p0 [sflag:s8], $0x0  }
0x24: {  	s3 =	sadd.s32 $0x88, s3;
	s6 =	simm.s32 @!p1 $0x1082;
	[sflag:s4] =	ssyncset.s32 $0xFFFFF086  }
0x25: {  	[simem:s6], [sflag:s4] =	dma.local [hbm:s3], $0xF7A  }
0x26: {  	[smem:$0x3F8C] =	sst s1;
	(tag) =	ssettag s2;
	_ =	strace s9  }
0x27: {  	s1 =	sld [smem:$0x3F9C]  }
0x28: {  	s2 =	sld [smem:$0x3F9D]  }
0x29: {  	s4 =	sld [smem:$0x3F9F]  }
0x2a: {  	p0 =	seq.s32 s5, $0x0;
	s5 =	sld [smem:$0x3FA0]  }
0x2b: {  	s6 =	sld [smem:$0x3FA1]  }
0x2c: {  	s7 =	sld [smem:$0x3FA2]  }
0x2d: {  	s3 =	simm.s32 $0x108;
	s8 =	sld [smem:$0x3FA3]  }
0x2e: {  	s3 =	simm.s32 @!p0 $0x1082;
	s9 =	sld [smem:$0x3FA4]  }
0x2f: {  	lr =	sadd.s32 s0, s3;
	s0 =	sld [smem:$0x3F9B]  }
0x30: {  	s3 =	sld [smem:$0x3F9E]  }
0x31: {  	[smem:$0x3FA7] =	sst s10  }
0x32: {  	s10 =	sld [smem:$0x3FA5];
	_ =	sdelay $0x3  }
0x33: {  	p0 =	seq.s32 s10, $0x1;
	s10 =	sld [smem:$0x3FA7];
	_ =	sdelay $0x3  }
0x34: {  	[smem:$0x3FA7] =	sst s10  }
0x35: {  	s10 =	sld [smem:$0x3FA6];
	_ =	sdelay $0x3  }
0x36: {  	p1 =	seq.s32 s10, $0x1;
	s10 =	sld [smem:$0x3FA7];
	_ =	sdelay $0x3  }
0x37: {  	[smem:$0x3FA7] =	sst s10  }
0x38: {  	s10 =	sld [smem:$0x3FA8]  }
0x39: {  	_ = 	snop;
	(pc) =	sbr.ind lr, $3  }
0x3a: {  	_ = 	snop  }
0x3b: {  	_ = 	snop  }
0x3c: {  	p2 =	seq.s32 s10, $0x1;
	s10 =	sld [smem:$0x3FA7]  }
0x3d: {  	_ =	shalt  }
0x3e: {  	_ =	shalt  }
0x3f: {  	_ =	shalt  }
0x40: {  	_ =	shalt  }
0x41: {  	_ =	shalt  }
0x42: {  	_ =	shalt  }
0x43: {  	_ =	shalt  }
0x44: {  	_ =	shalt  }
0x45: {  	_ =	shalt  }
0x46: {  	_ =	shalt  }
0x47: {  	_ =	shalt  }
0x48: {  	_ =	shalt  }
0x49: {  	_ =	shalt  }
0x4a: {  	_ =	shalt  }
0x4b: {  	_ =	shalt  }
0x4c: {  	_ =	shalt  }
0x4d: {  	_ =	shalt  }
0x4e: {  	_ =	shalt  }
0x4f: {  	_ =	shalt  }
0x50: {  	_ =	shalt  }
0x51: {  	_ =	shalt  }
0x52: {  	_ =	shalt  }
0x53: {  	_ =	shalt  }
0x54: {  	_ =	shalt  }
0x55: {  	_ =	shalt  }
0x56: {  	_ =	shalt  }
0x57: {  	_ =	shalt  }
0x58: {  	_ =	shalt  }
0x59: {  	_ =	shalt  }
0x5a: {  	_ =	shalt  }
0x5b: {  	_ =	shalt  }
0x5c: {  	_ =	shalt  }
0x5d: {  	_ =	shalt  }
0x5e: {  	_ =	shalt  }
0x5f: {  	_ =	shalt  }
0x60: {  	_ =	shalt  }
0x61: {  	_ =	shalt  }
0x62: {  	_ =	shalt  }
0x63: {  	_ =	shalt  }
0x64: {  	_ =	shalt  }
0x65: {  	_ =	shalt  }
0x66: {  	_ =	shalt  }
0x67: {  	_ =	shalt  }
0x68: {  	_ =	shalt  }
0x69: {  	_ =	shalt  }
0x6a: {  	_ =	shalt  }
0x6b: {  	_ =	shalt  }
0x6c: {  	_ =	shalt  }
0x6d: {  	_ =	shalt  }
0x6e: {  	_ =	shalt  }
0x6f: {  	_ =	shalt  }
0x70: {  	_ =	shalt  }
0x71: {  	_ =	shalt  }
0x72: {  	_ =	shalt  }
0x73: {  	_ =	shalt  }
0x74: {  	_ =	shalt  }
0x75: {  	_ =	shalt  }
0x76: {  	_ =	shalt  }
0x77: {  	_ =	shalt  }
0x78: {  	_ =	shalt  }
0x79: {  	_ =	shalt  }
0x7a: {  	_ =	shalt  }
0x7b: {  	_ =	shalt  }
0x7c: {  	_ =	shalt  }
0x7d: {  	_ =	shalt  }
0x7e: {  	_ =	shalt  }
0x7f: {  	_ =	shalt  }
0x80: {  	_ =	shalt  }
0x81: {  	_ =	shalt  }
0x82: {  	_ =	shalt  }
0x83: {  	_ =	shalt  }
0x84: {  	_ =	shalt  }
0x85: {  	_ =	shalt  }
0x86: {  	_ =	shalt  }
0x87: {  	_ =	shalt  }
.Lfunc_end0:
.L_simem_size_0:
called_computation.3_lowered:
.L_overlay_start_0:
0x88: {  	s2 =	sld [smem:$0x3FD9]  }
0x89: {  	s3 =	sld [smem:$0x3FFE];
	_ =	sdelay $0x1  }
0x8a: {  	s1 =	srdreg.scid  }
0x8b: {  	s0 =	sand.u32 $0x1, s1  }
0x8c: {  	s17 =	sshll.u32 s0, $0xA;
	s2 =	sadd.s32 s3, s2  }
0x8d: {  	s2 =	sadd.s32 s2, s17  }
0x8e: {  	[smem:$0x3FB3] =	sst s2  }
0x8f: {  	_ = 	snop  }
0x90: {  	s2 =	sld [smem:$0x3FD0];
	(tm) =	ssettm $0x1  }
0x91: {  	s18 =	sld [smem:$0x3FFB];
	_ =	sdelay $0x3  }
0x92: {  	_ =	strace s18  }
0x93: {  	s3 =	sld [smem:$0x3FFC];
	_ =	sdelay $0x3  }
0x94: {  	_ =	strace s3  }
0x95: {  	s3 =	sld [smem:$0x3FFD];
	_ =	sdelay $0x3  }
0x96: {  	_ =	strace s3  }
0x97: {  	_ =	strace $0x8FFFFFFF  }
0x98: {  	s19 =	sld [smem:$0x3FDB];
	_ =	sdelay $0x1  }
0x99: {  	s4 =	simm.s32 $_scs_section_size  }
0x9a: {  	s5 =	simm.s32 $_size__tile_overlayer_lowered;
	s6 =	simm.s32 $_tile_overlayer_lowered  }
0x9b: {  	s22 =	simm.s32 $0x1BFF;
	s21 =	sshll.u32 s6, $0x1;
	s3 =	sadd.s32 s4, s19  }
0x9c: {  	s7 =	simm.s32 $0x0;
	s20 =	sshll.u32 s5, $0x1;
	s5 =	sadd.s32 s21, s3  }
0x9d: {  	[timem:s7], [sflag:s22] =	dma.local [hbm:s5], s20  }
0x9e: {  	_ =	swait.ge [sflag:s22], s20  }
0x9f: {  	s4 =	ssub.s32 $0x0, s20;
	[sflag:s22] =	ssyncset.done $0x0  }
0xa0: {  	[sflag:s22] =	ssyncadd.s32 s4;
	_ =	sdelay $0x1  }
0xa1: {  	s23 =	simm.s32 $0x1B8B  }
0xa2: {  	_ =	swait.ge [sflag:s23], $0x1  }
0xa3: {  	[sflag:s23] =	ssyncset.done $0x0  }
0xa4: {  	s25 =	simm.s32 $0x1B8E;
	s24 =	sld [smem:$0x3FFE];
	[sflag:s23] =	ssyncadd.s32 $0xFFFFFFFF  }
0xa5: {  	s26 =	simm.s32 $execute0_lowered;
	[smem:$0x3FD2] =	sst s25  }
0xa6: {  	s5 =	sshll.u32 s26, $0x1;
	_ =	strace $0x8000004F;
	[dreg:$0x1] =	wrdreg $0xFFFFFFFF  }
0xa7: {  	s28 =	simm.s32 $_size_execute0_lowered;
	s3 =	sadd.s32 s3, s5;
	[dreg:$0x0] =	wrdreg $0x0  }
0xa8: {  	s5 =	sshll.u32 s28, $0x1;
	[dreg:$0x2] =	wrdreg s3  }
0xa9: {  	[dreg:$0x3] =	wrdreg s5  }
0xaa: {  	[dreg:$0x4] =	wrdreg $0xC0  }
0xab: {  	_ =	task [dreg:s7], $0x5FFFF  }
0xac: {  	[dreg:$0x1] =	wrdreg $0xFFFFFFFF  }
0xad: {  	[dreg:$0x0] =	wrdreg $0x60  }
0xae: {  	[dreg:$0x2] =	wrdreg s24  }
0xaf: {  	[dreg:$0x3] =	wrdreg s2  }
0xb0: {  	[dreg:$0x4] =	wrdreg $0x41000  }
0xb1: {  	[dreg:$0x5] =	wrdreg $0x9  }
0xb2: {  	_ =	task.clear_ibuf [dreg:s7], $0x6FFFF;
	_ =	strace $0x9000004F  }
0xb3: {  	s29 =	simm.s32 $0x9;
	_ =	strace $0x80000051  }
0xb4: {  	_ =	swait.ge [sflag:s29], $0x1  }
0xb5: {  	[sflag:s29] =	ssyncadd.s32 $0xFFFFFFFF  }
0xb6: {  	_ =	strace $0x90000051  }
0xb7: {  	_ =	sfence  }
0xb8: {  	s30 =	sld [smem:$0x0];
	_ =	sdelay $0x2  }
0xb9: {  	s31 =	sshll.u32 s1, $0xD;
	s1 =	sshrl.u32 s1, $0x2  }
0xba: {  	s3 =	sand.u32 $0x4000, s31;
	s1 =	sadd.s32 s1, s30  }
0xbb: {  	s0 =	sor.u32 s3, s0;
	s1 =	sshll.u32 s1, $0x11  }
0xbc: {  	s0 =	sor.u32 s1, s0  }
0xbd: {  	s0 =	sadd.s32 $0x8F2B, s0  }
0xbe: {  	[sflag:s0] =	ssyncadd.remote.s32 $0x1  }
0xbf: {  	_ =	sfence.sel $0xFFFF  }
0xc0: {  	[dreg:$0x0] =	wrdreg $0xFFFFFFFF;
	(pc) =	sbr.abs _section_cstart, $3  }
0xc1: {  	[dreg:$0x1] =	wrdreg $0xFFFFFFFF  }
0xc2: {  	_ =	task.clear_ibuf [dreg:s7], $0x2FFFF;
	_ =	strace $0x9FFFFFFF  }
0xc3: {  	(tm) =	ssettm $0x7FFFFFFF  }
tec
execute0_lowered:
.L_overlay_start_1:
0x0: {  	(tag) =	ssettag $0x1  }
0x1: {  	s6 =	rddreg [dreg:$0x0];
	s0 =	stileid.u32  }
0x2: {  	s1 =	srdreg.scid;
	s11 =	rddreg [dreg:$0x1]  }
0x3: {  	s2 =	rddreg [dreg:$0x2];
	s3 =	simm.s32 $0x0;
	s16 =	simm.s32 $0x80  }
0x4: {  	s17 =	simm.s32 $0x1;
	s20 =	simm.s32 $0x0;
	s12 =	smul.u32 $0x9E0, s0  }
0x5: {  	s9 =	sand.u32 $0x1, s1;
	s1 =	rddreg [dreg:$0x3];
	s7 =	smul.u32 $0x13C00, s0  }
0x6: {  	[smem:$0x7FF] =	sst s3;
	s8 =	smul.u32 $0x4F000, s0;
	s4 =	sadd.s32 $0xE800, s6  }
0x7: {  	s18 =	sshll.u32 s0, $0x6;
	s5 =	smul.u32 $0x13C000, s9;
	_ =	strace $0x80000050  }
0x8: {  	s31 =	ssub.s32 $0x2, s9;
	s15 =	smul.u32 $0x4F0, s9;
	s18 =	sor.u32 $0x1C02, s18  }
0x9: {  	s13 =	sadd.s32 s12, s6;
	s8 =	sshrl.u32 s8, $0x2;
	s14 =	sshrl.u32 s31, $0x1  }
0xa: {  	s12 =	sadd.s32 s12, s11;
	s5 =	sadd.s32 s7, s5;
	s14 =	ssub.s32 s31, s14  }
0xb: {  	s12 =	sadd.s32 s15, s12;
	s13 =	sadd.s32 s15, s13;
	s15 =	simm.s32 $0x2  }
0xc: {  	s10 =	sshrl.u32 s5, $0x3;
	s5 =	sadd.s32 s8, s2;
	s11 =	smax.u32 s14, $0x1  }
0xd: {  	s13 =	sadd.s32 $0x4A00, s13;
	s14 =	simm.s32 $0x100;
	s10 =	sadd.s32 s10, s6  }
0xe: {  	s6 =	sadd.s32 $0x4000, s5;
	s7 =	sadd.s32 $0x8000, s5;
	s8 =	sadd.s32 $0xC000, s5  }
0xf: {  	v0 =	vimm.f32 $0.0e+00;
	s9 =	sadd.s32 $0x10000, s5;
	s19 =	sshrl.u32 s5, $0x3;
	s10 =	sadd.s32 $0x36000, s10  }
.LBB2_1:
0x10: {  	s21 =	simm.s32 $0x0;
	s22 =	simm.s32 $0x200  }
.LBB2_2:
0x11: {  	p0 =	sne.s32 s22, $0xFE00;
	[tilespmem:s21+$0x170] =	vst v0  }
0x12: {  	[tilespmem:s21+$0x100] =	vst v0  }
0x13: {  	[tilespmem:s21+$0x110] =	vst v0  }
.Ltmp0:
0x14: {  	[tilespmem:s21+$0x120] =	vst v0;
	(pc) =	sbr.rel @p0 .LBB2_2-.Ltmp0, $4  }
0x15: {  	[tilespmem:s21+$0x130] =	vst v0  }
0x16: {  	[tilespmem:s21+$0x140] =	vst v0  }
0x17: {  	[tilespmem:s21+$0x150] =	vst v0  }
0x18: {  	[tilespmem:s21+$0x160] =	vst v0;
	s21 =	sshra.s32 s22, $0x2;
	s22 =	sadd.s32 $0x200, s22  }
0x19: {  	[tilespmem:s21+$0x170] =	vst v0  }
0x1a: {  	[tilespmem:s21+$0x100] =	vst v0  }
0x1b: {  	[tilespmem:s21+$0x110] =	vst v0  }
0x1c: {  	[tilespmem:s21+$0x120] =	vst v0  }
0x1d: {  	[tilespmem:s21+$0x130] =	vst v0  }
0x1e: {  	[tilespmem:s21+$0x140] =	vst v0  }
0x1f: {  	[tilespmem:s21+$0x150] =	vst v0  }
0x20: {  	[tilespmem:s21+$0x160] =	vst v0  }
0x21: {  	[spmem:s5] =	stream.linear.scatter [tilespmem:s14], [sflag:$0x2], $0x4000, $0x38;
	[tilespmem:$0x17D00] =	vst v63  }
0x22: {  	_ =	swait.ge [sflag:s15], $0x4000  }
0x23: {  	[sflag:s15] =	ssyncset.done $0x0  }
0x24: {  	[sflag:s15] =	ssyncadd.s32 $0xFFFFC000  }
0x25: {  	[spmem:s6] =	stream.linear.scatter [tilespmem:s14], [sflag:$0x2], $0x4000, $0x38;
	[tilespmem:$0x17D00] =	vst v63  }
0x26: {  	_ =	swait.ge [sflag:s15], $0x4000  }
0x27: {  	[sflag:s15] =	ssyncset.done $0x0  }
0x28: {  	[sflag:s15] =	ssyncadd.s32 $0xFFFFC000  }
0x29: {  	[spmem:s7] =	stream.linear.scatter [tilespmem:s14], [sflag:$0x2], $0x4000, $0x38;
	[tilespmem:$0x17D00] =	vst v63  }
0x2a: {  	_ =	swait.ge [sflag:s15], $0x4000  }
0x2b: {  	[sflag:s15] =	ssyncset.done $0x0  }
0x2c: {  	[sflag:s15] =	ssyncadd.s32 $0xFFFFC000  }
0x2d: {  	[spmem:s8] =	stream.linear.scatter [tilespmem:s14], [sflag:$0x2], $0x4000, $0x38;
	[tilespmem:$0x17D00] =	vst v63  }
0x2e: {  	_ =	swait.ge [sflag:s15], $0x4000  }
0x2f: {  	[sflag:s15] =	ssyncset.done $0x0  }
0x30: {  	[sflag:s15] =	ssyncadd.s32 $0xFFFFC000  }
0x31: {  	[spmem:s9] =	stream.linear.scatter [tilespmem:s14], [sflag:$0x2], $0x3C00, $0x38;
	[tilespmem:$0x17D00] =	vst v63  }
0x32: {  	_ =	swait.ge [sflag:s15], $0x3C00  }
0x33: {  	[sflag:s15] =	ssyncset.done $0x0  }
0x34: {  	[sflag:s15] =	ssyncadd.s32 $0xFFFFC400  }
0x35: {  	s30 =	sadd.s32 $0x0, s13;
	[bflag:$0x0] =	sbarrier.arrive $0xFFFF  }
0x36: {  	[tilespmem:s3], [sflag:$0x2] =	stream.linear.gather [hbm4b:s30+s3], $0x80, $0x38;
	[tilespmem:$0x17D00] =	vst v63  }
0x37: {  	_ =	swait.ge [sflag:s15], $0x80  }
0x38: {  	[sflag:s15] =	ssyncset.done $0x0  }
0x39: {  	s31 =	sadd.s32 $0x0, s12;
	[sflag:s15] =	ssyncadd.s32 $0xFFFFFF80  }
0x3a: {  	[tilespmem:s16], [sflag:$0x2] =	stream.linear.gather [hbm4b:s31+s3], $0x80, $0x38;
	[tilespmem:$0x17D00] =	vst v63  }
0x3b: {  	_ =	swait.ge [sflag:s15], $0x80  }
0x3c: {  	[sflag:s15] =	ssyncset.done $0x0  }
0x3d: {  	[sflag:s15] =	ssyncadd.s32 $0xFFFFFF80  }
0x3e: {  	[tilespmem:s14], [sflag:$0x1] =	stream.indirect.gather [hbm4b:s4+s16], $0x80, s3, s16, $0xb8;
	[tilespmem:$0x17D00] =	vst v63  }
0x3f: {  	_ =	swait.ge [sflag:s17], $0x4000  }
0x40: {  	[sflag:s17] =	ssyncset.done $0x0  }
0x41: {  	[sflag:s17] =	ssyncadd.s32 $0xFFFFC000  }
0x42: {  	[spmem:s2] =	stream.indirect.scatter.add.f32 [tilespmem:s14], [sflag:$0x2], $0x80, s16, s16, $0xb8;
	[tilespmem:$0x17D00] =	vst v63  }
0x43: {  	_ =	swait.ge [sflag:s15], $0x4000  }
0x44: {  	s21 =	simm.s32 $0x10;
	s22 =	simm.s32 $0x20;
	[sflag:s15] =	ssyncset.done $0x0  }
.LBB2_4:
0x45: {  	s23 =	sadd.s32 s21, s13  }
0x46: {  	[sflag:s15] =	ssyncadd.s32 $0xFFFFC000;
	s24 =	smov.u32 s22;
	s25 =	sadd.s32 $0x10, s22  }
0x47: {  	[tilespmem:s3], [sflag:$0x2] =	stream.linear.gather [hbm4b:s23+s3], $0x80, $0x38;
	[tilespmem:$0x17D00] =	vst v63  }
0x48: {  	p0 =	sne.s32 s22, $0x4E0;
	_ =	swait.ge [sflag:s15], $0x80  }
0x49: {  	[sflag:s15] =	ssyncset.done $0x0  }
0x4a: {  	s22 =	sadd.s32 s21, s12;
	s21 =	smov.u32 s24;
	[sflag:s15] =	ssyncadd.s32 $0xFFFFFF80  }
0x4b: {  	[tilespmem:s16], [sflag:$0x2] =	stream.linear.gather [hbm4b:s22+s3], $0x80, $0x38;
	[tilespmem:$0x17D00] =	vst v63  }
0x4c: {  	_ =	swait.ge [sflag:s15], $0x80  }
0x4d: {  	[sflag:s15] =	ssyncset.done $0x0  }
0x4e: {  	[sflag:s15] =	ssyncadd.s32 $0xFFFFFF80  }
0x4f: {  	[tilespmem:s14], [sflag:$0x1] =	stream.indirect.gather [hbm4b:s4+s16], $0x80, s3, s16, $0xb8;
	[tilespmem:$0x17D00] =	vst v63  }
0x50: {  	_ =	swait.ge [sflag:s17], $0x4000  }
.Ltmp1:
0x51: {  	[sflag:s17] =	ssyncset.done $0x0;
	(pc) =	sbr.rel @p0 .LBB2_4-.Ltmp1, $4  }
0x52: {  	[sflag:s17] =	ssyncadd.s32 $0xFFFFC000  }
0x53: {  	[spmem:s2] =	stream.indirect.scatter.add.f32 [tilespmem:s14], [sflag:$0x2], $0x80, s16, s16, $0xb8;
	[tilespmem:$0x17D00] =	vst v63  }
0x54: {  	_ =	swait.ge [sflag:s15], $0x4000  }
0x55: {  	s22 =	smov.u32 s25;
	[sflag:s15] =	ssyncset.done $0x0  }
0x56: {  	s22 =	sadd.s32 s21, s13;
	[sflag:s15] =	ssyncadd.s32 $0xFFFFC000  }
0x57: {  	[tilespmem:s3], [sflag:$0x2] =	stream.linear.gather [hbm4b:s22+s3], $0x80, $0x38;
	[tilespmem:$0x17D00] =	vst v63  }
0x58: {  	_ =	swait.ge [sflag:s15], $0x80  }
0x59: {  	[sflag:s15] =	ssyncset.done $0x0  }
0x5a: {  	s31 =	sadd.s32 s21, s12;
	[sflag:s15] =	ssyncadd.s32 $0xFFFFFF80  }
0x5b: {  	[tilespmem:s16], [sflag:$0x2] =	stream.linear.gather [hbm4b:s31+s3], $0x80, $0x38;
	[tilespmem:$0x17D00] =	vst v63  }
0x5c: {  	_ =	swait.ge [sflag:s15], $0x80  }
0x5d: {  	[sflag:s15] =	ssyncset.done $0x0  }
0x5e: {  	[sflag:s15] =	ssyncadd.s32 $0xFFFFFF80  }
0x5f: {  	[tilespmem:s14], [sflag:$0x1] =	stream.indirect.gather [hbm4b:s4+s16], $0x80, s3, s16, $0xb8;
	[tilespmem:$0x17D00] =	vst v63  }
0x60: {  	_ =	swait.ge [sflag:s17], $0x4000  }
0x61: {  	[sflag:s17] =	ssyncset.done $0x0  }
0x62: {  	[sflag:s17] =	ssyncadd.s32 $0xFFFFC000  }
0x63: {  	[spmem:s2] =	stream.indirect.scatter.add.f32 [tilespmem:s14], [sflag:$0x2], $0x80, s16, s16, $0xb8;
	[tilespmem:$0x17D00] =	vst v63  }
0x64: {  	_ =	swait.ge [sflag:s15], $0x4000  }
0x65: {  	s20 =	sadd.s32 $0x1, s20;
	[sflag:s15] =	ssyncset.done $0x0  }
0x66: {  	p0 =	sne.s32 s20, s11;
	[sflag:s15] =	ssyncadd.s32 $0xFFFFC000  }
.Ltmp2:
0x67: {  	[bflag:$0x0] =	sbarrier.arrive $0xFFFF;
	(pc) =	sbr.rel @p0 .LBB2_1-.Ltmp2, $4  }
0x68: {  	[hbm:s10], [sflag:s18] =	dma.local [spmem:s19], $0x2780  }
0x69: {  	_ =	swait.ge [sflag:s15], $0x2780  }
0x6a: {  	[sflag:s15] =	ssyncset.done $0x0  }
0x6b: {  	[sflag:s15] =	ssyncadd.s32 $0xFFFFD880  }
0x6c: {  	_ =	sfence.sel $0x180000  }
0x6d: {  	[bflag:$0x0] =	sbarrier.arrive $0xFFFF  }
0x6e: {  	p0 =	sne.s32 s0, $0x0;
	_ =	strace $0x90000050  }
0x6f: {  	s0 =	sadd.s32 @!p0 $0x100000, s1;
	[bflag:$0x2] =	sbarrier.arrive $0xFFFF  }
0x70: {  	[sflag:s0] =	ssyncadd.tile.s32 @!p0 $0x1;
	_ =	shalt  }
.Lfunc_end2:
_tile_overlayer_lowered:
.L_overlay_start_2:
0x71: {  	(tag) =	ssettag $0x2  }
0x72: {  	s0 =	rddreg [dreg:$0x0];
	s2 =	stileid.u32  }
0x73: {  	s1 =	rddreg [dreg:$0x1];
	p0 =	sne.s32 s2, $0x0  }
0x74: {  	s3 =	rddreg [dreg:$0x2];
	[bflag:$0x3] =	sbarrier.arrive $0xFFFF;
	s2 =	simm.s32 @!p0 $0x1C02  }
0x75: {  	[timem:s3], [sflag:s2] =	dma.local @!p0 [hbm:s0], s1  }
0x76: {  	s0 =	simm.s32 @!p0 $0x2  }
0x77: {  	_ =	swait.ge @!p0 [sflag:s0], s1  }
0x78: {  	s1 =	ssub.s32 @!p0 $0x0, s1;
	[sflag:s0] =	ssyncset.done @!p0 $0x0  }
0x79: {  	[sflag:s0] =	ssyncadd.s32 @!p0 s1  }
0x7a: {  	[bflag:$0x3] =	sbarrier.arrive $0xFFFF  }
0x7b: {  	_ =	shalt  }

</sc_bundles>
